<compile_context>
chip_gen: v7x
topology: tpu7x:2x2x1
jax: 0.10.2.dev20260603
libtpu: 0.0.44.dev20260713+nightly
codegen_flags: <defaults>
</compile_context>

<pallas_src>
import dataclasses
import functools

import jax
import jax.numpy as jnp
from jax import lax
from jax.experimental import pallas as pl
from jax.experimental.pallas import tpu as pltpu
from jax.experimental.pallas import tpu_sc as plsc

B = 16384
L = 50
LP = 52
GR = 2 * LP
D = 32
NW = 32
IPW = B // NW
TOK_GROUPS = IPW // 2
ART_GROUPS = IPW // 128
NBUF = 4
TEXT_V = 10000
STAGE = TEXT_V // 16


def _sc_item_model(art_idx, tok_idx, artist_table, text_table):
    mesh = plsc.VectorSubcoreMesh(core_axis_name="c", subcore_axis_name="s")

    cp = pltpu.CompilerParams()
    if "needs_layout_passes" in pltpu.CompilerParams.__dataclass_fields__:
        cp = dataclasses.replace(cp, needs_layout_passes=False)
    if "use_tc_tiling_on_sc" in pltpu.CompilerParams.__dataclass_fields__:
        cp = dataclasses.replace(cp, use_tc_tiling_on_sc=False)

    @functools.partial(
        pl.kernel,
        compiler_params=cp,
        out_type=jax.ShapeDtypeStruct((B, 2 * D), jnp.float32),
        mesh=mesh,
        scratch_types=[
            pltpu.VMEM((TOK_GROUPS, GR), jnp.int32),
            pltpu.VMEM((ART_GROUPS, 128), jnp.int32),
            pltpu.VMEM((NBUF, GR, D), jnp.bfloat16),
            pltpu.VMEM((IPW, D), jnp.float32),
            pltpu.VMEM((IPW, 2 * D), jnp.float32),
            pltpu.VMEM((STAGE, D), jnp.bfloat16),
            pltpu.VMEM_SHARED((TEXT_V, D), jnp.bfloat16),
            pltpu.SemaphoreType.DMA((NBUF,)),
            pltpu.SemaphoreType.DMA,
        ],
    )
    def kern(art_hbm, tok_hbm, atab_hbm, ttab_hbm, out_hbm,
             tok_v, art_v, gring, abuf, obuf, stage_v, ttab_sh, gsem, asem):
        c = lax.axis_index("c")
        s = lax.axis_index("s")
        w = s * 2 + c

        pltpu.sync_copy(tok_hbm.at[pl.ds(w * TOK_GROUPS, TOK_GROUPS)], tok_v)
        pltpu.sync_copy(art_hbm.at[pl.ds(w * ART_GROUPS, ART_GROUPS)], art_v)

        for j in range(ART_GROUPS):
            pltpu.make_async_copy(atab_hbm.at[art_v.at[j]],
                                  abuf.at[pl.ds(j * 128, 128)], asem).start()

        off = s * STAGE
        pltpu.sync_copy(ttab_hbm.at[pl.ds(off, STAGE)], stage_v)
        pltpu.sync_copy(stage_v, ttab_sh.at[pl.ds(off, STAGE)])
        plsc.subcore_barrier()

        def fire(g, b):
            pltpu.make_async_copy(ttab_sh.at[tok_v.at[g]], gring.at[b],
                                  gsem.at[b]).start()

        def drain(b):
            pltpu.make_async_copy(ttab_sh.at[tok_v.at[0]], gring.at[b],
                                  gsem.at[b]).wait()

        for b in range(NBUF - 1):
            fire(b, b)
        for j in range(ART_GROUPS):
            pltpu.make_async_copy(atab_hbm.at[art_v.at[j]],
                                  abuf.at[pl.ds(j * 128, 128)], asem).wait()

        iota = lax.iota(jnp.int32, 16)

        def process(g, gbuf):
            for it in range(2):
                base = it * LP

                def body(i, accs):
                    a0, a1, a2, a3, b0, b1, b2, b3 = accs
                    r = base + 4 * i
                    lo0, hi0 = plsc.unpack(gbuf[r + 0, :],
                                           format=plsc.PackFormat.INTERLEAVED)
                    lo1, hi1 = plsc.unpack(gbuf[r + 1, :],
                                           format=plsc.PackFormat.INTERLEAVED)
                    lo2, hi2 = plsc.unpack(gbuf[r + 2, :],
                                           format=plsc.PackFormat.INTERLEAVED)
                    lo3, hi3 = plsc.unpack(gbuf[r + 3, :],
                                           format=plsc.PackFormat.INTERLEAVED)
                    a0 = a0 + lo0
                    a1 = a1 + lo1
                    a2 = a2 + lo2
                    a3 = a3 + lo3
                    b0 = b0 + hi0
                    b1 = b1 + hi1
                    b2 = b2 + hi2
                    b3 = b3 + hi3
                    return a0, a1, a2, a3, b0, b1, b2, b3

                z = jnp.zeros((16,), jnp.float32)
                a0, a1, a2, a3, b0, b1, b2, b3 = lax.fori_loop(
                    0, LP // 4, body, (z, z, z, z, z, z, z, z))
                sum_lo = (a0 + a1) + (a2 + a3)
                sum_hi = (b0 + b1) + (b2 + b3)

                if it == 0:
                    spans = ((0, None), (16, None), (32, None), (48, iota < 4))
                else:
                    spans = ((48, iota >= 4), (64, None), (80, None),
                             (88, iota >= 8))
                cvec = jnp.zeros((16,), jnp.int32)
                for k, cond in spans:
                    t = tok_v[g, pl.ds(k, 16)]
                    nz = (t != 0).astype(jnp.int32)
                    if cond is not None:
                        nz = jnp.where(cond, nz, 0)
                    cvec = cvec + nz
                cnt = jnp.maximum(jnp.sum(cvec).astype(jnp.float32), 1.0)

                item = g * 2 + it
                obuf[item, pl.ds(0, 16)] = abuf[item, pl.ds(0, 16)]
                obuf[item, pl.ds(16, 16)] = abuf[item, pl.ds(16, 16)]
                obuf[item, pl.ds(D, 16)] = sum_lo / cnt
                obuf[item, pl.ds(D + 16, 16)] = sum_hi / cnt

        @pl.loop(0, TOK_GROUPS, step=NBUF)
        def _(g):
            for b in range(NBUF):
                gg = g + b
                nxt = gg + (NBUF - 1)

                @pl.when(nxt < TOK_GROUPS)
                def _():
                    fire(nxt, (b + NBUF - 1) % NBUF)

                drain(b)
                process(gg, gring.at[b])

        pltpu.sync_copy(obuf, out_hbm.at[pl.ds(w * IPW, IPW)])

    return kern(art_idx, tok_idx, artist_table, text_table)


def kernel(artist_ids, genre_tokens, artist_table, text_table):
    tok = jnp.pad(genre_tokens, ((0, 0), (0, LP - L)))
    tok_idx = tok.reshape(B // 2, GR)
    art_idx = artist_ids.reshape(B // 128, 128)
    text_z = text_table.at[0].set(0.0)
    perm = jnp.arange(D).reshape(2, D // 2).T.reshape(-1)
    text_bf = text_z[:, perm].astype(jnp.bfloat16)
    return _sc_item_model(art_idx, tok_idx, artist_table, text_bf)

# --- scband reference (transcript-rebuilt; emitter-appended) ---
"""Pipeline reference for scband-item-model-29274497090112 (READ-ONLY COPY).

The authoritative reference and input builder live on the scoring server;
editing this copy changes nothing except your own understanding.
"""

import jax, jax.numpy as jnp
import numpy as np

NUM_ARTISTS = 100001  # len(unique_artist_ids) + 1 (OOV row)
TEXT_VOCAB = 10000    # max_tokens
DIM = 32
B = 16384
L = 50


def setup_inputs(seed: int = 0) -> dict:
    key = jax.random.key(seed)
    k1, k2, k3, k4 = jax.random.split(key, 4)
    # artist_ids: output of StringLookup, integer ids in [0, NUM_ARTISTS)
    artist_ids = jax.random.randint(k1, (B,), 0, NUM_ARTISTS, dtype=jnp.int32)
    # genre_tokens: output of TextVectorization, 0 is the padding/mask token
    genre_tokens = jax.random.randint(k2, (B, L), 0, TEXT_VOCAB, dtype=jnp.int32)
    artist_table = jax.random.normal(k3, (NUM_ARTISTS, DIM), dtype=jnp.float32) * 0.05
    text_table = jax.random.normal(k4, (TEXT_VOCAB, DIM), dtype=jnp.float32) * 0.05
    return {
        "artist_ids": artist_ids,
        "genre_tokens": genre_tokens,
        "artist_table": artist_table,
        "text_table": text_table,
    }


def reference(artist_ids, genre_tokens, artist_table, text_table):
    # artist_embedding: Embedding lookup on artist ids
    artist_emb = jnp.take(artist_table, artist_ids, axis=0)  # [B, DIM]
    # artist_text_embedding: Embedding(mask_zero=True) + GlobalAveragePooling1D (masked mean)
    tok_emb = jnp.take(text_table, genre_tokens, axis=0)  # [B, L, DIM]
    mask = (genre_tokens != 0).astype(tok_emb.dtype)  # [B, L]
    summed = jnp.sum(tok_emb * mask[..., None], axis=1)  # [B, DIM]
    count = jnp.maximum(jnp.sum(mask, axis=1, keepdims=True), 1.0)
    pooled = summed / count  # [B, DIM]
    return jnp.concatenate([artist_emb, pooled], axis=1)  # [B, 2*DIM]

if __name__ == "__main__":
    import jax
    _d = setup_inputs()
    print(jax.jit(kernel)(*tuple(_d.values())))

</pallas_src>

<mosaic_0001>
#map = affine_map<(d0, d1) -> (0, 0)>
module attributes {stable_mosaic.version = 14 : i64} {
  func.func @kern(%arg0: i32, %arg1: i32, %arg2: memref<128x128xi32, #tpu.memory_space<hbm>>, %arg3: memref<8192x104xi32, #tpu.memory_space<hbm>>, %arg4: memref<100001x32xf32, #tpu.memory_space<hbm>>, %arg5: memref<10000x32xbf16, #tpu.memory_space<hbm>>, %arg6: memref<16384x64xf32, #tpu.memory_space<hbm>>, %arg7: memref<256x104xi32, #tpu.memory_space<vmem>>, %arg8: memref<4x128xi32, #tpu.memory_space<vmem>>, %arg9: memref<4x104x32xbf16, #tpu.memory_space<vmem>>, %arg10: memref<512x32xf32, #tpu.memory_space<vmem>>, %arg11: memref<512x64xf32, #tpu.memory_space<vmem>>, %arg12: memref<625x32xbf16, #tpu.memory_space<vmem>>, %arg13: memref<10000x32xbf16, #tpu.memory_space<vmem_shared>>, %arg14: memref<4x!tpu.dma_semaphore, #tpu.memory_space<semaphore_mem>>, %arg15: memref<!tpu.dma_semaphore, #tpu.memory_space<semaphore_mem>>) attributes {dimension_semantics = [#tpu.dimension_semantics<core_parallel>, #tpu.dimension_semantics<subcore_parallel>], iteration_bounds = array<i64: 2, 16>, scalar_prefetch = 0 : i64, scratch_operands = 9 : i64, tpu.core_type = #tpu.core_type<sc_vector_subcore>, window_params = [{transform_indices = #map}, {transform_indices = #map}, {transform_indices = #map}, {transform_indices = #map}, {transform_indices = #map}]} {
    %mul3A = arith.constant 2 : i32
    %mul3A_0 = arith.muli %arg1, %mul3A : i32
    %add3A = arith.addi %mul3A_0, %arg0 : i32
    %mul3A_1 = arith.constant 256 : i32
    %mul3A_2 = arith.muli %add3A, %mul3A_1 : i32
    "tpu.region"() ({
      %run_scoped3A = tpu.sem_alloc : memref<!tpu.dma_semaphore, #tpu.memory_space<semaphore_mem>>
      %dma_start3A_136 = arith.constant 0 : i32
      %dma_start3A_137 = tpu.memref_slice %arg3[%mul3A_2, %dma_start3A_136] : memref<8192x104xi32, #tpu.memory_space<hbm>> -> memref<256x104xi32, #tpu.memory_space<hbm>>
      %dma_start3A_138 = arith.constant 0 : i32
      %dma_start3A_139 = tpu.memref_slice %arg3[%mul3A_2, %dma_start3A_138] : memref<8192x104xi32, #tpu.memory_space<hbm>> -> memref<256x104xi32, #tpu.memory_space<hbm>>
      tpu.enqueue_dma source(%dma_start3A_139 : memref<256x104xi32, #tpu.memory_space<hbm>>) target(%arg7 : memref<256x104xi32, #tpu.memory_space<vmem>>) target_semaphore(%run_scoped3A : memref<!tpu.dma_semaphore, #tpu.memory_space<semaphore_mem>>)
      %dma_wait3A_140 = arith.constant 0 : i32
      %dma_wait3A_141 = tpu.memref_slice %arg3[%mul3A_2, %dma_wait3A_140] : memref<8192x104xi32, #tpu.memory_space<hbm>> -> memref<256x104xi32, #tpu.memory_space<hbm>>
      %dma_wait3A_142 = arith.constant 0 : i32
      %dma_wait3A_143 = tpu.memref_slice %arg3[%mul3A_2, %dma_wait3A_142] : memref<8192x104xi32, #tpu.memory_space<hbm>> -> memref<256x104xi32, #tpu.memory_space<hbm>>
      tpu.wait_dma2 semaphore(%run_scoped3A : memref<!tpu.dma_semaphore, #tpu.memory_space<semaphore_mem>>) src(%dma_wait3A_143 : memref<256x104xi32, #tpu.memory_space<hbm>>) dst(%arg7 : memref<256x104xi32, #tpu.memory_space<vmem>>)
      tpu.yield
    }) : () -> ()
    %mul3A_3 = arith.constant 4 : i32
    %mul3A_4 = arith.muli %add3A, %mul3A_3 : i32
    "tpu.region"() ({
      %run_scoped3A = tpu.sem_alloc : memref<!tpu.dma_semaphore, #tpu.memory_space<semaphore_mem>>
      %dma_start3A_136 = arith.constant 0 : i32
      %dma_start3A_137 = tpu.memref_slice %arg2[%mul3A_4, %dma_start3A_136] : memref<128x128xi32, #tpu.memory_space<hbm>> -> memref<4x128xi32, #tpu.memory_space<hbm>>
      %dma_start3A_138 = arith.constant 0 : i32
      %dma_start3A_139 = tpu.memref_slice %arg2[%mul3A_4, %dma_start3A_138] : memref<128x128xi32, #tpu.memory_space<hbm>> -> memref<4x128xi32, #tpu.memory_space<hbm>>
      tpu.enqueue_dma source(%dma_start3A_139 : memref<4x128xi32, #tpu.memory_space<hbm>>) target(%arg8 : memref<4x128xi32, #tpu.memory_space<vmem>>) target_semaphore(%run_scoped3A : memref<!tpu.dma_semaphore, #tpu.memory_space<semaphore_mem>>)
      %dma_wait3A_140 = arith.constant 0 : i32
      %dma_wait3A_141 = tpu.memref_slice %arg2[%mul3A_4, %dma_wait3A_140] : memref<128x128xi32, #tpu.memory_space<hbm>> -> memref<4x128xi32, #tpu.memory_space<hbm>>
      %dma_wait3A_142 = arith.constant 0 : i32
      %dma_wait3A_143 = tpu.memref_slice %arg2[%mul3A_4, %dma_wait3A_142] : memref<128x128xi32, #tpu.memory_space<hbm>> -> memref<4x128xi32, #tpu.memory_space<hbm>>
      tpu.wait_dma2 semaphore(%run_scoped3A : memref<!tpu.dma_semaphore, #tpu.memory_space<semaphore_mem>>) src(%dma_wait3A_143 : memref<4x128xi32, #tpu.memory_space<hbm>>) dst(%arg8 : memref<4x128xi32, #tpu.memory_space<vmem>>)
      tpu.yield
    }) : () -> ()
    %dma_start3A = arith.constant 0 : i32
    %dma_start3A_5 = arith.constant 0 : i32
    %dma_start3A_6 = arith.constant 0 : i32
    %dma_start3A_7 = tpu.memref_slice %arg10[%dma_start3A_5, %dma_start3A_6] : memref<512x32xf32, #tpu.memory_space<vmem>> -> memref<128x32xf32, #tpu.memory_space<vmem>>
    %dma_start3A_8 = arith.constant 0 : i32
    %dma_start3A_9 = tpu.memref_slice %arg8[%dma_start3A, %dma_start3A_8] : memref<4x128xi32, #tpu.memory_space<vmem>> -> memref<1x128xi32, #tpu.memory_space<vmem>>
    %dma_start3A_10 = tpu.memref_squeeze %dma_start3A_9 : memref<1x128xi32, #tpu.memory_space<vmem>> -> memref<128xi32, #tpu.memory_space<vmem>>
    %dma_start3A_11 = arith.constant 0 : i32
    %dma_start3A_12 = arith.constant 0 : i32
    %dma_start3A_13 = tpu.memref_slice %arg4[%dma_start3A_11, %dma_start3A_12] : memref<100001x32xf32, #tpu.memory_space<hbm>> -> memref<100001x32xf32, #tpu.memory_space<hbm>>
    tpu.enqueue_indirect_dma source(%dma_start3A_13 : memref<100001x32xf32, #tpu.memory_space<hbm>>) target(%dma_start3A_7 : memref<128x32xf32, #tpu.memory_space<vmem>>) offsets(%dma_start3A_10 : memref<128xi32, #tpu.memory_space<vmem>>) semaphore(%arg15 : memref<!tpu.dma_semaphore, #tpu.memory_space<semaphore_mem>>)
    %dma_start3A_14 = arith.constant 1 : i32
    %dma_start3A_15 = arith.constant 128 : i32
    %dma_start3A_16 = arith.constant 0 : i32
    %dma_start3A_17 = tpu.memref_slice %arg10[%dma_start3A_15, %dma_start3A_16] : memref<512x32xf32, #tpu.memory_space<vmem>> -> memref<128x32xf32, #tpu.memory_space<vmem>>
    %dma_start3A_18 = arith.constant 0 : i32
    %dma_start3A_19 = tpu.memref_slice %arg8[%dma_start3A_14, %dma_start3A_18] : memref<4x128xi32, #tpu.memory_space<vmem>> -> memref<1x128xi32, #tpu.memory_space<vmem>>
    %dma_start3A_20 = tpu.memref_squeeze %dma_start3A_19 : memref<1x128xi32, #tpu.memory_space<vmem>> -> memref<128xi32, #tpu.memory_space<vmem>>
    %dma_start3A_21 = arith.constant 0 : i32
    %dma_start3A_22 = arith.constant 0 : i32
    %dma_start3A_23 = tpu.memref_slice %arg4[%dma_start3A_21, %dma_start3A_22] : memref<100001x32xf32, #tpu.memory_space<hbm>> -> memref<100001x32xf32, #tpu.memory_space<hbm>>
    tpu.enqueue_indirect_dma source(%dma_start3A_23 : memref<100001x32xf32, #tpu.memory_space<hbm>>) target(%dma_start3A_17 : memref<128x32xf32, #tpu.memory_space<vmem>>) offsets(%dma_start3A_20 : memref<128xi32, #tpu.memory_space<vmem>>) semaphore(%arg15 : memref<!tpu.dma_semaphore, #tpu.memory_space<semaphore_mem>>)
    %dma_start3A_24 = arith.constant 2 : i32
    %dma_start3A_25 = arith.constant 256 : i32
    %dma_start3A_26 = arith.constant 0 : i32
    %dma_start3A_27 = tpu.memref_slice %arg10[%dma_start3A_25, %dma_start3A_26] : memref<512x32xf32, #tpu.memory_space<vmem>> -> memref<128x32xf32, #tpu.memory_space<vmem>>
    %dma_start3A_28 = arith.constant 0 : i32
    %dma_start3A_29 = tpu.memref_slice %arg8[%dma_start3A_24, %dma_start3A_28] : memref<4x128xi32, #tpu.memory_space<vmem>> -> memref<1x128xi32, #tpu.memory_space<vmem>>
    %dma_start3A_30 = tpu.memref_squeeze %dma_start3A_29 : memref<1x128xi32, #tpu.memory_space<vmem>> -> memref<128xi32, #tpu.memory_space<vmem>>
    %dma_start3A_31 = arith.constant 0 : i32
    %dma_start3A_32 = arith.constant 0 : i32
    %dma_start3A_33 = tpu.memref_slice %arg4[%dma_start3A_31, %dma_start3A_32] : memref<100001x32xf32, #tpu.memory_space<hbm>> -> memref<100001x32xf32, #tpu.memory_space<hbm>>
    tpu.enqueue_indirect_dma source(%dma_start3A_33 : memref<100001x32xf32, #tpu.memory_space<hbm>>) target(%dma_start3A_27 : memref<128x32xf32, #tpu.memory_space<vmem>>) offsets(%dma_start3A_30 : memref<128xi32, #tpu.memory_space<vmem>>) semaphore(%arg15 : memref<!tpu.dma_semaphore, #tpu.memory_space<semaphore_mem>>)
    %dma_start3A_34 = arith.constant 3 : i32
    %dma_start3A_35 = arith.constant 384 : i32
    %dma_start3A_36 = arith.constant 0 : i32
    %dma_start3A_37 = tpu.memref_slice %arg10[%dma_start3A_35, %dma_start3A_36] : memref<512x32xf32, #tpu.memory_space<vmem>> -> memref<128x32xf32, #tpu.memory_space<vmem>>
    %dma_start3A_38 = arith.constant 0 : i32
    %dma_start3A_39 = tpu.memref_slice %arg8[%dma_start3A_34, %dma_start3A_38] : memref<4x128xi32, #tpu.memory_space<vmem>> -> memref<1x128xi32, #tpu.memory_space<vmem>>
    %dma_start3A_40 = tpu.memref_squeeze %dma_start3A_39 : memref<1x128xi32, #tpu.memory_space<vmem>> -> memref<128xi32, #tpu.memory_space<vmem>>
    %dma_start3A_41 = arith.constant 0 : i32
    %dma_start3A_42 = arith.constant 0 : i32
    %dma_start3A_43 = tpu.memref_slice %arg4[%dma_start3A_41, %dma_start3A_42] : memref<100001x32xf32, #tpu.memory_space<hbm>> -> memref<100001x32xf32, #tpu.memory_space<hbm>>
    tpu.enqueue_indirect_dma source(%dma_start3A_43 : memref<100001x32xf32, #tpu.memory_space<hbm>>) target(%dma_start3A_37 : memref<128x32xf32, #tpu.memory_space<vmem>>) offsets(%dma_start3A_40 : memref<128xi32, #tpu.memory_space<vmem>>) semaphore(%arg15 : memref<!tpu.dma_semaphore, #tpu.memory_space<semaphore_mem>>)
    %mul3A_44 = arith.constant 625 : i32
    %mul3A_45 = arith.muli %arg1, %mul3A_44 : i32
    "tpu.region"() ({
      %run_scoped3A = tpu.sem_alloc : memref<!tpu.dma_semaphore, #tpu.memory_space<semaphore_mem>>
      %dma_start3A_136 = arith.constant 0 : i32
      %dma_start3A_137 = tpu.memref_slice %arg5[%mul3A_45, %dma_start3A_136] : memref<10000x32xbf16, #tpu.memory_space<hbm>> -> memref<625x32xbf16, #tpu.memory_space<hbm>>
      %dma_start3A_138 = arith.constant 0 : i32
      %dma_start3A_139 = tpu.memref_slice %arg5[%mul3A_45, %dma_start3A_138] : memref<10000x32xbf16, #tpu.memory_space<hbm>> -> memref<625x32xbf16, #tpu.memory_space<hbm>>
      tpu.enqueue_dma source(%dma_start3A_139 : memref<625x32xbf16, #tpu.memory_space<hbm>>) target(%arg12 : memref<625x32xbf16, #tpu.memory_space<vmem>>) target_semaphore(%run_scoped3A : memref<!tpu.dma_semaphore, #tpu.memory_space<semaphore_mem>>)
      %dma_wait3A_140 = arith.constant 0 : i32
      %dma_wait3A_141 = tpu.memref_slice %arg5[%mul3A_45, %dma_wait3A_140] : memref<10000x32xbf16, #tpu.memory_space<hbm>> -> memref<625x32xbf16, #tpu.memory_space<hbm>>
      %dma_wait3A_142 = arith.constant 0 : i32
      %dma_wait3A_143 = tpu.memref_slice %arg5[%mul3A_45, %dma_wait3A_142] : memref<10000x32xbf16, #tpu.memory_space<hbm>> -> memref<625x32xbf16, #tpu.memory_space<hbm>>
      tpu.wait_dma2 semaphore(%run_scoped3A : memref<!tpu.dma_semaphore, #tpu.memory_space<semaphore_mem>>) src(%dma_wait3A_143 : memref<625x32xbf16, #tpu.memory_space<hbm>>) dst(%arg12 : memref<625x32xbf16, #tpu.memory_space<vmem>>)
      tpu.yield
    }) : () -> ()
    "tpu.region"() ({
      %run_scoped3A = tpu.sem_alloc : memref<!tpu.dma_semaphore, #tpu.memory_space<semaphore_mem>>
      %dma_start3A_136 = arith.constant 0 : i32
      %dma_start3A_137 = tpu.memref_slice %arg13[%mul3A_45, %dma_start3A_136] : memref<10000x32xbf16, #tpu.memory_space<vmem_shared>> -> memref<625x32xbf16, #tpu.memory_space<vmem_shared>>
      %dma_start3A_138 = arith.constant 0 : i32
      %dma_start3A_139 = tpu.memref_slice %arg13[%mul3A_45, %dma_start3A_138] : memref<10000x32xbf16, #tpu.memory_space<vmem_shared>> -> memref<625x32xbf16, #tpu.memory_space<vmem_shared>>
      tpu.enqueue_dma source(%arg12 : memref<625x32xbf16, #tpu.memory_space<vmem>>) target(%dma_start3A_139 : memref<625x32xbf16, #tpu.memory_space<vmem_shared>>) target_semaphore(%run_scoped3A : memref<!tpu.dma_semaphore, #tpu.memory_space<semaphore_mem>>)
      %dma_wait3A_140 = arith.constant 0 : i32
      %dma_wait3A_141 = tpu.memref_slice %arg13[%mul3A_45, %dma_wait3A_140] : memref<10000x32xbf16, #tpu.memory_space<vmem_shared>> -> memref<625x32xbf16, #tpu.memory_space<vmem_shared>>
      %dma_wait3A_142 = arith.constant 0 : i32
      %dma_wait3A_143 = tpu.memref_slice %arg13[%mul3A_45, %dma_wait3A_142] : memref<10000x32xbf16, #tpu.memory_space<vmem_shared>> -> memref<625x32xbf16, #tpu.memory_space<vmem_shared>>
      tpu.wait_dma2 semaphore(%run_scoped3A : memref<!tpu.dma_semaphore, #tpu.memory_space<semaphore_mem>>) src(%arg12 : memref<625x32xbf16, #tpu.memory_space<vmem>>) dst(%dma_wait3A_143 : memref<625x32xbf16, #tpu.memory_space<vmem_shared>>)
      tpu.yield
    }) : () -> ()
    %barrier3A = arith.constant 0 : index
    tpu.barrier barrier_id(%barrier3A)
    %dma_start3A_46 = arith.constant 0 : i32
    %dma_start3A_47 = arith.constant 0 : i32
    %dma_start3A_48 = arith.constant 0 : i32
    %dma_start3A_49 = arith.constant 0 : i32
    %dma_start3A_50 = arith.constant 0 : i32
    %dma_start3A_51 = tpu.memref_slice %arg9[%dma_start3A_47, %dma_start3A_49, %dma_start3A_50] : memref<4x104x32xbf16, #tpu.memory_space<vmem>> -> memref<1x104x32xbf16, #tpu.memory_space<vmem>>
    %dma_start3A_52 = tpu.memref_squeeze %dma_start3A_51 : memref<1x104x32xbf16, #tpu.memory_space<vmem>> -> memref<104x32xbf16, #tpu.memory_space<vmem>>
    %dma_start3A_53 = arith.constant 0 : i32
    %dma_start3A_54 = tpu.memref_slice %arg7[%dma_start3A_46, %dma_start3A_53] : memref<256x104xi32, #tpu.memory_space<vmem>> -> memref<1x104xi32, #tpu.memory_space<vmem>>
    %dma_start3A_55 = tpu.memref_squeeze %dma_start3A_54 : memref<1x104xi32, #tpu.memory_space<vmem>> -> memref<104xi32, #tpu.memory_space<vmem>>
    %dma_start3A_56 = arith.constant 0 : i32
    %dma_start3A_57 = arith.constant 0 : i32
    %dma_start3A_58 = tpu.memref_slice %arg13[%dma_start3A_56, %dma_start3A_57] : memref<10000x32xbf16, #tpu.memory_space<vmem_shared>> -> memref<10000x32xbf16, #tpu.memory_space<vmem_shared>>
    %dma_start3A_59 = tpu.memref_slice %arg14[%dma_start3A_48] : memref<4x!tpu.dma_semaphore, #tpu.memory_space<semaphore_mem>> -> memref<1x!tpu.dma_semaphore, #tpu.memory_space<semaphore_mem>>
    %dma_start3A_60 = tpu.memref_squeeze %dma_start3A_59 : memref<1x!tpu.dma_semaphore, #tpu.memory_space<semaphore_mem>> -> memref<!tpu.dma_semaphore, #tpu.memory_space<semaphore_mem>>
    tpu.enqueue_indirect_dma source(%dma_start3A_58 : memref<10000x32xbf16, #tpu.memory_space<vmem_shared>>) target(%dma_start3A_52 : memref<104x32xbf16, #tpu.memory_space<vmem>>) offsets(%dma_start3A_55 : memref<104xi32, #tpu.memory_space<vmem>>) semaphore(%dma_start3A_60 : memref<!tpu.dma_semaphore, #tpu.memory_space<semaphore_mem>>)
    %dma_start3A_61 = arith.constant 1 : i32
    %dma_start3A_62 = arith.constant 1 : i32
    %dma_start3A_63 = arith.constant 1 : i32
    %dma_start3A_64 = arith.constant 0 : i32
    %dma_start3A_65 = arith.constant 0 : i32
    %dma_start3A_66 = tpu.memref_slice %arg9[%dma_start3A_62, %dma_start3A_64, %dma_start3A_65] : memref<4x104x32xbf16, #tpu.memory_space<vmem>> -> memref<1x104x32xbf16, #tpu.memory_space<vmem>>
    %dma_start3A_67 = tpu.memref_squeeze %dma_start3A_66 : memref<1x104x32xbf16, #tpu.memory_space<vmem>> -> memref<104x32xbf16, #tpu.memory_space<vmem>>
    %dma_start3A_68 = arith.constant 0 : i32
    %dma_start3A_69 = tpu.memref_slice %arg7[%dma_start3A_61, %dma_start3A_68] : memref<256x104xi32, #tpu.memory_space<vmem>> -> memref<1x104xi32, #tpu.memory_space<vmem>>
    %dma_start3A_70 = tpu.memref_squeeze %dma_start3A_69 : memref<1x104xi32, #tpu.memory_space<vmem>> -> memref<104xi32, #tpu.memory_space<vmem>>
    %dma_start3A_71 = arith.constant 0 : i32
    %dma_start3A_72 = arith.constant 0 : i32
    %dma_start3A_73 = tpu.memref_slice %arg13[%dma_start3A_71, %dma_start3A_72] : memref<10000x32xbf16, #tpu.memory_space<vmem_shared>> -> memref<10000x32xbf16, #tpu.memory_space<vmem_shared>>
    %dma_start3A_74 = tpu.memref_slice %arg14[%dma_start3A_63] : memref<4x!tpu.dma_semaphore, #tpu.memory_space<semaphore_mem>> -> memref<1x!tpu.dma_semaphore, #tpu.memory_space<semaphore_mem>>
    %dma_start3A_75 = tpu.memref_squeeze %dma_start3A_74 : memref<1x!tpu.dma_semaphore, #tpu.memory_space<semaphore_mem>> -> memref<!tpu.dma_semaphore, #tpu.memory_space<semaphore_mem>>
    tpu.enqueue_indirect_dma source(%dma_start3A_73 : memref<10000x32xbf16, #tpu.memory_space<vmem_shared>>) target(%dma_start3A_67 : memref<104x32xbf16, #tpu.memory_space<vmem>>) offsets(%dma_start3A_70 : memref<104xi32, #tpu.memory_space<vmem>>) semaphore(%dma_start3A_75 : memref<!tpu.dma_semaphore, #tpu.memory_space<semaphore_mem>>)
    %dma_start3A_76 = arith.constant 2 : i32
    %dma_start3A_77 = arith.constant 2 : i32
    %dma_start3A_78 = arith.constant 2 : i32
    %dma_start3A_79 = arith.constant 0 : i32
    %dma_start3A_80 = arith.constant 0 : i32
    %dma_start3A_81 = tpu.memref_slice %arg9[%dma_start3A_77, %dma_start3A_79, %dma_start3A_80] : memref<4x104x32xbf16, #tpu.memory_space<vmem>> -> memref<1x104x32xbf16, #tpu.memory_space<vmem>>
    %dma_start3A_82 = tpu.memref_squeeze %dma_start3A_81 : memref<1x104x32xbf16, #tpu.memory_space<vmem>> -> memref<104x32xbf16, #tpu.memory_space<vmem>>
    %dma_start3A_83 = arith.constant 0 : i32
    %dma_start3A_84 = tpu.memref_slice %arg7[%dma_start3A_76, %dma_start3A_83] : memref<256x104xi32, #tpu.memory_space<vmem>> -> memref<1x104xi32, #tpu.memory_space<vmem>>
    %dma_start3A_85 = tpu.memref_squeeze %dma_start3A_84 : memref<1x104xi32, #tpu.memory_space<vmem>> -> memref<104xi32, #tpu.memory_space<vmem>>
    %dma_start3A_86 = arith.constant 0 : i32
    %dma_start3A_87 = arith.constant 0 : i32
    %dma_start3A_88 = tpu.memref_slice %arg13[%dma_start3A_86, %dma_start3A_87] : memref<10000x32xbf16, #tpu.memory_space<vmem_shared>> -> memref<10000x32xbf16, #tpu.memory_space<vmem_shared>>
    %dma_start3A_89 = tpu.memref_slice %arg14[%dma_start3A_78] : memref<4x!tpu.dma_semaphore, #tpu.memory_space<semaphore_mem>> -> memref<1x!tpu.dma_semaphore, #tpu.memory_space<semaphore_mem>>
    %dma_start3A_90 = tpu.memref_squeeze %dma_start3A_89 : memref<1x!tpu.dma_semaphore, #tpu.memory_space<semaphore_mem>> -> memref<!tpu.dma_semaphore, #tpu.memory_space<semaphore_mem>>
    tpu.enqueue_indirect_dma source(%dma_start3A_88 : memref<10000x32xbf16, #tpu.memory_space<vmem_shared>>) target(%dma_start3A_82 : memref<104x32xbf16, #tpu.memory_space<vmem>>) offsets(%dma_start3A_85 : memref<104xi32, #tpu.memory_space<vmem>>) semaphore(%dma_start3A_90 : memref<!tpu.dma_semaphore, #tpu.memory_space<semaphore_mem>>)
    %dma_wait3A = arith.constant 0 : i32
    %dma_wait3A_91 = arith.constant 0 : i32
    %dma_wait3A_92 = arith.constant 0 : i32
    %dma_wait3A_93 = tpu.memref_slice %arg10[%dma_wait3A_91, %dma_wait3A_92] : memref<512x32xf32, #tpu.memory_space<vmem>> -> memref<128x32xf32, #tpu.memory_space<vmem>>
    %dma_wait3A_94 = arith.constant 0 : i32
    %dma_wait3A_95 = tpu.memref_slice %arg8[%dma_wait3A, %dma_wait3A_94] : memref<4x128xi32, #tpu.memory_space<vmem>> -> memref<1x128xi32, #tpu.memory_space<vmem>>
    %dma_wait3A_96 = tpu.memref_squeeze %dma_wait3A_95 : memref<1x128xi32, #tpu.memory_space<vmem>> -> memref<128xi32, #tpu.memory_space<vmem>>
    %dma_wait3A_97 = arith.constant 0 : i32
    %dma_wait3A_98 = arith.constant 0 : i32
    %dma_wait3A_99 = tpu.memref_slice %arg4[%dma_wait3A_97, %dma_wait3A_98] : memref<100001x32xf32, #tpu.memory_space<hbm>> -> memref<100001x32xf32, #tpu.memory_space<hbm>>
    tpu.wait_indirect_dma semaphore(%arg15 : memref<!tpu.dma_semaphore, #tpu.memory_space<semaphore_mem>>) src(%dma_wait3A_99 : memref<100001x32xf32, #tpu.memory_space<hbm>>) dst(%dma_wait3A_93 : memref<128x32xf32, #tpu.memory_space<vmem>>)
    %dma_wait3A_100 = arith.constant 1 : i32
    %dma_wait3A_101 = arith.constant 128 : i32
    %dma_wait3A_102 = arith.constant 0 : i32
    %dma_wait3A_103 = tpu.memref_slice %arg10[%dma_wait3A_101, %dma_wait3A_102] : memref<512x32xf32, #tpu.memory_space<vmem>> -> memref<128x32xf32, #tpu.memory_space<vmem>>
    %dma_wait3A_104 = arith.constant 0 : i32
    %dma_wait3A_105 = tpu.memref_slice %arg8[%dma_wait3A_100, %dma_wait3A_104] : memref<4x128xi32, #tpu.memory_space<vmem>> -> memref<1x128xi32, #tpu.memory_space<vmem>>
    %dma_wait3A_106 = tpu.memref_squeeze %dma_wait3A_105 : memref<1x128xi32, #tpu.memory_space<vmem>> -> memref<128xi32, #tpu.memory_space<vmem>>
    %dma_wait3A_107 = arith.constant 0 : i32
    %dma_wait3A_108 = arith.constant 0 : i32
    %dma_wait3A_109 = tpu.memref_slice %arg4[%dma_wait3A_107, %dma_wait3A_108] : memref<100001x32xf32, #tpu.memory_space<hbm>> -> memref<100001x32xf32, #tpu.memory_space<hbm>>
    tpu.wait_indirect_dma semaphore(%arg15 : memref<!tpu.dma_semaphore, #tpu.memory_space<semaphore_mem>>) src(%dma_wait3A_109 : memref<100001x32xf32, #tpu.memory_space<hbm>>) dst(%dma_wait3A_103 : memref<128x32xf32, #tpu.memory_space<vmem>>)
    %dma_wait3A_110 = arith.constant 2 : i32
    %dma_wait3A_111 = arith.constant 256 : i32
    %dma_wait3A_112 = arith.constant 0 : i32
    %dma_wait3A_113 = tpu.memref_slice %arg10[%dma_wait3A_111, %dma_wait3A_112] : memref<512x32xf32, #tpu.memory_space<vmem>> -> memref<128x32xf32, #tpu.memory_space<vmem>>
    %dma_wait3A_114 = arith.constant 0 : i32
    %dma_wait3A_115 = tpu.memref_slice %arg8[%dma_wait3A_110, %dma_wait3A_114] : memref<4x128xi32, #tpu.memory_space<vmem>> -> memref<1x128xi32, #tpu.memory_space<vmem>>
    %dma_wait3A_116 = tpu.memref_squeeze %dma_wait3A_115 : memref<1x128xi32, #tpu.memory_space<vmem>> -> memref<128xi32, #tpu.memory_space<vmem>>
    %dma_wait3A_117 = arith.constant 0 : i32
    %dma_wait3A_118 = arith.constant 0 : i32
    %dma_wait3A_119 = tpu.memref_slice %arg4[%dma_wait3A_117, %dma_wait3A_118] : memref<100001x32xf32, #tpu.memory_space<hbm>> -> memref<100001x32xf32, #tpu.memory_space<hbm>>
    tpu.wait_indirect_dma semaphore(%arg15 : memref<!tpu.dma_semaphore, #tpu.memory_space<semaphore_mem>>) src(%dma_wait3A_119 : memref<100001x32xf32, #tpu.memory_space<hbm>>) dst(%dma_wait3A_113 : memref<128x32xf32, #tpu.memory_space<vmem>>)
    %dma_wait3A_120 = arith.constant 3 : i32
    %dma_wait3A_121 = arith.constant 384 : i32
    %dma_wait3A_122 = arith.constant 0 : i32
    %dma_wait3A_123 = tpu.memref_slice %arg10[%dma_wait3A_121, %dma_wait3A_122] : memref<512x32xf32, #tpu.memory_space<vmem>> -> memref<128x32xf32, #tpu.memory_space<vmem>>
    %dma_wait3A_124 = arith.constant 0 : i32
    %dma_wait3A_125 = tpu.memref_slice %arg8[%dma_wait3A_120, %dma_wait3A_124] : memref<4x128xi32, #tpu.memory_space<vmem>> -> memref<1x128xi32, #tpu.memory_space<vmem>>
    %dma_wait3A_126 = tpu.memref_squeeze %dma_wait3A_125 : memref<1x128xi32, #tpu.memory_space<vmem>> -> memref<128xi32, #tpu.memory_space<vmem>>
    %dma_wait3A_127 = arith.constant 0 : i32
    %dma_wait3A_128 = arith.constant 0 : i32
    %dma_wait3A_129 = tpu.memref_slice %arg4[%dma_wait3A_127, %dma_wait3A_128] : memref<100001x32xf32, #tpu.memory_space<hbm>> -> memref<100001x32xf32, #tpu.memory_space<hbm>>
    tpu.wait_indirect_dma semaphore(%arg15 : memref<!tpu.dma_semaphore, #tpu.memory_space<semaphore_mem>>) src(%dma_wait3A_129 : memref<100001x32xf32, #tpu.memory_space<hbm>>) dst(%dma_wait3A_123 : memref<128x32xf32, #tpu.memory_space<vmem>>)
    %iota3A = tpu.iota {dimensions = array<i32: 0>} : vector<16xi32>
    %scan3A = arith.constant 0 : i32
    %scan3A_130 = arith.constant 64 : i32
    %scan3A_131 = arith.addi %scan3A, %scan3A_130 : i32
    %scan3A_132 = arith.constant 1 : i32
    scf.for %scan3A_136 = %scan3A to %scan3A_131 step %scan3A_132  : i32 {
      %mul3A_137 = arith.constant 4 : i32
      %mul3A_138 = arith.muli %scan3A_136, %mul3A_137 : i32
      %add3A_139 = arith.constant 0 : i32
      %add3A_140 = arith.addi %add3A_139, %mul3A_138 : i32
      %add3A_141 = arith.constant 0 : i32
      %add3A_142 = arith.addi %add3A_140, %add3A_141 : i32
      %add3A_143 = arith.constant 3 : i32
      %add3A_144 = arith.addi %add3A_142, %add3A_143 : i32
      %lt3A = arith.constant 256 : i32
      %lt3A_145 = arith.cmpi slt, %add3A_144, %lt3A : i32
      %convert_element_type3A = arith.extui %lt3A_145 : i1 to i32
      %cond3A = arith.constant 0 : i32
      %cond3A_146 = arith.cmpi ne, %convert_element_type3A, %cond3A : i32
      scf.if %cond3A_146 {
        %dma_start3A_952 = arith.constant 3 : i32
        %dma_start3A_953 = arith.constant 3 : i32
        %dma_start3A_954 = arith.constant 0 : i32
        %dma_start3A_955 = arith.constant 0 : i32
        %dma_start3A_956 = tpu.memref_slice %arg9[%dma_start3A_952, %dma_start3A_954, %dma_start3A_955] : memref<4x104x32xbf16, #tpu.memory_space<vmem>> -> memref<1x104x32xbf16, #tpu.memory_space<vmem>>
        %dma_start3A_957 = tpu.memref_squeeze %dma_start3A_956 : memref<1x104x32xbf16, #tpu.memory_space<vmem>> -> memref<104x32xbf16, #tpu.memory_space<vmem>>
        %dma_start3A_958 = arith.constant 0 : i32
        %dma_start3A_959 = tpu.memref_slice %arg7[%add3A_144, %dma_start3A_958] : memref<256x104xi32, #tpu.memory_space<vmem>> -> memref<1x104xi32, #tpu.memory_space<vmem>>
        %dma_start3A_960 = tpu.memref_squeeze %dma_start3A_959 : memref<1x104xi32, #tpu.memory_space<vmem>> -> memref<104xi32, #tpu.memory_space<vmem>>
        %dma_start3A_961 = arith.constant 0 : i32
        %dma_start3A_962 = arith.constant 0 : i32
        %dma_start3A_963 = tpu.memref_slice %arg13[%dma_start3A_961, %dma_start3A_962] : memref<10000x32xbf16, #tpu.memory_space<vmem_shared>> -> memref<10000x32xbf16, #tpu.memory_space<vmem_shared>>
        %dma_start3A_964 = tpu.memref_slice %arg14[%dma_start3A_953] : memref<4x!tpu.dma_semaphore, #tpu.memory_space<semaphore_mem>> -> memref<1x!tpu.dma_semaphore, #tpu.memory_space<semaphore_mem>>
        %dma_start3A_965 = tpu.memref_squeeze %dma_start3A_964 : memref<1x!tpu.dma_semaphore, #tpu.memory_space<semaphore_mem>> -> memref<!tpu.dma_semaphore, #tpu.memory_space<semaphore_mem>>
        tpu.enqueue_indirect_dma source(%dma_start3A_963 : memref<10000x32xbf16, #tpu.memory_space<vmem_shared>>) target(%dma_start3A_957 : memref<104x32xbf16, #tpu.memory_space<vmem>>) offsets(%dma_start3A_960 : memref<104xi32, #tpu.memory_space<vmem>>) semaphore(%dma_start3A_965 : memref<!tpu.dma_semaphore, #tpu.memory_space<semaphore_mem>>)
      } else {
      }
      %dma_wait3A_147 = arith.constant 0 : i32
      %dma_wait3A_148 = arith.constant 0 : i32
      %dma_wait3A_149 = arith.constant 0 : i32
      %dma_wait3A_150 = arith.constant 0 : i32
      %dma_wait3A_151 = arith.constant 0 : i32
      %dma_wait3A_152 = tpu.memref_slice %arg9[%dma_wait3A_148, %dma_wait3A_150, %dma_wait3A_151] : memref<4x104x32xbf16, #tpu.memory_space<vmem>> -> memref<1x104x32xbf16, #tpu.memory_space<vmem>>
      %dma_wait3A_153 = tpu.memref_squeeze %dma_wait3A_152 : memref<1x104x32xbf16, #tpu.memory_space<vmem>> -> memref<104x32xbf16, #tpu.memory_space<vmem>>
      %dma_wait3A_154 = arith.constant 0 : i32
      %dma_wait3A_155 = tpu.memref_slice %arg7[%dma_wait3A_147, %dma_wait3A_154] : memref<256x104xi32, #tpu.memory_space<vmem>> -> memref<1x104xi32, #tpu.memory_space<vmem>>
      %dma_wait3A_156 = tpu.memref_squeeze %dma_wait3A_155 : memref<1x104xi32, #tpu.memory_space<vmem>> -> memref<104xi32, #tpu.memory_space<vmem>>
      %dma_wait3A_157 = arith.constant 0 : i32
      %dma_wait3A_158 = arith.constant 0 : i32
      %dma_wait3A_159 = tpu.memref_slice %arg13[%dma_wait3A_157, %dma_wait3A_158] : memref<10000x32xbf16, #tpu.memory_space<vmem_shared>> -> memref<10000x32xbf16, #tpu.memory_space<vmem_shared>>
      %dma_wait3A_160 = tpu.memref_slice %arg14[%dma_wait3A_149] : memref<4x!tpu.dma_semaphore, #tpu.memory_space<semaphore_mem>> -> memref<1x!tpu.dma_semaphore, #tpu.memory_space<semaphore_mem>>
      %dma_wait3A_161 = tpu.memref_squeeze %dma_wait3A_160 : memref<1x!tpu.dma_semaphore, #tpu.memory_space<semaphore_mem>> -> memref<!tpu.dma_semaphore, #tpu.memory_space<semaphore_mem>>
      tpu.wait_indirect_dma semaphore(%dma_wait3A_161 : memref<!tpu.dma_semaphore, #tpu.memory_space<semaphore_mem>>) src(%dma_wait3A_159 : memref<10000x32xbf16, #tpu.memory_space<vmem_shared>>) dst(%dma_wait3A_153 : memref<104x32xbf16, #tpu.memory_space<vmem>>)
      %broadcast_in_dim3A = arith.constant 0.000000e+00 : f32
      %broadcast_in_dim3A_162 = vector.broadcast %broadcast_in_dim3A : f32 to vector<16xf32>
      %scan3A_163 = arith.constant 0 : i32
      %scan3A_164 = arith.constant 0 : i32
      %scan3A_165 = arith.constant 13 : i32
      %scan3A_166 = arith.addi %scan3A_164, %scan3A_165 : i32
      %scan3A_167 = arith.constant 1 : i32
      %scan3A_168:8 = scf.for %scan3A_952 = %scan3A_164 to %scan3A_166 step %scan3A_167 iter_args(%scan3A_953 = %broadcast_in_dim3A_162, %scan3A_954 = %broadcast_in_dim3A_162, %scan3A_955 = %broadcast_in_dim3A_162, %scan3A_956 = %broadcast_in_dim3A_162, %scan3A_957 = %broadcast_in_dim3A_162, %scan3A_958 = %broadcast_in_dim3A_162, %scan3A_959 = %broadcast_in_dim3A_162, %scan3A_960 = %broadcast_in_dim3A_162) -> (vector<16xf32>, vector<16xf32>, vector<16xf32>, vector<16xf32>, vector<16xf32>, vector<16xf32>, vector<16xf32>, vector<16xf32>)  : i32 {
        %mul3A_961 = arith.constant 4 : i32
        %mul3A_962 = arith.muli %mul3A_961, %scan3A_952 : i32
        %add3A_963 = arith.constant 0 : i32
        %add3A_964 = arith.addi %add3A_963, %mul3A_962 : i32
        %add3A_965 = arith.constant 0 : i32
        %add3A_966 = arith.addi %add3A_964, %add3A_965 : i32
        %get3A_967 = arith.constant 0 : i32
        %get3A_968 = arith.constant 0 : i32
        %get3A_969 = tpu.memref_slice %arg9[%scan3A_163, %get3A_967, %get3A_968] : memref<4x104x32xbf16, #tpu.memory_space<vmem>> -> memref<1x104x32xbf16, #tpu.memory_space<vmem>>
        %get3A_970 = tpu.memref_squeeze %get3A_969 : memref<1x104x32xbf16, #tpu.memory_space<vmem>> -> memref<104x32xbf16, #tpu.memory_space<vmem>>
        %get3A_971 = arith.index_cast %add3A_966 : i32 to index
        %get3A_972 = arith.constant 0 : index
        %get3A_973 = tpu.vector_load %get3A_970[%get3A_971, %get3A_972] {strides = array<i32>} : memref<104x32xbf16, #tpu.memory_space<vmem>>, vector<32xbf16>,
        %unpack3A = tpu.unpack_subelements %get3A_973, 0 {pack_format = #tpu.pack_format<interleaved>} : vector<32xbf16> -> vector<16xf32>
        %unpack3A_974 = tpu.unpack_subelements %get3A_973, 1 {pack_format = #tpu.pack_format<interleaved>} : vector<32xbf16> -> vector<16xf32>
        %add3A_975 = arith.constant 1 : i32
        %add3A_976 = arith.addi %add3A_964, %add3A_975 : i32
        %get3A_977 = arith.constant 0 : i32
        %get3A_978 = arith.constant 0 : i32
        %get3A_979 = tpu.memref_slice %arg9[%scan3A_163, %get3A_977, %get3A_978] : memref<4x104x32xbf16, #tpu.memory_space<vmem>> -> memref<1x104x32xbf16, #tpu.memory_space<vmem>>
        %get3A_980 = tpu.memref_squeeze %get3A_979 : memref<1x104x32xbf16, #tpu.memory_space<vmem>> -> memref<104x32xbf16, #tpu.memory_space<vmem>>
        %get3A_981 = arith.index_cast %add3A_976 : i32 to index
        %get3A_982 = arith.constant 0 : index
        %get3A_983 = tpu.vector_load %get3A_980[%get3A_981, %get3A_982] {strides = array<i32>} : memref<104x32xbf16, #tpu.memory_space<vmem>>, vector<32xbf16>,
        %unpack3A_984 = tpu.unpack_subelements %get3A_983, 0 {pack_format = #tpu.pack_format<interleaved>} : vector<32xbf16> -> vector<16xf32>
        %unpack3A_985 = tpu.unpack_subelements %get3A_983, 1 {pack_format = #tpu.pack_format<interleaved>} : vector<32xbf16> -> vector<16xf32>
        %add3A_986 = arith.constant 2 : i32
        %add3A_987 = arith.addi %add3A_964, %add3A_986 : i32
        %get3A_988 = arith.constant 0 : i32
        %get3A_989 = arith.constant 0 : i32
        %get3A_990 = tpu.memref_slice %arg9[%scan3A_163, %get3A_988, %get3A_989] : memref<4x104x32xbf16, #tpu.memory_space<vmem>> -> memref<1x104x32xbf16, #tpu.memory_space<vmem>>
        %get3A_991 = tpu.memref_squeeze %get3A_990 : memref<1x104x32xbf16, #tpu.memory_space<vmem>> -> memref<104x32xbf16, #tpu.memory_space<vmem>>
        %get3A_992 = arith.index_cast %add3A_987 : i32 to index
        %get3A_993 = arith.constant 0 : index
        %get3A_994 = tpu.vector_load %get3A_991[%get3A_992, %get3A_993] {strides = array<i32>} : memref<104x32xbf16, #tpu.memory_space<vmem>>, vector<32xbf16>,
        %unpack3A_995 = tpu.unpack_subelements %get3A_994, 0 {pack_format = #tpu.pack_format<interleaved>} : vector<32xbf16> -> vector<16xf32>
        %unpack3A_996 = tpu.unpack_subelements %get3A_994, 1 {pack_format = #tpu.pack_format<interleaved>} : vector<32xbf16> -> vector<16xf32>
        %add3A_997 = arith.constant 3 : i32
        %add3A_998 = arith.addi %add3A_964, %add3A_997 : i32
        %get3A_999 = arith.constant 0 : i32
        %get3A_1000 = arith.constant 0 : i32
        %get3A_1001 = tpu.memref_slice %arg9[%scan3A_163, %get3A_999, %get3A_1000] : memref<4x104x32xbf16, #tpu.memory_space<vmem>> -> memref<1x104x32xbf16, #tpu.memory_space<vmem>>
        %get3A_1002 = tpu.memref_squeeze %get3A_1001 : memref<1x104x32xbf16, #tpu.memory_space<vmem>> -> memref<104x32xbf16, #tpu.memory_space<vmem>>
        %get3A_1003 = arith.index_cast %add3A_998 : i32 to index
        %get3A_1004 = arith.constant 0 : index
        %get3A_1005 = tpu.vector_load %get3A_1002[%get3A_1003, %get3A_1004] {strides = array<i32>} : memref<104x32xbf16, #tpu.memory_space<vmem>>, vector<32xbf16>,
        %unpack3A_1006 = tpu.unpack_subelements %get3A_1005, 0 {pack_format = #tpu.pack_format<interleaved>} : vector<32xbf16> -> vector<16xf32>
        %unpack3A_1007 = tpu.unpack_subelements %get3A_1005, 1 {pack_format = #tpu.pack_format<interleaved>} : vector<32xbf16> -> vector<16xf32>
        %add3A_1008 = arith.addf %scan3A_953, %unpack3A : vector<16xf32>
        %add3A_1009 = arith.addf %scan3A_954, %unpack3A_984 : vector<16xf32>
        %add3A_1010 = arith.addf %scan3A_955, %unpack3A_995 : vector<16xf32>
        %add3A_1011 = arith.addf %scan3A_956, %unpack3A_1006 : vector<16xf32>
        %add3A_1012 = arith.addf %scan3A_957, %unpack3A_974 : vector<16xf32>
        %add3A_1013 = arith.addf %scan3A_958, %unpack3A_985 : vector<16xf32>
        %add3A_1014 = arith.addf %scan3A_959, %unpack3A_996 : vector<16xf32>
        %add3A_1015 = arith.addf %scan3A_960, %unpack3A_1007 : vector<16xf32>
        scf.yield %add3A_1008, %add3A_1009, %add3A_1010, %add3A_1011, %add3A_1012, %add3A_1013, %add3A_1014, %add3A_1015 : vector<16xf32>, vector<16xf32>, vector<16xf32>, vector<16xf32>, vector<16xf32>, vector<16xf32>, vector<16xf32>, vector<16xf32>
      }
      %scan3A_169 = arith.constant 13 : i32
      %add3A_170 = arith.addf %scan3A_168#0, %scan3A_168#1 : vector<16xf32>
      %add3A_171 = arith.addf %scan3A_168#2, %scan3A_168#3 : vector<16xf32>
      %add3A_172 = arith.addf %add3A_170, %add3A_171 : vector<16xf32>
      %add3A_173 = arith.addf %scan3A_168#4, %scan3A_168#5 : vector<16xf32>
      %add3A_174 = arith.addf %scan3A_168#6, %scan3A_168#7 : vector<16xf32>
      %add3A_175 = arith.addf %add3A_173, %add3A_174 : vector<16xf32>
      %lt3A_176 = arith.constant 4 : i32
      %lt3A_177 = vector.broadcast %lt3A_176 : i32 to vector<16xi32>
      %lt3A_178 = arith.cmpi slt, %iota3A, %lt3A_177 : vector<16xi32>
      %broadcast_in_dim3A_179 = arith.constant 0 : i32
      %broadcast_in_dim3A_180 = vector.broadcast %broadcast_in_dim3A_179 : i32 to vector<16xi32>
      %get3A = arith.index_cast %add3A_142 : i32 to index
      %get3A_181 = arith.constant 0 : index
      %get3A_182 = tpu.vector_load %arg7[%get3A, %get3A_181] {strides = array<i32>} : memref<256x104xi32, #tpu.memory_space<vmem>>, vector<16xi32>,
      %ne3A = arith.constant 0 : i32
      %ne3A_183 = vector.broadcast %ne3A : i32 to vector<16xi32>
      %ne3A_184 = arith.cmpi ne, %get3A_182, %ne3A_183 : vector<16xi32>
      %convert_element_type3A_185 = arith.extui %ne3A_184 : vector<16xi1> to vector<16xi32>
      %add3A_186 = arith.addi %broadcast_in_dim3A_180, %convert_element_type3A_185 : vector<16xi32>
      %get3A_187 = arith.index_cast %add3A_142 : i32 to index
      %get3A_188 = arith.constant 16 : index
      %get3A_189 = tpu.vector_load %arg7[%get3A_187, %get3A_188] {strides = array<i32>} : memref<256x104xi32, #tpu.memory_space<vmem>>, vector<16xi32>,
      %ne3A_190 = arith.constant 0 : i32
      %ne3A_191 = vector.broadcast %ne3A_190 : i32 to vector<16xi32>
      %ne3A_192 = arith.cmpi ne, %get3A_189, %ne3A_191 : vector<16xi32>
      %convert_element_type3A_193 = arith.extui %ne3A_192 : vector<16xi1> to vector<16xi32>
      %add3A_194 = arith.addi %add3A_186, %convert_element_type3A_193 : vector<16xi32>
      %get3A_195 = arith.index_cast %add3A_142 : i32 to index
      %get3A_196 = arith.constant 32 : index
      %get3A_197 = tpu.vector_load %arg7[%get3A_195, %get3A_196] {strides = array<i32>} : memref<256x104xi32, #tpu.memory_space<vmem>>, vector<16xi32>,
      %ne3A_198 = arith.constant 0 : i32
      %ne3A_199 = vector.broadcast %ne3A_198 : i32 to vector<16xi32>
      %ne3A_200 = arith.cmpi ne, %get3A_197, %ne3A_199 : vector<16xi32>
      %convert_element_type3A_201 = arith.extui %ne3A_200 : vector<16xi1> to vector<16xi32>
      %add3A_202 = arith.addi %add3A_194, %convert_element_type3A_201 : vector<16xi32>
      %get3A_203 = arith.index_cast %add3A_142 : i32 to index
      %get3A_204 = arith.constant 48 : index
      %get3A_205 = tpu.vector_load %arg7[%get3A_203, %get3A_204] {strides = array<i32>} : memref<256x104xi32, #tpu.memory_space<vmem>>, vector<16xi32>,
      %ne3A_206 = arith.constant 0 : i32
      %ne3A_207 = vector.broadcast %ne3A_206 : i32 to vector<16xi32>
      %ne3A_208 = arith.cmpi ne, %get3A_205, %ne3A_207 : vector<16xi32>
      %convert_element_type3A_209 = arith.extui %ne3A_208 : vector<16xi1> to vector<16xi32>
      %jit3A = arith.constant 0 : i32
      %broadcast_in_dim3A_210 = vector.broadcast %jit3A : i32 to vector<16xi32>
      %select_n3A = arith.select %lt3A_178, %convert_element_type3A_209, %broadcast_in_dim3A_210 : vector<16xi1>, vector<16xi32>
      %add3A_211 = arith.addi %add3A_202, %select_n3A : vector<16xi32>
      %reduce_sum3A = arith.constant true
      %reduce_sum3A_212 = vector.broadcast %reduce_sum3A : i1 to vector<16xi1>
      %reduce_sum3A_213 = tpu.scan <sum>, %add3A_211 masked %reduce_sum3A_212 : vector<16xi32>, vector<16xi1> -> vector<16xi32>
      %reduce_sum3A_214 = vector.extract %reduce_sum3A_213[15] : i32 from vector<16xi32>
      %convert_element_type3A_215 = arith.sitofp %reduce_sum3A_214 : i32 to f32
      %max3A = arith.constant 1.000000e+00 : f32
      %max3A_216 = arith.maximumf %convert_element_type3A_215, %max3A : f32
      %mul3A_217 = arith.constant 2 : i32
      %mul3A_218 = arith.muli %add3A_142, %mul3A_217 : i32
      %add3A_219 = arith.constant 0 : i32
      %add3A_220 = arith.addi %mul3A_218, %add3A_219 : i32
      %get3A_221 = arith.index_cast %add3A_220 : i32 to index
      %get3A_222 = arith.constant 0 : index
      %get3A_223 = tpu.vector_load %arg10[%get3A_221, %get3A_222] {strides = array<i32>} : memref<512x32xf32, #tpu.memory_space<vmem>>, vector<16xf32>,
      %swap3A = arith.index_cast %add3A_220 : i32 to index
      %swap3A_224 = arith.constant 0 : index
      %swap3A_225 = tpu.vector_load %arg11[%swap3A, %swap3A_224] {strides = array<i32>} : memref<512x64xf32, #tpu.memory_space<vmem>>, vector<16xf32>,
      tpu.vector_store %arg11[%swap3A, %swap3A_224], %get3A_223 {strides = array<i32>} : memref<512x64xf32, #tpu.memory_space<vmem>>, vector<16xf32>,
      %get3A_226 = arith.index_cast %add3A_220 : i32 to index
      %get3A_227 = arith.constant 16 : index
      %get3A_228 = tpu.vector_load %arg10[%get3A_226, %get3A_227] {strides = array<i32>} : memref<512x32xf32, #tpu.memory_space<vmem>>, vector<16xf32>,
      %swap3A_229 = arith.index_cast %add3A_220 : i32 to index
      %swap3A_230 = arith.constant 16 : index
      %swap3A_231 = tpu.vector_load %arg11[%swap3A_229, %swap3A_230] {strides = array<i32>} : memref<512x64xf32, #tpu.memory_space<vmem>>, vector<16xf32>,
      tpu.vector_store %arg11[%swap3A_229, %swap3A_230], %get3A_228 {strides = array<i32>} : memref<512x64xf32, #tpu.memory_space<vmem>>, vector<16xf32>,
      %div3A = vector.broadcast %max3A_216 : f32 to vector<16xf32>
      %div3A_232 = arith.divf %add3A_172, %div3A : vector<16xf32>
      %swap3A_233 = arith.index_cast %add3A_220 : i32 to index
      %swap3A_234 = arith.constant 32 : index
      %swap3A_235 = tpu.vector_load %arg11[%swap3A_233, %swap3A_234] {strides = array<i32>} : memref<512x64xf32, #tpu.memory_space<vmem>>, vector<16xf32>,
      tpu.vector_store %arg11[%swap3A_233, %swap3A_234], %div3A_232 {strides = array<i32>} : memref<512x64xf32, #tpu.memory_space<vmem>>, vector<16xf32>,
      %div3A_236 = vector.broadcast %max3A_216 : f32 to vector<16xf32>
      %div3A_237 = arith.divf %add3A_175, %div3A_236 : vector<16xf32>
      %swap3A_238 = arith.index_cast %add3A_220 : i32 to index
      %swap3A_239 = arith.constant 48 : index
      %swap3A_240 = tpu.vector_load %arg11[%swap3A_238, %swap3A_239] {strides = array<i32>} : memref<512x64xf32, #tpu.memory_space<vmem>>, vector<16xf32>,
      tpu.vector_store %arg11[%swap3A_238, %swap3A_239], %div3A_237 {strides = array<i32>} : memref<512x64xf32, #tpu.memory_space<vmem>>, vector<16xf32>,
      %broadcast_in_dim3A_241 = arith.constant 0.000000e+00 : f32
      %broadcast_in_dim3A_242 = vector.broadcast %broadcast_in_dim3A_241 : f32 to vector<16xf32>
      %scan3A_243 = arith.constant 0 : i32
      %scan3A_244 = arith.constant 0 : i32
      %scan3A_245 = arith.constant 13 : i32
      %scan3A_246 = arith.addi %scan3A_244, %scan3A_245 : i32
      %scan3A_247 = arith.constant 1 : i32
      %scan3A_248:8 = scf.for %scan3A_952 = %scan3A_244 to %scan3A_246 step %scan3A_247 iter_args(%scan3A_953 = %broadcast_in_dim3A_242, %scan3A_954 = %broadcast_in_dim3A_242, %scan3A_955 = %broadcast_in_dim3A_242, %scan3A_956 = %broadcast_in_dim3A_242, %scan3A_957 = %broadcast_in_dim3A_242, %scan3A_958 = %broadcast_in_dim3A_242, %scan3A_959 = %broadcast_in_dim3A_242, %scan3A_960 = %broadcast_in_dim3A_242) -> (vector<16xf32>, vector<16xf32>, vector<16xf32>, vector<16xf32>, vector<16xf32>, vector<16xf32>, vector<16xf32>, vector<16xf32>)  : i32 {
        %mul3A_961 = arith.constant 4 : i32
        %mul3A_962 = arith.muli %mul3A_961, %scan3A_952 : i32
        %add3A_963 = arith.constant 52 : i32
        %add3A_964 = arith.addi %add3A_963, %mul3A_962 : i32
        %add3A_965 = arith.constant 0 : i32
        %add3A_966 = arith.addi %add3A_964, %add3A_965 : i32
        %get3A_967 = arith.constant 0 : i32
        %get3A_968 = arith.constant 0 : i32
        %get3A_969 = tpu.memref_slice %arg9[%scan3A_243, %get3A_967, %get3A_968] : memref<4x104x32xbf16, #tpu.memory_space<vmem>> -> memref<1x104x32xbf16, #tpu.memory_space<vmem>>
        %get3A_970 = tpu.memref_squeeze %get3A_969 : memref<1x104x32xbf16, #tpu.memory_space<vmem>> -> memref<104x32xbf16, #tpu.memory_space<vmem>>
        %get3A_971 = arith.index_cast %add3A_966 : i32 to index
        %get3A_972 = arith.constant 0 : index
        %get3A_973 = tpu.vector_load %get3A_970[%get3A_971, %get3A_972] {strides = array<i32>} : memref<104x32xbf16, #tpu.memory_space<vmem>>, vector<32xbf16>,
        %unpack3A = tpu.unpack_subelements %get3A_973, 0 {pack_format = #tpu.pack_format<interleaved>} : vector<32xbf16> -> vector<16xf32>
        %unpack3A_974 = tpu.unpack_subelements %get3A_973, 1 {pack_format = #tpu.pack_format<interleaved>} : vector<32xbf16> -> vector<16xf32>
        %add3A_975 = arith.constant 1 : i32
        %add3A_976 = arith.addi %add3A_964, %add3A_975 : i32
        %get3A_977 = arith.constant 0 : i32
        %get3A_978 = arith.constant 0 : i32
        %get3A_979 = tpu.memref_slice %arg9[%scan3A_243, %get3A_977, %get3A_978] : memref<4x104x32xbf16, #tpu.memory_space<vmem>> -> memref<1x104x32xbf16, #tpu.memory_space<vmem>>
        %get3A_980 = tpu.memref_squeeze %get3A_979 : memref<1x104x32xbf16, #tpu.memory_space<vmem>> -> memref<104x32xbf16, #tpu.memory_space<vmem>>
        %get3A_981 = arith.index_cast %add3A_976 : i32 to index
        %get3A_982 = arith.constant 0 : index
        %get3A_983 = tpu.vector_load %get3A_980[%get3A_981, %get3A_982] {strides = array<i32>} : memref<104x32xbf16, #tpu.memory_space<vmem>>, vector<32xbf16>,
        %unpack3A_984 = tpu.unpack_subelements %get3A_983, 0 {pack_format = #tpu.pack_format<interleaved>} : vector<32xbf16> -> vector<16xf32>
        %unpack3A_985 = tpu.unpack_subelements %get3A_983, 1 {pack_format = #tpu.pack_format<interleaved>} : vector<32xbf16> -> vector<16xf32>
        %add3A_986 = arith.constant 2 : i32
        %add3A_987 = arith.addi %add3A_964, %add3A_986 : i32
        %get3A_988 = arith.constant 0 : i32
        %get3A_989 = arith.constant 0 : i32
        %get3A_990 = tpu.memref_slice %arg9[%scan3A_243, %get3A_988, %get3A_989] : memref<4x104x32xbf16, #tpu.memory_space<vmem>> -> memref<1x104x32xbf16, #tpu.memory_space<vmem>>
        %get3A_991 = tpu.memref_squeeze %get3A_990 : memref<1x104x32xbf16, #tpu.memory_space<vmem>> -> memref<104x32xbf16, #tpu.memory_space<vmem>>
        %get3A_992 = arith.index_cast %add3A_987 : i32 to index
        %get3A_993 = arith.constant 0 : index
        %get3A_994 = tpu.vector_load %get3A_991[%get3A_992, %get3A_993] {strides = array<i32>} : memref<104x32xbf16, #tpu.memory_space<vmem>>, vector<32xbf16>,
        %unpack3A_995 = tpu.unpack_subelements %get3A_994, 0 {pack_format = #tpu.pack_format<interleaved>} : vector<32xbf16> -> vector<16xf32>
        %unpack3A_996 = tpu.unpack_subelements %get3A_994, 1 {pack_format = #tpu.pack_format<interleaved>} : vector<32xbf16> -> vector<16xf32>
        %add3A_997 = arith.constant 3 : i32
        %add3A_998 = arith.addi %add3A_964, %add3A_997 : i32
        %get3A_999 = arith.constant 0 : i32
        %get3A_1000 = arith.constant 0 : i32
        %get3A_1001 = tpu.memref_slice %arg9[%scan3A_243, %get3A_999, %get3A_1000] : memref<4x104x32xbf16, #tpu.memory_space<vmem>> -> memref<1x104x32xbf16, #tpu.memory_space<vmem>>
        %get3A_1002 = tpu.memref_squeeze %get3A_1001 : memref<1x104x32xbf16, #tpu.memory_space<vmem>> -> memref<104x32xbf16, #tpu.memory_space<vmem>>
        %get3A_1003 = arith.index_cast %add3A_998 : i32 to index
        %get3A_1004 = arith.constant 0 : index
        %get3A_1005 = tpu.vector_load %get3A_1002[%get3A_1003, %get3A_1004] {strides = array<i32>} : memref<104x32xbf16, #tpu.memory_space<vmem>>, vector<32xbf16>,
        %unpack3A_1006 = tpu.unpack_subelements %get3A_1005, 0 {pack_format = #tpu.pack_format<interleaved>} : vector<32xbf16> -> vector<16xf32>
        %unpack3A_1007 = tpu.unpack_subelements %get3A_1005, 1 {pack_format = #tpu.pack_format<interleaved>} : vector<32xbf16> -> vector<16xf32>
        %add3A_1008 = arith.addf %scan3A_953, %unpack3A : vector<16xf32>
        %add3A_1009 = arith.addf %scan3A_954, %unpack3A_984 : vector<16xf32>
        %add3A_1010 = arith.addf %scan3A_955, %unpack3A_995 : vector<16xf32>
        %add3A_1011 = arith.addf %scan3A_956, %unpack3A_1006 : vector<16xf32>
        %add3A_1012 = arith.addf %scan3A_957, %unpack3A_974 : vector<16xf32>
        %add3A_1013 = arith.addf %scan3A_958, %unpack3A_985 : vector<16xf32>
        %add3A_1014 = arith.addf %scan3A_959, %unpack3A_996 : vector<16xf32>
        %add3A_1015 = arith.addf %scan3A_960, %unpack3A_1007 : vector<16xf32>
        scf.yield %add3A_1008, %add3A_1009, %add3A_1010, %add3A_1011, %add3A_1012, %add3A_1013, %add3A_1014, %add3A_1015 : vector<16xf32>, vector<16xf32>, vector<16xf32>, vector<16xf32>, vector<16xf32>, vector<16xf32>, vector<16xf32>, vector<16xf32>
      }
      %scan3A_249 = arith.constant 13 : i32
      %add3A_250 = arith.addf %scan3A_248#0, %scan3A_248#1 : vector<16xf32>
      %add3A_251 = arith.addf %scan3A_248#2, %scan3A_248#3 : vector<16xf32>
      %add3A_252 = arith.addf %add3A_250, %add3A_251 : vector<16xf32>
      %add3A_253 = arith.addf %scan3A_248#4, %scan3A_248#5 : vector<16xf32>
      %add3A_254 = arith.addf %scan3A_248#6, %scan3A_248#7 : vector<16xf32>
      %add3A_255 = arith.addf %add3A_253, %add3A_254 : vector<16xf32>
      %ge3A = arith.constant 4 : i32
      %ge3A_256 = vector.broadcast %ge3A : i32 to vector<16xi32>
      %ge3A_257 = arith.cmpi sge, %iota3A, %ge3A_256 : vector<16xi32>
      %ge3A_258 = arith.constant 8 : i32
      %ge3A_259 = vector.broadcast %ge3A_258 : i32 to vector<16xi32>
      %ge3A_260 = arith.cmpi sge, %iota3A, %ge3A_259 : vector<16xi32>
      %broadcast_in_dim3A_261 = arith.constant 0 : i32
      %broadcast_in_dim3A_262 = vector.broadcast %broadcast_in_dim3A_261 : i32 to vector<16xi32>
      %get3A_263 = arith.index_cast %add3A_142 : i32 to index
      %get3A_264 = arith.constant 48 : index
      %get3A_265 = tpu.vector_load %arg7[%get3A_263, %get3A_264] {strides = array<i32>} : memref<256x104xi32, #tpu.memory_space<vmem>>, vector<16xi32>,
      %ne3A_266 = arith.constant 0 : i32
      %ne3A_267 = vector.broadcast %ne3A_266 : i32 to vector<16xi32>
      %ne3A_268 = arith.cmpi ne, %get3A_265, %ne3A_267 : vector<16xi32>
      %convert_element_type3A_269 = arith.extui %ne3A_268 : vector<16xi1> to vector<16xi32>
      %jit3A_270 = arith.constant 0 : i32
      %broadcast_in_dim3A_271 = vector.broadcast %jit3A_270 : i32 to vector<16xi32>
      %select_n3A_272 = arith.select %ge3A_257, %convert_element_type3A_269, %broadcast_in_dim3A_271 : vector<16xi1>, vector<16xi32>
      %add3A_273 = arith.addi %broadcast_in_dim3A_262, %select_n3A_272 : vector<16xi32>
      %get3A_274 = arith.index_cast %add3A_142 : i32 to index
      %get3A_275 = arith.constant 64 : index
      %get3A_276 = tpu.vector_load %arg7[%get3A_274, %get3A_275] {strides = array<i32>} : memref<256x104xi32, #tpu.memory_space<vmem>>, vector<16xi32>,
      %ne3A_277 = arith.constant 0 : i32
      %ne3A_278 = vector.broadcast %ne3A_277 : i32 to vector<16xi32>
      %ne3A_279 = arith.cmpi ne, %get3A_276, %ne3A_278 : vector<16xi32>
      %convert_element_type3A_280 = arith.extui %ne3A_279 : vector<16xi1> to vector<16xi32>
      %add3A_281 = arith.addi %add3A_273, %convert_element_type3A_280 : vector<16xi32>
      %get3A_282 = arith.index_cast %add3A_142 : i32 to index
      %get3A_283 = arith.constant 80 : index
      %get3A_284 = tpu.vector_load %arg7[%get3A_282, %get3A_283] {strides = array<i32>} : memref<256x104xi32, #tpu.memory_space<vmem>>, vector<16xi32>,
      %ne3A_285 = arith.constant 0 : i32
      %ne3A_286 = vector.broadcast %ne3A_285 : i32 to vector<16xi32>
      %ne3A_287 = arith.cmpi ne, %get3A_284, %ne3A_286 : vector<16xi32>
      %convert_element_type3A_288 = arith.extui %ne3A_287 : vector<16xi1> to vector<16xi32>
      %add3A_289 = arith.addi %add3A_281, %convert_element_type3A_288 : vector<16xi32>
      %get3A_290 = arith.index_cast %add3A_142 : i32 to index
      %get3A_291 = arith.constant 88 : index
      %get3A_292 = tpu.vector_load %arg7[%get3A_290, %get3A_291] {strides = array<i32>} : memref<256x104xi32, #tpu.memory_space<vmem>>, vector<16xi32>,
      %ne3A_293 = arith.constant 0 : i32
      %ne3A_294 = vector.broadcast %ne3A_293 : i32 to vector<16xi32>
      %ne3A_295 = arith.cmpi ne, %get3A_292, %ne3A_294 : vector<16xi32>
      %convert_element_type3A_296 = arith.extui %ne3A_295 : vector<16xi1> to vector<16xi32>
      %jit3A_297 = arith.constant 0 : i32
      %broadcast_in_dim3A_298 = vector.broadcast %jit3A_297 : i32 to vector<16xi32>
      %select_n3A_299 = arith.select %ge3A_260, %convert_element_type3A_296, %broadcast_in_dim3A_298 : vector<16xi1>, vector<16xi32>
      %add3A_300 = arith.addi %add3A_289, %select_n3A_299 : vector<16xi32>
      %reduce_sum3A_301 = arith.constant true
      %reduce_sum3A_302 = vector.broadcast %reduce_sum3A_301 : i1 to vector<16xi1>
      %reduce_sum3A_303 = tpu.scan <sum>, %add3A_300 masked %reduce_sum3A_302 : vector<16xi32>, vector<16xi1> -> vector<16xi32>
      %reduce_sum3A_304 = vector.extract %reduce_sum3A_303[15] : i32 from vector<16xi32>
      %convert_element_type3A_305 = arith.sitofp %reduce_sum3A_304 : i32 to f32
      %max3A_306 = arith.constant 1.000000e+00 : f32
      %max3A_307 = arith.maximumf %convert_element_type3A_305, %max3A_306 : f32
      %mul3A_308 = arith.constant 2 : i32
      %mul3A_309 = arith.muli %add3A_142, %mul3A_308 : i32
      %add3A_310 = arith.constant 1 : i32
      %add3A_311 = arith.addi %mul3A_309, %add3A_310 : i32
      %get3A_312 = arith.index_cast %add3A_311 : i32 to index
      %get3A_313 = arith.constant 0 : index
      %get3A_314 = tpu.vector_load %arg10[%get3A_312, %get3A_313] {strides = array<i32>} : memref<512x32xf32, #tpu.memory_space<vmem>>, vector<16xf32>,
      %swap3A_315 = arith.index_cast %add3A_311 : i32 to index
      %swap3A_316 = arith.constant 0 : index
      %swap3A_317 = tpu.vector_load %arg11[%swap3A_315, %swap3A_316] {strides = array<i32>} : memref<512x64xf32, #tpu.memory_space<vmem>>, vector<16xf32>,
      tpu.vector_store %arg11[%swap3A_315, %swap3A_316], %get3A_314 {strides = array<i32>} : memref<512x64xf32, #tpu.memory_space<vmem>>, vector<16xf32>,
      %get3A_318 = arith.index_cast %add3A_311 : i32 to index
      %get3A_319 = arith.constant 16 : index
      %get3A_320 = tpu.vector_load %arg10[%get3A_318, %get3A_319] {strides = array<i32>} : memref<512x32xf32, #tpu.memory_space<vmem>>, vector<16xf32>,
      %swap3A_321 = arith.index_cast %add3A_311 : i32 to index
      %swap3A_322 = arith.constant 16 : index
      %swap3A_323 = tpu.vector_load %arg11[%swap3A_321, %swap3A_322] {strides = array<i32>} : memref<512x64xf32, #tpu.memory_space<vmem>>, vector<16xf32>,
      tpu.vector_store %arg11[%swap3A_321, %swap3A_322], %get3A_320 {strides = array<i32>} : memref<512x64xf32, #tpu.memory_space<vmem>>, vector<16xf32>,
      %div3A_324 = vector.broadcast %max3A_307 : f32 to vector<16xf32>
      %div3A_325 = arith.divf %add3A_252, %div3A_324 : vector<16xf32>
      %swap3A_326 = arith.index_cast %add3A_311 : i32 to index
      %swap3A_327 = arith.constant 32 : index
      %swap3A_328 = tpu.vector_load %arg11[%swap3A_326, %swap3A_327] {strides = array<i32>} : memref<512x64xf32, #tpu.memory_space<vmem>>, vector<16xf32>,
      tpu.vector_store %arg11[%swap3A_326, %swap3A_327], %div3A_325 {strides = array<i32>} : memref<512x64xf32, #tpu.memory_space<vmem>>, vector<16xf32>,
      %div3A_329 = vector.broadcast %max3A_307 : f32 to vector<16xf32>
      %div3A_330 = arith.divf %add3A_255, %div3A_329 : vector<16xf32>
      %swap3A_331 = arith.index_cast %add3A_311 : i32 to index
      %swap3A_332 = arith.constant 48 : index
      %swap3A_333 = tpu.vector_load %arg11[%swap3A_331, %swap3A_332] {strides = array<i32>} : memref<512x64xf32, #tpu.memory_space<vmem>>, vector<16xf32>,
      tpu.vector_store %arg11[%swap3A_331, %swap3A_332], %div3A_330 {strides = array<i32>} : memref<512x64xf32, #tpu.memory_space<vmem>>, vector<16xf32>,
      %add3A_334 = arith.constant 1 : i32
      %add3A_335 = arith.addi %add3A_140, %add3A_334 : i32
      %add3A_336 = arith.constant 3 : i32
      %add3A_337 = arith.addi %add3A_335, %add3A_336 : i32
      %lt3A_338 = arith.constant 256 : i32
      %lt3A_339 = arith.cmpi slt, %add3A_337, %lt3A_338 : i32
      %convert_element_type3A_340 = arith.extui %lt3A_339 : i1 to i32
      %cond3A_341 = arith.constant 0 : i32
      %cond3A_342 = arith.cmpi ne, %convert_element_type3A_340, %cond3A_341 : i32
      scf.if %cond3A_342 {
        %dma_start3A_952 = arith.constant 0 : i32
        %dma_start3A_953 = arith.constant 0 : i32
        %dma_start3A_954 = arith.constant 0 : i32
        %dma_start3A_955 = arith.constant 0 : i32
        %dma_start3A_956 = tpu.memref_slice %arg9[%dma_start3A_952, %dma_start3A_954, %dma_start3A_955] : memref<4x104x32xbf16, #tpu.memory_space<vmem>> -> memref<1x104x32xbf16, #tpu.memory_space<vmem>>
        %dma_start3A_957 = tpu.memref_squeeze %dma_start3A_956 : memref<1x104x32xbf16, #tpu.memory_space<vmem>> -> memref<104x32xbf16, #tpu.memory_space<vmem>>
        %dma_start3A_958 = arith.constant 0 : i32
        %dma_start3A_959 = tpu.memref_slice %arg7[%add3A_337, %dma_start3A_958] : memref<256x104xi32, #tpu.memory_space<vmem>> -> memref<1x104xi32, #tpu.memory_space<vmem>>
        %dma_start3A_960 = tpu.memref_squeeze %dma_start3A_959 : memref<1x104xi32, #tpu.memory_space<vmem>> -> memref<104xi32, #tpu.memory_space<vmem>>
        %dma_start3A_961 = arith.constant 0 : i32
        %dma_start3A_962 = arith.constant 0 : i32
        %dma_start3A_963 = tpu.memref_slice %arg13[%dma_start3A_961, %dma_start3A_962] : memref<10000x32xbf16, #tpu.memory_space<vmem_shared>> -> memref<10000x32xbf16, #tpu.memory_space<vmem_shared>>
        %dma_start3A_964 = tpu.memref_slice %arg14[%dma_start3A_953] : memref<4x!tpu.dma_semaphore, #tpu.memory_space<semaphore_mem>> -> memref<1x!tpu.dma_semaphore, #tpu.memory_space<semaphore_mem>>
        %dma_start3A_965 = tpu.memref_squeeze %dma_start3A_964 : memref<1x!tpu.dma_semaphore, #tpu.memory_space<semaphore_mem>> -> memref<!tpu.dma_semaphore, #tpu.memory_space<semaphore_mem>>
        tpu.enqueue_indirect_dma source(%dma_start3A_963 : memref<10000x32xbf16, #tpu.memory_space<vmem_shared>>) target(%dma_start3A_957 : memref<104x32xbf16, #tpu.memory_space<vmem>>) offsets(%dma_start3A_960 : memref<104xi32, #tpu.memory_space<vmem>>) semaphore(%dma_start3A_965 : memref<!tpu.dma_semaphore, #tpu.memory_space<semaphore_mem>>)
      } else {
      }
      %dma_wait3A_343 = arith.constant 0 : i32
      %dma_wait3A_344 = arith.constant 1 : i32
      %dma_wait3A_345 = arith.constant 1 : i32
      %dma_wait3A_346 = arith.constant 0 : i32
      %dma_wait3A_347 = arith.constant 0 : i32
      %dma_wait3A_348 = tpu.memref_slice %arg9[%dma_wait3A_344, %dma_wait3A_346, %dma_wait3A_347] : memref<4x104x32xbf16, #tpu.memory_space<vmem>> -> memref<1x104x32xbf16, #tpu.memory_space<vmem>>
      %dma_wait3A_349 = tpu.memref_squeeze %dma_wait3A_348 : memref<1x104x32xbf16, #tpu.memory_space<vmem>> -> memref<104x32xbf16, #tpu.memory_space<vmem>>
      %dma_wait3A_350 = arith.constant 0 : i32
      %dma_wait3A_351 = tpu.memref_slice %arg7[%dma_wait3A_343, %dma_wait3A_350] : memref<256x104xi32, #tpu.memory_space<vmem>> -> memref<1x104xi32, #tpu.memory_space<vmem>>
      %dma_wait3A_352 = tpu.memref_squeeze %dma_wait3A_351 : memref<1x104xi32, #tpu.memory_space<vmem>> -> memref<104xi32, #tpu.memory_space<vmem>>
      %dma_wait3A_353 = arith.constant 0 : i32
      %dma_wait3A_354 = arith.constant 0 : i32
      %dma_wait3A_355 = tpu.memref_slice %arg13[%dma_wait3A_353, %dma_wait3A_354] : memref<10000x32xbf16, #tpu.memory_space<vmem_shared>> -> memref<10000x32xbf16, #tpu.memory_space<vmem_shared>>
      %dma_wait3A_356 = tpu.memref_slice %arg14[%dma_wait3A_345] : memref<4x!tpu.dma_semaphore, #tpu.memory_space<semaphore_mem>> -> memref<1x!tpu.dma_semaphore, #tpu.memory_space<semaphore_mem>>
      %dma_wait3A_357 = tpu.memref_squeeze %dma_wait3A_356 : memref<1x!tpu.dma_semaphore, #tpu.memory_space<semaphore_mem>> -> memref<!tpu.dma_semaphore, #tpu.memory_space<semaphore_mem>>
      tpu.wait_indirect_dma semaphore(%dma_wait3A_357 : memref<!tpu.dma_semaphore, #tpu.memory_space<semaphore_mem>>) src(%dma_wait3A_355 : memref<10000x32xbf16, #tpu.memory_space<vmem_shared>>) dst(%dma_wait3A_349 : memref<104x32xbf16, #tpu.memory_space<vmem>>)
      %broadcast_in_dim3A_358 = arith.constant 0.000000e+00 : f32
      %broadcast_in_dim3A_359 = vector.broadcast %broadcast_in_dim3A_358 : f32 to vector<16xf32>
      %scan3A_360 = arith.constant 1 : i32
      %scan3A_361 = arith.constant 0 : i32
      %scan3A_362 = arith.constant 13 : i32
      %scan3A_363 = arith.addi %scan3A_361, %scan3A_362 : i32
      %scan3A_364 = arith.constant 1 : i32
      %scan3A_365:8 = scf.for %scan3A_952 = %scan3A_361 to %scan3A_363 step %scan3A_364 iter_args(%scan3A_953 = %broadcast_in_dim3A_359, %scan3A_954 = %broadcast_in_dim3A_359, %scan3A_955 = %broadcast_in_dim3A_359, %scan3A_956 = %broadcast_in_dim3A_359, %scan3A_957 = %broadcast_in_dim3A_359, %scan3A_958 = %broadcast_in_dim3A_359, %scan3A_959 = %broadcast_in_dim3A_359, %scan3A_960 = %broadcast_in_dim3A_359) -> (vector<16xf32>, vector<16xf32>, vector<16xf32>, vector<16xf32>, vector<16xf32>, vector<16xf32>, vector<16xf32>, vector<16xf32>)  : i32 {
        %mul3A_961 = arith.constant 4 : i32
        %mul3A_962 = arith.muli %mul3A_961, %scan3A_952 : i32
        %add3A_963 = arith.constant 0 : i32
        %add3A_964 = arith.addi %add3A_963, %mul3A_962 : i32
        %add3A_965 = arith.constant 0 : i32
        %add3A_966 = arith.addi %add3A_964, %add3A_965 : i32
        %get3A_967 = arith.constant 0 : i32
        %get3A_968 = arith.constant 0 : i32
        %get3A_969 = tpu.memref_slice %arg9[%scan3A_360, %get3A_967, %get3A_968] : memref<4x104x32xbf16, #tpu.memory_space<vmem>> -> memref<1x104x32xbf16, #tpu.memory_space<vmem>>
        %get3A_970 = tpu.memref_squeeze %get3A_969 : memref<1x104x32xbf16, #tpu.memory_space<vmem>> -> memref<104x32xbf16, #tpu.memory_space<vmem>>
        %get3A_971 = arith.index_cast %add3A_966 : i32 to index
        %get3A_972 = arith.constant 0 : index
        %get3A_973 = tpu.vector_load %get3A_970[%get3A_971, %get3A_972] {strides = array<i32>} : memref<104x32xbf16, #tpu.memory_space<vmem>>, vector<32xbf16>,
        %unpack3A = tpu.unpack_subelements %get3A_973, 0 {pack_format = #tpu.pack_format<interleaved>} : vector<32xbf16> -> vector<16xf32>
        %unpack3A_974 = tpu.unpack_subelements %get3A_973, 1 {pack_format = #tpu.pack_format<interleaved>} : vector<32xbf16> -> vector<16xf32>
        %add3A_975 = arith.constant 1 : i32
        %add3A_976 = arith.addi %add3A_964, %add3A_975 : i32
        %get3A_977 = arith.constant 0 : i32
        %get3A_978 = arith.constant 0 : i32
        %get3A_979 = tpu.memref_slice %arg9[%scan3A_360, %get3A_977, %get3A_978] : memref<4x104x32xbf16, #tpu.memory_space<vmem>> -> memref<1x104x32xbf16, #tpu.memory_space<vmem>>
        %get3A_980 = tpu.memref_squeeze %get3A_979 : memref<1x104x32xbf16, #tpu.memory_space<vmem>> -> memref<104x32xbf16, #tpu.memory_space<vmem>>
        %get3A_981 = arith.index_cast %add3A_976 : i32 to index
        %get3A_982 = arith.constant 0 : index
        %get3A_983 = tpu.vector_load %get3A_980[%get3A_981, %get3A_982] {strides = array<i32>} : memref<104x32xbf16, #tpu.memory_space<vmem>>, vector<32xbf16>,
        %unpack3A_984 = tpu.unpack_subelements %get3A_983, 0 {pack_format = #tpu.pack_format<interleaved>} : vector<32xbf16> -> vector<16xf32>
        %unpack3A_985 = tpu.unpack_subelements %get3A_983, 1 {pack_format = #tpu.pack_format<interleaved>} : vector<32xbf16> -> vector<16xf32>
        %add3A_986 = arith.constant 2 : i32
        %add3A_987 = arith.addi %add3A_964, %add3A_986 : i32
        %get3A_988 = arith.constant 0 : i32
        %get3A_989 = arith.constant 0 : i32
        %get3A_990 = tpu.memref_slice %arg9[%scan3A_360, %get3A_988, %get3A_989] : memref<4x104x32xbf16, #tpu.memory_space<vmem>> -> memref<1x104x32xbf16, #tpu.memory_space<vmem>>
        %get3A_991 = tpu.memref_squeeze %get3A_990 : memref<1x104x32xbf16, #tpu.memory_space<vmem>> -> memref<104x32xbf16, #tpu.memory_space<vmem>>
        %get3A_992 = arith.index_cast %add3A_987 : i32 to index
        %get3A_993 = arith.constant 0 : index
        %get3A_994 = tpu.vector_load %get3A_991[%get3A_992, %get3A_993] {strides = array<i32>} : memref<104x32xbf16, #tpu.memory_space<vmem>>, vector<32xbf16>,
        %unpack3A_995 = tpu.unpack_subelements %get3A_994, 0 {pack_format = #tpu.pack_format<interleaved>} : vector<32xbf16> -> vector<16xf32>
        %unpack3A_996 = tpu.unpack_subelements %get3A_994, 1 {pack_format = #tpu.pack_format<interleaved>} : vector<32xbf16> -> vector<16xf32>
        %add3A_997 = arith.constant 3 : i32
        %add3A_998 = arith.addi %add3A_964, %add3A_997 : i32
        %get3A_999 = arith.constant 0 : i32
        %get3A_1000 = arith.constant 0 : i32
        %get3A_1001 = tpu.memref_slice %arg9[%scan3A_360, %get3A_999, %get3A_1000] : memref<4x104x32xbf16, #tpu.memory_space<vmem>> -> memref<1x104x32xbf16, #tpu.memory_space<vmem>>
        %get3A_1002 = tpu.memref_squeeze %get3A_1001 : memref<1x104x32xbf16, #tpu.memory_space<vmem>> -> memref<104x32xbf16, #tpu.memory_space<vmem>>
        %get3A_1003 = arith.index_cast %add3A_998 : i32 to index
        %get3A_1004 = arith.constant 0 : index
        %get3A_1005 = tpu.vector_load %get3A_1002[%get3A_1003, %get3A_1004] {strides = array<i32>} : memref<104x32xbf16, #tpu.memory_space<vmem>>, vector<32xbf16>,
        %unpack3A_1006 = tpu.unpack_subelements %get3A_1005, 0 {pack_format = #tpu.pack_format<interleaved>} : vector<32xbf16> -> vector<16xf32>
        %unpack3A_1007 = tpu.unpack_subelements %get3A_1005, 1 {pack_format = #tpu.pack_format<interleaved>} : vector<32xbf16> -> vector<16xf32>
        %add3A_1008 = arith.addf %scan3A_953, %unpack3A : vector<16xf32>
        %add3A_1009 = arith.addf %scan3A_954, %unpack3A_984 : vector<16xf32>
        %add3A_1010 = arith.addf %scan3A_955, %unpack3A_995 : vector<16xf32>
        %add3A_1011 = arith.addf %scan3A_956, %unpack3A_1006 : vector<16xf32>
        %add3A_1012 = arith.addf %scan3A_957, %unpack3A_974 : vector<16xf32>
        %add3A_1013 = arith.addf %scan3A_958, %unpack3A_985 : vector<16xf32>
        %add3A_1014 = arith.addf %scan3A_959, %unpack3A_996 : vector<16xf32>
        %add3A_1015 = arith.addf %scan3A_960, %unpack3A_1007 : vector<16xf32>
        scf.yield %add3A_1008, %add3A_1009, %add3A_1010, %add3A_1011, %add3A_1012, %add3A_1013, %add3A_1014, %add3A_1015 : vector<16xf32>, vector<16xf32>, vector<16xf32>, vector<16xf32>, vector<16xf32>, vector<16xf32>, vector<16xf32>, vector<16xf32>
      }
      %scan3A_366 = arith.constant 13 : i32
      %add3A_367 = arith.addf %scan3A_365#0, %scan3A_365#1 : vector<16xf32>
      %add3A_368 = arith.addf %scan3A_365#2, %scan3A_365#3 : vector<16xf32>
      %add3A_369 = arith.addf %add3A_367, %add3A_368 : vector<16xf32>
      %add3A_370 = arith.addf %scan3A_365#4, %scan3A_365#5 : vector<16xf32>
      %add3A_371 = arith.addf %scan3A_365#6, %scan3A_365#7 : vector<16xf32>
      %add3A_372 = arith.addf %add3A_370, %add3A_371 : vector<16xf32>
      %lt3A_373 = arith.constant 4 : i32
      %lt3A_374 = vector.broadcast %lt3A_373 : i32 to vector<16xi32>
      %lt3A_375 = arith.cmpi slt, %iota3A, %lt3A_374 : vector<16xi32>
      %broadcast_in_dim3A_376 = arith.constant 0 : i32
      %broadcast_in_dim3A_377 = vector.broadcast %broadcast_in_dim3A_376 : i32 to vector<16xi32>
      %get3A_378 = arith.index_cast %add3A_335 : i32 to index
      %get3A_379 = arith.constant 0 : index
      %get3A_380 = tpu.vector_load %arg7[%get3A_378, %get3A_379] {strides = array<i32>} : memref<256x104xi32, #tpu.memory_space<vmem>>, vector<16xi32>,
      %ne3A_381 = arith.constant 0 : i32
      %ne3A_382 = vector.broadcast %ne3A_381 : i32 to vector<16xi32>
      %ne3A_383 = arith.cmpi ne, %get3A_380, %ne3A_382 : vector<16xi32>
      %convert_element_type3A_384 = arith.extui %ne3A_383 : vector<16xi1> to vector<16xi32>
      %add3A_385 = arith.addi %broadcast_in_dim3A_377, %convert_element_type3A_384 : vector<16xi32>
      %get3A_386 = arith.index_cast %add3A_335 : i32 to index
      %get3A_387 = arith.constant 16 : index
      %get3A_388 = tpu.vector_load %arg7[%get3A_386, %get3A_387] {strides = array<i32>} : memref<256x104xi32, #tpu.memory_space<vmem>>, vector<16xi32>,
      %ne3A_389 = arith.constant 0 : i32
      %ne3A_390 = vector.broadcast %ne3A_389 : i32 to vector<16xi32>
      %ne3A_391 = arith.cmpi ne, %get3A_388, %ne3A_390 : vector<16xi32>
      %convert_element_type3A_392 = arith.extui %ne3A_391 : vector<16xi1> to vector<16xi32>
      %add3A_393 = arith.addi %add3A_385, %convert_element_type3A_392 : vector<16xi32>
      %get3A_394 = arith.index_cast %add3A_335 : i32 to index
      %get3A_395 = arith.constant 32 : index
      %get3A_396 = tpu.vector_load %arg7[%get3A_394, %get3A_395] {strides = array<i32>} : memref<256x104xi32, #tpu.memory_space<vmem>>, vector<16xi32>,
      %ne3A_397 = arith.constant 0 : i32
      %ne3A_398 = vector.broadcast %ne3A_397 : i32 to vector<16xi32>
      %ne3A_399 = arith.cmpi ne, %get3A_396, %ne3A_398 : vector<16xi32>
      %convert_element_type3A_400 = arith.extui %ne3A_399 : vector<16xi1> to vector<16xi32>
      %add3A_401 = arith.addi %add3A_393, %convert_element_type3A_400 : vector<16xi32>
      %get3A_402 = arith.index_cast %add3A_335 : i32 to index
      %get3A_403 = arith.constant 48 : index
      %get3A_404 = tpu.vector_load %arg7[%get3A_402, %get3A_403] {strides = array<i32>} : memref<256x104xi32, #tpu.memory_space<vmem>>, vector<16xi32>,
      %ne3A_405 = arith.constant 0 : i32
      %ne3A_406 = vector.broadcast %ne3A_405 : i32 to vector<16xi32>
      %ne3A_407 = arith.cmpi ne, %get3A_404, %ne3A_406 : vector<16xi32>
      %convert_element_type3A_408 = arith.extui %ne3A_407 : vector<16xi1> to vector<16xi32>
      %jit3A_409 = arith.constant 0 : i32
      %broadcast_in_dim3A_410 = vector.broadcast %jit3A_409 : i32 to vector<16xi32>
      %select_n3A_411 = arith.select %lt3A_375, %convert_element_type3A_408, %broadcast_in_dim3A_410 : vector<16xi1>, vector<16xi32>
      %add3A_412 = arith.addi %add3A_401, %select_n3A_411 : vector<16xi32>
      %reduce_sum3A_413 = arith.constant true
      %reduce_sum3A_414 = vector.broadcast %reduce_sum3A_413 : i1 to vector<16xi1>
      %reduce_sum3A_415 = tpu.scan <sum>, %add3A_412 masked %reduce_sum3A_414 : vector<16xi32>, vector<16xi1> -> vector<16xi32>
      %reduce_sum3A_416 = vector.extract %reduce_sum3A_415[15] : i32 from vector<16xi32>
      %convert_element_type3A_417 = arith.sitofp %reduce_sum3A_416 : i32 to f32
      %max3A_418 = arith.constant 1.000000e+00 : f32
      %max3A_419 = arith.maximumf %convert_element_type3A_417, %max3A_418 : f32
      %mul3A_420 = arith.constant 2 : i32
      %mul3A_421 = arith.muli %add3A_335, %mul3A_420 : i32
      %add3A_422 = arith.constant 0 : i32
      %add3A_423 = arith.addi %mul3A_421, %add3A_422 : i32
      %get3A_424 = arith.index_cast %add3A_423 : i32 to index
      %get3A_425 = arith.constant 0 : index
      %get3A_426 = tpu.vector_load %arg10[%get3A_424, %get3A_425] {strides = array<i32>} : memref<512x32xf32, #tpu.memory_space<vmem>>, vector<16xf32>,
      %swap3A_427 = arith.index_cast %add3A_423 : i32 to index
      %swap3A_428 = arith.constant 0 : index
      %swap3A_429 = tpu.vector_load %arg11[%swap3A_427, %swap3A_428] {strides = array<i32>} : memref<512x64xf32, #tpu.memory_space<vmem>>, vector<16xf32>,
      tpu.vector_store %arg11[%swap3A_427, %swap3A_428], %get3A_426 {strides = array<i32>} : memref<512x64xf32, #tpu.memory_space<vmem>>, vector<16xf32>,
      %get3A_430 = arith.index_cast %add3A_423 : i32 to index
      %get3A_431 = arith.constant 16 : index
      %get3A_432 = tpu.vector_load %arg10[%get3A_430, %get3A_431] {strides = array<i32>} : memref<512x32xf32, #tpu.memory_space<vmem>>, vector<16xf32>,
      %swap3A_433 = arith.index_cast %add3A_423 : i32 to index
      %swap3A_434 = arith.constant 16 : index
      %swap3A_435 = tpu.vector_load %arg11[%swap3A_433, %swap3A_434] {strides = array<i32>} : memref<512x64xf32, #tpu.memory_space<vmem>>, vector<16xf32>,
      tpu.vector_store %arg11[%swap3A_433, %swap3A_434], %get3A_432 {strides = array<i32>} : memref<512x64xf32, #tpu.memory_space<vmem>>, vector<16xf32>,
      %div3A_436 = vector.broadcast %max3A_419 : f32 to vector<16xf32>
      %div3A_437 = arith.divf %add3A_369, %div3A_436 : vector<16xf32>
      %swap3A_438 = arith.index_cast %add3A_423 : i32 to index
      %swap3A_439 = arith.constant 32 : index
      %swap3A_440 = tpu.vector_load %arg11[%swap3A_438, %swap3A_439] {strides = array<i32>} : memref<512x64xf32, #tpu.memory_space<vmem>>, vector<16xf32>,
      tpu.vector_store %arg11[%swap3A_438, %swap3A_439], %div3A_437 {strides = array<i32>} : memref<512x64xf32, #tpu.memory_space<vmem>>, vector<16xf32>,
      %div3A_441 = vector.broadcast %max3A_419 : f32 to vector<16xf32>
      %div3A_442 = arith.divf %add3A_372, %div3A_441 : vector<16xf32>
      %swap3A_443 = arith.index_cast %add3A_423 : i32 to index
      %swap3A_444 = arith.constant 48 : index
      %swap3A_445 = tpu.vector_load %arg11[%swap3A_443, %swap3A_444] {strides = array<i32>} : memref<512x64xf32, #tpu.memory_space<vmem>>, vector<16xf32>,
      tpu.vector_store %arg11[%swap3A_443, %swap3A_444], %div3A_442 {strides = array<i32>} : memref<512x64xf32, #tpu.memory_space<vmem>>, vector<16xf32>,
      %broadcast_in_dim3A_446 = arith.constant 0.000000e+00 : f32
      %broadcast_in_dim3A_447 = vector.broadcast %broadcast_in_dim3A_446 : f32 to vector<16xf32>
      %scan3A_448 = arith.constant 1 : i32
      %scan3A_449 = arith.constant 0 : i32
      %scan3A_450 = arith.constant 13 : i32
      %scan3A_451 = arith.addi %scan3A_449, %scan3A_450 : i32
      %scan3A_452 = arith.constant 1 : i32
      %scan3A_453:8 = scf.for %scan3A_952 = %scan3A_449 to %scan3A_451 step %scan3A_452 iter_args(%scan3A_953 = %broadcast_in_dim3A_447, %scan3A_954 = %broadcast_in_dim3A_447, %scan3A_955 = %broadcast_in_dim3A_447, %scan3A_956 = %broadcast_in_dim3A_447, %scan3A_957 = %broadcast_in_dim3A_447, %scan3A_958 = %broadcast_in_dim3A_447, %scan3A_959 = %broadcast_in_dim3A_447, %scan3A_960 = %broadcast_in_dim3A_447) -> (vector<16xf32>, vector<16xf32>, vector<16xf32>, vector<16xf32>, vector<16xf32>, vector<16xf32>, vector<16xf32>, vector<16xf32>)  : i32 {
        %mul3A_961 = arith.constant 4 : i32
        %mul3A_962 = arith.muli %mul3A_961, %scan3A_952 : i32
        %add3A_963 = arith.constant 52 : i32
        %add3A_964 = arith.addi %add3A_963, %mul3A_962 : i32
        %add3A_965 = arith.constant 0 : i32
        %add3A_966 = arith.addi %add3A_964, %add3A_965 : i32
        %get3A_967 = arith.constant 0 : i32
        %get3A_968 = arith.constant 0 : i32
        %get3A_969 = tpu.memref_slice %arg9[%scan3A_448, %get3A_967, %get3A_968] : memref<4x104x32xbf16, #tpu.memory_space<vmem>> -> memref<1x104x32xbf16, #tpu.memory_space<vmem>>
        %get3A_970 = tpu.memref_squeeze %get3A_969 : memref<1x104x32xbf16, #tpu.memory_space<vmem>> -> memref<104x32xbf16, #tpu.memory_space<vmem>>
        %get3A_971 = arith.index_cast %add3A_966 : i32 to index
        %get3A_972 = arith.constant 0 : index
        %get3A_973 = tpu.vector_load %get3A_970[%get3A_971, %get3A_972] {strides = array<i32>} : memref<104x32xbf16, #tpu.memory_space<vmem>>, vector<32xbf16>,
        %unpack3A = tpu.unpack_subelements %get3A_973, 0 {pack_format = #tpu.pack_format<interleaved>} : vector<32xbf16> -> vector<16xf32>
        %unpack3A_974 = tpu.unpack_subelements %get3A_973, 1 {pack_format = #tpu.pack_format<interleaved>} : vector<32xbf16> -> vector<16xf32>
        %add3A_975 = arith.constant 1 : i32
        %add3A_976 = arith.addi %add3A_964, %add3A_975 : i32
        %get3A_977 = arith.constant 0 : i32
        %get3A_978 = arith.constant 0 : i32
        %get3A_979 = tpu.memref_slice %arg9[%scan3A_448, %get3A_977, %get3A_978] : memref<4x104x32xbf16, #tpu.memory_space<vmem>> -> memref<1x104x32xbf16, #tpu.memory_space<vmem>>
        %get3A_980 = tpu.memref_squeeze %get3A_979 : memref<1x104x32xbf16, #tpu.memory_space<vmem>> -> memref<104x32xbf16, #tpu.memory_space<vmem>>
        %get3A_981 = arith.index_cast %add3A_976 : i32 to index
        %get3A_982 = arith.constant 0 : index
        %get3A_983 = tpu.vector_load %get3A_980[%get3A_981, %get3A_982] {strides = array<i32>} : memref<104x32xbf16, #tpu.memory_space<vmem>>, vector<32xbf16>,
        %unpack3A_984 = tpu.unpack_subelements %get3A_983, 0 {pack_format = #tpu.pack_format<interleaved>} : vector<32xbf16> -> vector<16xf32>
        %unpack3A_985 = tpu.unpack_subelements %get3A_983, 1 {pack_format = #tpu.pack_format<interleaved>} : vector<32xbf16> -> vector<16xf32>
        %add3A_986 = arith.constant 2 : i32
        %add3A_987 = arith.addi %add3A_964, %add3A_986 : i32
        %get3A_988 = arith.constant 0 : i32
        %get3A_989 = arith.constant 0 : i32
        %get3A_990 = tpu.memref_slice %arg9[%scan3A_448, %get3A_988, %get3A_989] : memref<4x104x32xbf16, #tpu.memory_space<vmem>> -> memref<1x104x32xbf16, #tpu.memory_space<vmem>>
        %get3A_991 = tpu.memref_squeeze %get3A_990 : memref<1x104x32xbf16, #tpu.memory_space<vmem>> -> memref<104x32xbf16, #tpu.memory_space<vmem>>
        %get3A_992 = arith.index_cast %add3A_987 : i32 to index
        %get3A_993 = arith.constant 0 : index
        %get3A_994 = tpu.vector_load %get3A_991[%get3A_992, %get3A_993] {strides = array<i32>} : memref<104x32xbf16, #tpu.memory_space<vmem>>, vector<32xbf16>,
        %unpack3A_995 = tpu.unpack_subelements %get3A_994, 0 {pack_format = #tpu.pack_format<interleaved>} : vector<32xbf16> -> vector<16xf32>
        %unpack3A_996 = tpu.unpack_subelements %get3A_994, 1 {pack_format = #tpu.pack_format<interleaved>} : vector<32xbf16> -> vector<16xf32>
        %add3A_997 = arith.constant 3 : i32
        %add3A_998 = arith.addi %add3A_964, %add3A_997 : i32
        %get3A_999 = arith.constant 0 : i32
        %get3A_1000 = arith.constant 0 : i32
        %get3A_1001 = tpu.memref_slice %arg9[%scan3A_448, %get3A_999, %get3A_1000] : memref<4x104x32xbf16, #tpu.memory_space<vmem>> -> memref<1x104x32xbf16, #tpu.memory_space<vmem>>
        %get3A_1002 = tpu.memref_squeeze %get3A_1001 : memref<1x104x32xbf16, #tpu.memory_space<vmem>> -> memref<104x32xbf16, #tpu.memory_space<vmem>>
        %get3A_1003 = arith.index_cast %add3A_998 : i32 to index
        %get3A_1004 = arith.constant 0 : index
        %get3A_1005 = tpu.vector_load %get3A_1002[%get3A_1003, %get3A_1004] {strides = array<i32>} : memref<104x32xbf16, #tpu.memory_space<vmem>>, vector<32xbf16>,
        %unpack3A_1006 = tpu.unpack_subelements %get3A_1005, 0 {pack_format = #tpu.pack_format<interleaved>} : vector<32xbf16> -> vector<16xf32>
        %unpack3A_1007 = tpu.unpack_subelements %get3A_1005, 1 {pack_format = #tpu.pack_format<interleaved>} : vector<32xbf16> -> vector<16xf32>
        %add3A_1008 = arith.addf %scan3A_953, %unpack3A : vector<16xf32>
        %add3A_1009 = arith.addf %scan3A_954, %unpack3A_984 : vector<16xf32>
        %add3A_1010 = arith.addf %scan3A_955, %unpack3A_995 : vector<16xf32>
        %add3A_1011 = arith.addf %scan3A_956, %unpack3A_1006 : vector<16xf32>
        %add3A_1012 = arith.addf %scan3A_957, %unpack3A_974 : vector<16xf32>
        %add3A_1013 = arith.addf %scan3A_958, %unpack3A_985 : vector<16xf32>
        %add3A_1014 = arith.addf %scan3A_959, %unpack3A_996 : vector<16xf32>
        %add3A_1015 = arith.addf %scan3A_960, %unpack3A_1007 : vector<16xf32>
        scf.yield %add3A_1008, %add3A_1009, %add3A_1010, %add3A_1011, %add3A_1012, %add3A_1013, %add3A_1014, %add3A_1015 : vector<16xf32>, vector<16xf32>, vector<16xf32>, vector<16xf32>, vector<16xf32>, vector<16xf32>, vector<16xf32>, vector<16xf32>
      }
      %scan3A_454 = arith.constant 13 : i32
      %add3A_455 = arith.addf %scan3A_453#0, %scan3A_453#1 : vector<16xf32>
      %add3A_456 = arith.addf %scan3A_453#2, %scan3A_453#3 : vector<16xf32>
      %add3A_457 = arith.addf %add3A_455, %add3A_456 : vector<16xf32>
      %add3A_458 = arith.addf %scan3A_453#4, %scan3A_453#5 : vector<16xf32>
      %add3A_459 = arith.addf %scan3A_453#6, %scan3A_453#7 : vector<16xf32>
      %add3A_460 = arith.addf %add3A_458, %add3A_459 : vector<16xf32>
      %ge3A_461 = arith.constant 4 : i32
      %ge3A_462 = vector.broadcast %ge3A_461 : i32 to vector<16xi32>
      %ge3A_463 = arith.cmpi sge, %iota3A, %ge3A_462 : vector<16xi32>
      %ge3A_464 = arith.constant 8 : i32
      %ge3A_465 = vector.broadcast %ge3A_464 : i32 to vector<16xi32>
      %ge3A_466 = arith.cmpi sge, %iota3A, %ge3A_465 : vector<16xi32>
      %broadcast_in_dim3A_467 = arith.constant 0 : i32
      %broadcast_in_dim3A_468 = vector.broadcast %broadcast_in_dim3A_467 : i32 to vector<16xi32>
      %get3A_469 = arith.index_cast %add3A_335 : i32 to index
      %get3A_470 = arith.constant 48 : index
      %get3A_471 = tpu.vector_load %arg7[%get3A_469, %get3A_470] {strides = array<i32>} : memref<256x104xi32, #tpu.memory_space<vmem>>, vector<16xi32>,
      %ne3A_472 = arith.constant 0 : i32
      %ne3A_473 = vector.broadcast %ne3A_472 : i32 to vector<16xi32>
      %ne3A_474 = arith.cmpi ne, %get3A_471, %ne3A_473 : vector<16xi32>
      %convert_element_type3A_475 = arith.extui %ne3A_474 : vector<16xi1> to vector<16xi32>
      %jit3A_476 = arith.constant 0 : i32
      %broadcast_in_dim3A_477 = vector.broadcast %jit3A_476 : i32 to vector<16xi32>
      %select_n3A_478 = arith.select %ge3A_463, %convert_element_type3A_475, %broadcast_in_dim3A_477 : vector<16xi1>, vector<16xi32>
      %add3A_479 = arith.addi %broadcast_in_dim3A_468, %select_n3A_478 : vector<16xi32>
      %get3A_480 = arith.index_cast %add3A_335 : i32 to index
      %get3A_481 = arith.constant 64 : index
      %get3A_482 = tpu.vector_load %arg7[%get3A_480, %get3A_481] {strides = array<i32>} : memref<256x104xi32, #tpu.memory_space<vmem>>, vector<16xi32>,
      %ne3A_483 = arith.constant 0 : i32
      %ne3A_484 = vector.broadcast %ne3A_483 : i32 to vector<16xi32>
      %ne3A_485 = arith.cmpi ne, %get3A_482, %ne3A_484 : vector<16xi32>
      %convert_element_type3A_486 = arith.extui %ne3A_485 : vector<16xi1> to vector<16xi32>
      %add3A_487 = arith.addi %add3A_479, %convert_element_type3A_486 : vector<16xi32>
      %get3A_488 = arith.index_cast %add3A_335 : i32 to index
      %get3A_489 = arith.constant 80 : index
      %get3A_490 = tpu.vector_load %arg7[%get3A_488, %get3A_489] {strides = array<i32>} : memref<256x104xi32, #tpu.memory_space<vmem>>, vector<16xi32>,
      %ne3A_491 = arith.constant 0 : i32
      %ne3A_492 = vector.broadcast %ne3A_491 : i32 to vector<16xi32>
      %ne3A_493 = arith.cmpi ne, %get3A_490, %ne3A_492 : vector<16xi32>
      %convert_element_type3A_494 = arith.extui %ne3A_493 : vector<16xi1> to vector<16xi32>
      %add3A_495 = arith.addi %add3A_487, %convert_element_type3A_494 : vector<16xi32>
      %get3A_496 = arith.index_cast %add3A_335 : i32 to index
      %get3A_497 = arith.constant 88 : index
      %get3A_498 = tpu.vector_load %arg7[%get3A_496, %get3A_497] {strides = array<i32>} : memref<256x104xi32, #tpu.memory_space<vmem>>, vector<16xi32>,
      %ne3A_499 = arith.constant 0 : i32
      %ne3A_500 = vector.broadcast %ne3A_499 : i32 to vector<16xi32>
      %ne3A_501 = arith.cmpi ne, %get3A_498, %ne3A_500 : vector<16xi32>
      %convert_element_type3A_502 = arith.extui %ne3A_501 : vector<16xi1> to vector<16xi32>
      %jit3A_503 = arith.constant 0 : i32
      %broadcast_in_dim3A_504 = vector.broadcast %jit3A_503 : i32 to vector<16xi32>
      %select_n3A_505 = arith.select %ge3A_466, %convert_element_type3A_502, %broadcast_in_dim3A_504 : vector<16xi1>, vector<16xi32>
      %add3A_506 = arith.addi %add3A_495, %select_n3A_505 : vector<16xi32>
      %reduce_sum3A_507 = arith.constant true
      %reduce_sum3A_508 = vector.broadcast %reduce_sum3A_507 : i1 to vector<16xi1>
      %reduce_sum3A_509 = tpu.scan <sum>, %add3A_506 masked %reduce_sum3A_508 : vector<16xi32>, vector<16xi1> -> vector<16xi32>
      %reduce_sum3A_510 = vector.extract %reduce_sum3A_509[15] : i32 from vector<16xi32>
      %convert_element_type3A_511 = arith.sitofp %reduce_sum3A_510 : i32 to f32
      %max3A_512 = arith.constant 1.000000e+00 : f32
      %max3A_513 = arith.maximumf %convert_element_type3A_511, %max3A_512 : f32
      %mul3A_514 = arith.constant 2 : i32
      %mul3A_515 = arith.muli %add3A_335, %mul3A_514 : i32
      %add3A_516 = arith.constant 1 : i32
      %add3A_517 = arith.addi %mul3A_515, %add3A_516 : i32
      %get3A_518 = arith.index_cast %add3A_517 : i32 to index
      %get3A_519 = arith.constant 0 : index
      %get3A_520 = tpu.vector_load %arg10[%get3A_518, %get3A_519] {strides = array<i32>} : memref<512x32xf32, #tpu.memory_space<vmem>>, vector<16xf32>,
      %swap3A_521 = arith.index_cast %add3A_517 : i32 to index
      %swap3A_522 = arith.constant 0 : index
      %swap3A_523 = tpu.vector_load %arg11[%swap3A_521, %swap3A_522] {strides = array<i32>} : memref<512x64xf32, #tpu.memory_space<vmem>>, vector<16xf32>,
      tpu.vector_store %arg11[%swap3A_521, %swap3A_522], %get3A_520 {strides = array<i32>} : memref<512x64xf32, #tpu.memory_space<vmem>>, vector<16xf32>,
      %get3A_524 = arith.index_cast %add3A_517 : i32 to index
      %get3A_525 = arith.constant 16 : index
      %get3A_526 = tpu.vector_load %arg10[%get3A_524, %get3A_525] {strides = array<i32>} : memref<512x32xf32, #tpu.memory_space<vmem>>, vector<16xf32>,
      %swap3A_527 = arith.index_cast %add3A_517 : i32 to index
      %swap3A_528 = arith.constant 16 : index
      %swap3A_529 = tpu.vector_load %arg11[%swap3A_527, %swap3A_528] {strides = array<i32>} : memref<512x64xf32, #tpu.memory_space<vmem>>, vector<16xf32>,
      tpu.vector_store %arg11[%swap3A_527, %swap3A_528], %get3A_526 {strides = array<i32>} : memref<512x64xf32, #tpu.memory_space<vmem>>, vector<16xf32>,
      %div3A_530 = vector.broadcast %max3A_513 : f32 to vector<16xf32>
      %div3A_531 = arith.divf %add3A_457, %div3A_530 : vector<16xf32>
      %swap3A_532 = arith.index_cast %add3A_517 : i32 to index
      %swap3A_533 = arith.constant 32 : index
      %swap3A_534 = tpu.vector_load %arg11[%swap3A_532, %swap3A_533] {strides = array<i32>} : memref<512x64xf32, #tpu.memory_space<vmem>>, vector<16xf32>,
      tpu.vector_store %arg11[%swap3A_532, %swap3A_533], %div3A_531 {strides = array<i32>} : memref<512x64xf32, #tpu.memory_space<vmem>>, vector<16xf32>,
      %div3A_535 = vector.broadcast %max3A_513 : f32 to vector<16xf32>
      %div3A_536 = arith.divf %add3A_460, %div3A_535 : vector<16xf32>
      %swap3A_537 = arith.index_cast %add3A_517 : i32 to index
      %swap3A_538 = arith.constant 48 : index
      %swap3A_539 = tpu.vector_load %arg11[%swap3A_537, %swap3A_538] {strides = array<i32>} : memref<512x64xf32, #tpu.memory_space<vmem>>, vector<16xf32>,
      tpu.vector_store %arg11[%swap3A_537, %swap3A_538], %div3A_536 {strides = array<i32>} : memref<512x64xf32, #tpu.memory_space<vmem>>, vector<16xf32>,
      %add3A_540 = arith.constant 2 : i32
      %add3A_541 = arith.addi %add3A_140, %add3A_540 : i32
      %add3A_542 = arith.constant 3 : i32
      %add3A_543 = arith.addi %add3A_541, %add3A_542 : i32
      %lt3A_544 = arith.constant 256 : i32
      %lt3A_545 = arith.cmpi slt, %add3A_543, %lt3A_544 : i32
      %convert_element_type3A_546 = arith.extui %lt3A_545 : i1 to i32
      %cond3A_547 = arith.constant 0 : i32
      %cond3A_548 = arith.cmpi ne, %convert_element_type3A_546, %cond3A_547 : i32
      scf.if %cond3A_548 {
        %dma_start3A_952 = arith.constant 1 : i32
        %dma_start3A_953 = arith.constant 1 : i32
        %dma_start3A_954 = arith.constant 0 : i32
        %dma_start3A_955 = arith.constant 0 : i32
        %dma_start3A_956 = tpu.memref_slice %arg9[%dma_start3A_952, %dma_start3A_954, %dma_start3A_955] : memref<4x104x32xbf16, #tpu.memory_space<vmem>> -> memref<1x104x32xbf16, #tpu.memory_space<vmem>>
        %dma_start3A_957 = tpu.memref_squeeze %dma_start3A_956 : memref<1x104x32xbf16, #tpu.memory_space<vmem>> -> memref<104x32xbf16, #tpu.memory_space<vmem>>
        %dma_start3A_958 = arith.constant 0 : i32
        %dma_start3A_959 = tpu.memref_slice %arg7[%add3A_543, %dma_start3A_958] : memref<256x104xi32, #tpu.memory_space<vmem>> -> memref<1x104xi32, #tpu.memory_space<vmem>>
        %dma_start3A_960 = tpu.memref_squeeze %dma_start3A_959 : memref<1x104xi32, #tpu.memory_space<vmem>> -> memref<104xi32, #tpu.memory_space<vmem>>
        %dma_start3A_961 = arith.constant 0 : i32
        %dma_start3A_962 = arith.constant 0 : i32
        %dma_start3A_963 = tpu.memref_slice %arg13[%dma_start3A_961, %dma_start3A_962] : memref<10000x32xbf16, #tpu.memory_space<vmem_shared>> -> memref<10000x32xbf16, #tpu.memory_space<vmem_shared>>
        %dma_start3A_964 = tpu.memref_slice %arg14[%dma_start3A_953] : memref<4x!tpu.dma_semaphore, #tpu.memory_space<semaphore_mem>> -> memref<1x!tpu.dma_semaphore, #tpu.memory_space<semaphore_mem>>
        %dma_start3A_965 = tpu.memref_squeeze %dma_start3A_964 : memref<1x!tpu.dma_semaphore, #tpu.memory_space<semaphore_mem>> -> memref<!tpu.dma_semaphore, #tpu.memory_space<semaphore_mem>>
        tpu.enqueue_indirect_dma source(%dma_start3A_963 : memref<10000x32xbf16, #tpu.memory_space<vmem_shared>>) target(%dma_start3A_957 : memref<104x32xbf16, #tpu.memory_space<vmem>>) offsets(%dma_start3A_960 : memref<104xi32, #tpu.memory_space<vmem>>) semaphore(%dma_start3A_965 : memref<!tpu.dma_semaphore, #tpu.memory_space<semaphore_mem>>)
      } else {
      }
      %dma_wait3A_549 = arith.constant 0 : i32
      %dma_wait3A_550 = arith.constant 2 : i32
      %dma_wait3A_551 = arith.constant 2 : i32
      %dma_wait3A_552 = arith.constant 0 : i32
      %dma_wait3A_553 = arith.constant 0 : i32
      %dma_wait3A_554 = tpu.memref_slice %arg9[%dma_wait3A_550, %dma_wait3A_552, %dma_wait3A_553] : memref<4x104x32xbf16, #tpu.memory_space<vmem>> -> memref<1x104x32xbf16, #tpu.memory_space<vmem>>
      %dma_wait3A_555 = tpu.memref_squeeze %dma_wait3A_554 : memref<1x104x32xbf16, #tpu.memory_space<vmem>> -> memref<104x32xbf16, #tpu.memory_space<vmem>>
      %dma_wait3A_556 = arith.constant 0 : i32
      %dma_wait3A_557 = tpu.memref_slice %arg7[%dma_wait3A_549, %dma_wait3A_556] : memref<256x104xi32, #tpu.memory_space<vmem>> -> memref<1x104xi32, #tpu.memory_space<vmem>>
      %dma_wait3A_558 = tpu.memref_squeeze %dma_wait3A_557 : memref<1x104xi32, #tpu.memory_space<vmem>> -> memref<104xi32, #tpu.memory_space<vmem>>
      %dma_wait3A_559 = arith.constant 0 : i32
      %dma_wait3A_560 = arith.constant 0 : i32
      %dma_wait3A_561 = tpu.memref_slice %arg13[%dma_wait3A_559, %dma_wait3A_560] : memref<10000x32xbf16, #tpu.memory_space<vmem_shared>> -> memref<10000x32xbf16, #tpu.memory_space<vmem_shared>>
      %dma_wait3A_562 = tpu.memref_slice %arg14[%dma_wait3A_551] : memref<4x!tpu.dma_semaphore, #tpu.memory_space<semaphore_mem>> -> memref<1x!tpu.dma_semaphore, #tpu.memory_space<semaphore_mem>>
      %dma_wait3A_563 = tpu.memref_squeeze %dma_wait3A_562 : memref<1x!tpu.dma_semaphore, #tpu.memory_space<semaphore_mem>> -> memref<!tpu.dma_semaphore, #tpu.memory_space<semaphore_mem>>
      tpu.wait_indirect_dma semaphore(%dma_wait3A_563 : memref<!tpu.dma_semaphore, #tpu.memory_space<semaphore_mem>>) src(%dma_wait3A_561 : memref<10000x32xbf16, #tpu.memory_space<vmem_shared>>) dst(%dma_wait3A_555 : memref<104x32xbf16, #tpu.memory_space<vmem>>)
      %broadcast_in_dim3A_564 = arith.constant 0.000000e+00 : f32
      %broadcast_in_dim3A_565 = vector.broadcast %broadcast_in_dim3A_564 : f32 to vector<16xf32>
      %scan3A_566 = arith.constant 2 : i32
      %scan3A_567 = arith.constant 0 : i32
      %scan3A_568 = arith.constant 13 : i32
      %scan3A_569 = arith.addi %scan3A_567, %scan3A_568 : i32
      %scan3A_570 = arith.constant 1 : i32
      %scan3A_571:8 = scf.for %scan3A_952 = %scan3A_567 to %scan3A_569 step %scan3A_570 iter_args(%scan3A_953 = %broadcast_in_dim3A_565, %scan3A_954 = %broadcast_in_dim3A_565, %scan3A_955 = %broadcast_in_dim3A_565, %scan3A_956 = %broadcast_in_dim3A_565, %scan3A_957 = %broadcast_in_dim3A_565, %scan3A_958 = %broadcast_in_dim3A_565, %scan3A_959 = %broadcast_in_dim3A_565, %scan3A_960 = %broadcast_in_dim3A_565) -> (vector<16xf32>, vector<16xf32>, vector<16xf32>, vector<16xf32>, vector<16xf32>, vector<16xf32>, vector<16xf32>, vector<16xf32>)  : i32 {
        %mul3A_961 = arith.constant 4 : i32
        %mul3A_962 = arith.muli %mul3A_961, %scan3A_952 : i32
        %add3A_963 = arith.constant 0 : i32
        %add3A_964 = arith.addi %add3A_963, %mul3A_962 : i32
        %add3A_965 = arith.constant 0 : i32
        %add3A_966 = arith.addi %add3A_964, %add3A_965 : i32
        %get3A_967 = arith.constant 0 : i32
        %get3A_968 = arith.constant 0 : i32
        %get3A_969 = tpu.memref_slice %arg9[%scan3A_566, %get3A_967, %get3A_968] : memref<4x104x32xbf16, #tpu.memory_space<vmem>> -> memref<1x104x32xbf16, #tpu.memory_space<vmem>>
        %get3A_970 = tpu.memref_squeeze %get3A_969 : memref<1x104x32xbf16, #tpu.memory_space<vmem>> -> memref<104x32xbf16, #tpu.memory_space<vmem>>
        %get3A_971 = arith.index_cast %add3A_966 : i32 to index
        %get3A_972 = arith.constant 0 : index
        %get3A_973 = tpu.vector_load %get3A_970[%get3A_971, %get3A_972] {strides = array<i32>} : memref<104x32xbf16, #tpu.memory_space<vmem>>, vector<32xbf16>,
        %unpack3A = tpu.unpack_subelements %get3A_973, 0 {pack_format = #tpu.pack_format<interleaved>} : vector<32xbf16> -> vector<16xf32>
        %unpack3A_974 = tpu.unpack_subelements %get3A_973, 1 {pack_format = #tpu.pack_format<interleaved>} : vector<32xbf16> -> vector<16xf32>
        %add3A_975 = arith.constant 1 : i32
        %add3A_976 = arith.addi %add3A_964, %add3A_975 : i32
        %get3A_977 = arith.constant 0 : i32
        %get3A_978 = arith.constant 0 : i32
        %get3A_979 = tpu.memref_slice %arg9[%scan3A_566, %get3A_977, %get3A_978] : memref<4x104x32xbf16, #tpu.memory_space<vmem>> -> memref<1x104x32xbf16, #tpu.memory_space<vmem>>
        %get3A_980 = tpu.memref_squeeze %get3A_979 : memref<1x104x32xbf16, #tpu.memory_space<vmem>> -> memref<104x32xbf16, #tpu.memory_space<vmem>>
        %get3A_981 = arith.index_cast %add3A_976 : i32 to index
        %get3A_982 = arith.constant 0 : index
        %get3A_983 = tpu.vector_load %get3A_980[%get3A_981, %get3A_982] {strides = array<i32>} : memref<104x32xbf16, #tpu.memory_space<vmem>>, vector<32xbf16>,
        %unpack3A_984 = tpu.unpack_subelements %get3A_983, 0 {pack_format = #tpu.pack_format<interleaved>} : vector<32xbf16> -> vector<16xf32>
        %unpack3A_985 = tpu.unpack_subelements %get3A_983, 1 {pack_format = #tpu.pack_format<interleaved>} : vector<32xbf16> -> vector<16xf32>
        %add3A_986 = arith.constant 2 : i32
        %add3A_987 = arith.addi %add3A_964, %add3A_986 : i32
        %get3A_988 = arith.constant 0 : i32
        %get3A_989 = arith.constant 0 : i32
        %get3A_990 = tpu.memref_slice %arg9[%scan3A_566, %get3A_988, %get3A_989] : memref<4x104x32xbf16, #tpu.memory_space<vmem>> -> memref<1x104x32xbf16, #tpu.memory_space<vmem>>
        %get3A_991 = tpu.memref_squeeze %get3A_990 : memref<1x104x32xbf16, #tpu.memory_space<vmem>> -> memref<104x32xbf16, #tpu.memory_space<vmem>>
        %get3A_992 = arith.index_cast %add3A_987 : i32 to index
        %get3A_993 = arith.constant 0 : index
        %get3A_994 = tpu.vector_load %get3A_991[%get3A_992, %get3A_993] {strides = array<i32>} : memref<104x32xbf16, #tpu.memory_space<vmem>>, vector<32xbf16>,
        %unpack3A_995 = tpu.unpack_subelements %get3A_994, 0 {pack_format = #tpu.pack_format<interleaved>} : vector<32xbf16> -> vector<16xf32>
        %unpack3A_996 = tpu.unpack_subelements %get3A_994, 1 {pack_format = #tpu.pack_format<interleaved>} : vector<32xbf16> -> vector<16xf32>
        %add3A_997 = arith.constant 3 : i32
        %add3A_998 = arith.addi %add3A_964, %add3A_997 : i32
        %get3A_999 = arith.constant 0 : i32
        %get3A_1000 = arith.constant 0 : i32
        %get3A_1001 = tpu.memref_slice %arg9[%scan3A_566, %get3A_999, %get3A_1000] : memref<4x104x32xbf16, #tpu.memory_space<vmem>> -> memref<1x104x32xbf16, #tpu.memory_space<vmem>>
        %get3A_1002 = tpu.memref_squeeze %get3A_1001 : memref<1x104x32xbf16, #tpu.memory_space<vmem>> -> memref<104x32xbf16, #tpu.memory_space<vmem>>
        %get3A_1003 = arith.index_cast %add3A_998 : i32 to index
        %get3A_1004 = arith.constant 0 : index
        %get3A_1005 = tpu.vector_load %get3A_1002[%get3A_1003, %get3A_1004] {strides = array<i32>} : memref<104x32xbf16, #tpu.memory_space<vmem>>, vector<32xbf16>,
        %unpack3A_1006 = tpu.unpack_subelements %get3A_1005, 0 {pack_format = #tpu.pack_format<interleaved>} : vector<32xbf16> -> vector<16xf32>
        %unpack3A_1007 = tpu.unpack_subelements %get3A_1005, 1 {pack_format = #tpu.pack_format<interleaved>} : vector<32xbf16> -> vector<16xf32>
        %add3A_1008 = arith.addf %scan3A_953, %unpack3A : vector<16xf32>
        %add3A_1009 = arith.addf %scan3A_954, %unpack3A_984 : vector<16xf32>
        %add3A_1010 = arith.addf %scan3A_955, %unpack3A_995 : vector<16xf32>
        %add3A_1011 = arith.addf %scan3A_956, %unpack3A_1006 : vector<16xf32>
        %add3A_1012 = arith.addf %scan3A_957, %unpack3A_974 : vector<16xf32>
        %add3A_1013 = arith.addf %scan3A_958, %unpack3A_985 : vector<16xf32>
        %add3A_1014 = arith.addf %scan3A_959, %unpack3A_996 : vector<16xf32>
        %add3A_1015 = arith.addf %scan3A_960, %unpack3A_1007 : vector<16xf32>
        scf.yield %add3A_1008, %add3A_1009, %add3A_1010, %add3A_1011, %add3A_1012, %add3A_1013, %add3A_1014, %add3A_1015 : vector<16xf32>, vector<16xf32>, vector<16xf32>, vector<16xf32>, vector<16xf32>, vector<16xf32>, vector<16xf32>, vector<16xf32>
      }
      %scan3A_572 = arith.constant 13 : i32
      %add3A_573 = arith.addf %scan3A_571#0, %scan3A_571#1 : vector<16xf32>
      %add3A_574 = arith.addf %scan3A_571#2, %scan3A_571#3 : vector<16xf32>
      %add3A_575 = arith.addf %add3A_573, %add3A_574 : vector<16xf32>
      %add3A_576 = arith.addf %scan3A_571#4, %scan3A_571#5 : vector<16xf32>
      %add3A_577 = arith.addf %scan3A_571#6, %scan3A_571#7 : vector<16xf32>
      %add3A_578 = arith.addf %add3A_576, %add3A_577 : vector<16xf32>
      %lt3A_579 = arith.constant 4 : i32
      %lt3A_580 = vector.broadcast %lt3A_579 : i32 to vector<16xi32>
      %lt3A_581 = arith.cmpi slt, %iota3A, %lt3A_580 : vector<16xi32>
      %broadcast_in_dim3A_582 = arith.constant 0 : i32
      %broadcast_in_dim3A_583 = vector.broadcast %broadcast_in_dim3A_582 : i32 to vector<16xi32>
      %get3A_584 = arith.index_cast %add3A_541 : i32 to index
      %get3A_585 = arith.constant 0 : index
      %get3A_586 = tpu.vector_load %arg7[%get3A_584, %get3A_585] {strides = array<i32>} : memref<256x104xi32, #tpu.memory_space<vmem>>, vector<16xi32>,
      %ne3A_587 = arith.constant 0 : i32
      %ne3A_588 = vector.broadcast %ne3A_587 : i32 to vector<16xi32>
      %ne3A_589 = arith.cmpi ne, %get3A_586, %ne3A_588 : vector<16xi32>
      %convert_element_type3A_590 = arith.extui %ne3A_589 : vector<16xi1> to vector<16xi32>
      %add3A_591 = arith.addi %broadcast_in_dim3A_583, %convert_element_type3A_590 : vector<16xi32>
      %get3A_592 = arith.index_cast %add3A_541 : i32 to index
      %get3A_593 = arith.constant 16 : index
      %get3A_594 = tpu.vector_load %arg7[%get3A_592, %get3A_593] {strides = array<i32>} : memref<256x104xi32, #tpu.memory_space<vmem>>, vector<16xi32>,
      %ne3A_595 = arith.constant 0 : i32
      %ne3A_596 = vector.broadcast %ne3A_595 : i32 to vector<16xi32>
      %ne3A_597 = arith.cmpi ne, %get3A_594, %ne3A_596 : vector<16xi32>
      %convert_element_type3A_598 = arith.extui %ne3A_597 : vector<16xi1> to vector<16xi32>
      %add3A_599 = arith.addi %add3A_591, %convert_element_type3A_598 : vector<16xi32>
      %get3A_600 = arith.index_cast %add3A_541 : i32 to index
      %get3A_601 = arith.constant 32 : index
      %get3A_602 = tpu.vector_load %arg7[%get3A_600, %get3A_601] {strides = array<i32>} : memref<256x104xi32, #tpu.memory_space<vmem>>, vector<16xi32>,
      %ne3A_603 = arith.constant 0 : i32
      %ne3A_604 = vector.broadcast %ne3A_603 : i32 to vector<16xi32>
      %ne3A_605 = arith.cmpi ne, %get3A_602, %ne3A_604 : vector<16xi32>
      %convert_element_type3A_606 = arith.extui %ne3A_605 : vector<16xi1> to vector<16xi32>
      %add3A_607 = arith.addi %add3A_599, %convert_element_type3A_606 : vector<16xi32>
      %get3A_608 = arith.index_cast %add3A_541 : i32 to index
      %get3A_609 = arith.constant 48 : index
      %get3A_610 = tpu.vector_load %arg7[%get3A_608, %get3A_609] {strides = array<i32>} : memref<256x104xi32, #tpu.memory_space<vmem>>, vector<16xi32>,
      %ne3A_611 = arith.constant 0 : i32
      %ne3A_612 = vector.broadcast %ne3A_611 : i32 to vector<16xi32>
      %ne3A_613 = arith.cmpi ne, %get3A_610, %ne3A_612 : vector<16xi32>
      %convert_element_type3A_614 = arith.extui %ne3A_613 : vector<16xi1> to vector<16xi32>
      %jit3A_615 = arith.constant 0 : i32
      %broadcast_in_dim3A_616 = vector.broadcast %jit3A_615 : i32 to vector<16xi32>
      %select_n3A_617 = arith.select %lt3A_581, %convert_element_type3A_614, %broadcast_in_dim3A_616 : vector<16xi1>, vector<16xi32>
      %add3A_618 = arith.addi %add3A_607, %select_n3A_617 : vector<16xi32>
      %reduce_sum3A_619 = arith.constant true
      %reduce_sum3A_620 = vector.broadcast %reduce_sum3A_619 : i1 to vector<16xi1>
      %reduce_sum3A_621 = tpu.scan <sum>, %add3A_618 masked %reduce_sum3A_620 : vector<16xi32>, vector<16xi1> -> vector<16xi32>
      %reduce_sum3A_622 = vector.extract %reduce_sum3A_621[15] : i32 from vector<16xi32>
      %convert_element_type3A_623 = arith.sitofp %reduce_sum3A_622 : i32 to f32
      %max3A_624 = arith.constant 1.000000e+00 : f32
      %max3A_625 = arith.maximumf %convert_element_type3A_623, %max3A_624 : f32
      %mul3A_626 = arith.constant 2 : i32
      %mul3A_627 = arith.muli %add3A_541, %mul3A_626 : i32
      %add3A_628 = arith.constant 0 : i32
      %add3A_629 = arith.addi %mul3A_627, %add3A_628 : i32
      %get3A_630 = arith.index_cast %add3A_629 : i32 to index
      %get3A_631 = arith.constant 0 : index
      %get3A_632 = tpu.vector_load %arg10[%get3A_630, %get3A_631] {strides = array<i32>} : memref<512x32xf32, #tpu.memory_space<vmem>>, vector<16xf32>,
      %swap3A_633 = arith.index_cast %add3A_629 : i32 to index
      %swap3A_634 = arith.constant 0 : index
      %swap3A_635 = tpu.vector_load %arg11[%swap3A_633, %swap3A_634] {strides = array<i32>} : memref<512x64xf32, #tpu.memory_space<vmem>>, vector<16xf32>,
      tpu.vector_store %arg11[%swap3A_633, %swap3A_634], %get3A_632 {strides = array<i32>} : memref<512x64xf32, #tpu.memory_space<vmem>>, vector<16xf32>,
      %get3A_636 = arith.index_cast %add3A_629 : i32 to index
      %get3A_637 = arith.constant 16 : index
      %get3A_638 = tpu.vector_load %arg10[%get3A_636, %get3A_637] {strides = array<i32>} : memref<512x32xf32, #tpu.memory_space<vmem>>, vector<16xf32>,
      %swap3A_639 = arith.index_cast %add3A_629 : i32 to index
      %swap3A_640 = arith.constant 16 : index
      %swap3A_641 = tpu.vector_load %arg11[%swap3A_639, %swap3A_640] {strides = array<i32>} : memref<512x64xf32, #tpu.memory_space<vmem>>, vector<16xf32>,
      tpu.vector_store %arg11[%swap3A_639, %swap3A_640], %get3A_638 {strides = array<i32>} : memref<512x64xf32, #tpu.memory_space<vmem>>, vector<16xf32>,
      %div3A_642 = vector.broadcast %max3A_625 : f32 to vector<16xf32>
      %div3A_643 = arith.divf %add3A_575, %div3A_642 : vector<16xf32>
      %swap3A_644 = arith.index_cast %add3A_629 : i32 to index
      %swap3A_645 = arith.constant 32 : index
      %swap3A_646 = tpu.vector_load %arg11[%swap3A_644, %swap3A_645] {strides = array<i32>} : memref<512x64xf32, #tpu.memory_space<vmem>>, vector<16xf32>,
      tpu.vector_store %arg11[%swap3A_644, %swap3A_645], %div3A_643 {strides = array<i32>} : memref<512x64xf32, #tpu.memory_space<vmem>>, vector<16xf32>,
      %div3A_647 = vector.broadcast %max3A_625 : f32 to vector<16xf32>
      %div3A_648 = arith.divf %add3A_578, %div3A_647 : vector<16xf32>
      %swap3A_649 = arith.index_cast %add3A_629 : i32 to index
      %swap3A_650 = arith.constant 48 : index
      %swap3A_651 = tpu.vector_load %arg11[%swap3A_649, %swap3A_650] {strides = array<i32>} : memref<512x64xf32, #tpu.memory_space<vmem>>, vector<16xf32>,
      tpu.vector_store %arg11[%swap3A_649, %swap3A_650], %div3A_648 {strides = array<i32>} : memref<512x64xf32, #tpu.memory_space<vmem>>, vector<16xf32>,
      %broadcast_in_dim3A_652 = arith.constant 0.000000e+00 : f32
      %broadcast_in_dim3A_653 = vector.broadcast %broadcast_in_dim3A_652 : f32 to vector<16xf32>
      %scan3A_654 = arith.constant 2 : i32
      %scan3A_655 = arith.constant 0 : i32
      %scan3A_656 = arith.constant 13 : i32
      %scan3A_657 = arith.addi %scan3A_655, %scan3A_656 : i32
      %scan3A_658 = arith.constant 1 : i32
      %scan3A_659:8 = scf.for %scan3A_952 = %scan3A_655 to %scan3A_657 step %scan3A_658 iter_args(%scan3A_953 = %broadcast_in_dim3A_653, %scan3A_954 = %broadcast_in_dim3A_653, %scan3A_955 = %broadcast_in_dim3A_653, %scan3A_956 = %broadcast_in_dim3A_653, %scan3A_957 = %broadcast_in_dim3A_653, %scan3A_958 = %broadcast_in_dim3A_653, %scan3A_959 = %broadcast_in_dim3A_653, %scan3A_960 = %broadcast_in_dim3A_653) -> (vector<16xf32>, vector<16xf32>, vector<16xf32>, vector<16xf32>, vector<16xf32>, vector<16xf32>, vector<16xf32>, vector<16xf32>)  : i32 {
        %mul3A_961 = arith.constant 4 : i32
        %mul3A_962 = arith.muli %mul3A_961, %scan3A_952 : i32
        %add3A_963 = arith.constant 52 : i32
        %add3A_964 = arith.addi %add3A_963, %mul3A_962 : i32
        %add3A_965 = arith.constant 0 : i32
        %add3A_966 = arith.addi %add3A_964, %add3A_965 : i32
        %get3A_967 = arith.constant 0 : i32
        %get3A_968 = arith.constant 0 : i32
        %get3A_969 = tpu.memref_slice %arg9[%scan3A_654, %get3A_967, %get3A_968] : memref<4x104x32xbf16, #tpu.memory_space<vmem>> -> memref<1x104x32xbf16, #tpu.memory_space<vmem>>
        %get3A_970 = tpu.memref_squeeze %get3A_969 : memref<1x104x32xbf16, #tpu.memory_space<vmem>> -> memref<104x32xbf16, #tpu.memory_space<vmem>>
        %get3A_971 = arith.index_cast %add3A_966 : i32 to index
        %get3A_972 = arith.constant 0 : index
        %get3A_973 = tpu.vector_load %get3A_970[%get3A_971, %get3A_972] {strides = array<i32>} : memref<104x32xbf16, #tpu.memory_space<vmem>>, vector<32xbf16>,
        %unpack3A = tpu.unpack_subelements %get3A_973, 0 {pack_format = #tpu.pack_format<interleaved>} : vector<32xbf16> -> vector<16xf32>
        %unpack3A_974 = tpu.unpack_subelements %get3A_973, 1 {pack_format = #tpu.pack_format<interleaved>} : vector<32xbf16> -> vector<16xf32>
        %add3A_975 = arith.constant 1 : i32
        %add3A_976 = arith.addi %add3A_964, %add3A_975 : i32
        %get3A_977 = arith.constant 0 : i32
        %get3A_978 = arith.constant 0 : i32
        %get3A_979 = tpu.memref_slice %arg9[%scan3A_654, %get3A_977, %get3A_978] : memref<4x104x32xbf16, #tpu.memory_space<vmem>> -> memref<1x104x32xbf16, #tpu.memory_space<vmem>>
        %get3A_980 = tpu.memref_squeeze %get3A_979 : memref<1x104x32xbf16, #tpu.memory_space<vmem>> -> memref<104x32xbf16, #tpu.memory_space<vmem>>
        %get3A_981 = arith.index_cast %add3A_976 : i32 to index
        %get3A_982 = arith.constant 0 : index
        %get3A_983 = tpu.vector_load %get3A_980[%get3A_981, %get3A_982] {strides = array<i32>} : memref<104x32xbf16, #tpu.memory_space<vmem>>, vector<32xbf16>,
        %unpack3A_984 = tpu.unpack_subelements %get3A_983, 0 {pack_format = #tpu.pack_format<interleaved>} : vector<32xbf16> -> vector<16xf32>
        %unpack3A_985 = tpu.unpack_subelements %get3A_983, 1 {pack_format = #tpu.pack_format<interleaved>} : vector<32xbf16> -> vector<16xf32>
        %add3A_986 = arith.constant 2 : i32
        %add3A_987 = arith.addi %add3A_964, %add3A_986 : i32
        %get3A_988 = arith.constant 0 : i32
        %get3A_989 = arith.constant 0 : i32
        %get3A_990 = tpu.memref_slice %arg9[%scan3A_654, %get3A_988, %get3A_989] : memref<4x104x32xbf16, #tpu.memory_space<vmem>> -> memref<1x104x32xbf16, #tpu.memory_space<vmem>>
        %get3A_991 = tpu.memref_squeeze %get3A_990 : memref<1x104x32xbf16, #tpu.memory_space<vmem>> -> memref<104x32xbf16, #tpu.memory_space<vmem>>
        %get3A_992 = arith.index_cast %add3A_987 : i32 to index
        %get3A_993 = arith.constant 0 : index
        %get3A_994 = tpu.vector_load %get3A_991[%get3A_992, %get3A_993] {strides = array<i32>} : memref<104x32xbf16, #tpu.memory_space<vmem>>, vector<32xbf16>,
        %unpack3A_995 = tpu.unpack_subelements %get3A_994, 0 {pack_format = #tpu.pack_format<interleaved>} : vector<32xbf16> -> vector<16xf32>
        %unpack3A_996 = tpu.unpack_subelements %get3A_994, 1 {pack_format = #tpu.pack_format<interleaved>} : vector<32xbf16> -> vector<16xf32>
        %add3A_997 = arith.constant 3 : i32
        %add3A_998 = arith.addi %add3A_964, %add3A_997 : i32
        %get3A_999 = arith.constant 0 : i32
        %get3A_1000 = arith.constant 0 : i32
        %get3A_1001 = tpu.memref_slice %arg9[%scan3A_654, %get3A_999, %get3A_1000] : memref<4x104x32xbf16, #tpu.memory_space<vmem>> -> memref<1x104x32xbf16, #tpu.memory_space<vmem>>
        %get3A_1002 = tpu.memref_squeeze %get3A_1001 : memref<1x104x32xbf16, #tpu.memory_space<vmem>> -> memref<104x32xbf16, #tpu.memory_space<vmem>>
        %get3A_1003 = arith.index_cast %add3A_998 : i32 to index
        %get3A_1004 = arith.constant 0 : index
        %get3A_1005 = tpu.vector_load %get3A_1002[%get3A_1003, %get3A_1004] {strides = array<i32>} : memref<104x32xbf16, #tpu.memory_space<vmem>>, vector<32xbf16>,
        %unpack3A_1006 = tpu.unpack_subelements %get3A_1005, 0 {pack_format = #tpu.pack_format<interleaved>} : vector<32xbf16> -> vector<16xf32>
        %unpack3A_1007 = tpu.unpack_subelements %get3A_1005, 1 {pack_format = #tpu.pack_format<interleaved>} : vector<32xbf16> -> vector<16xf32>
        %add3A_1008 = arith.addf %scan3A_953, %unpack3A : vector<16xf32>
        %add3A_1009 = arith.addf %scan3A_954, %unpack3A_984 : vector<16xf32>
        %add3A_1010 = arith.addf %scan3A_955, %unpack3A_995 : vector<16xf32>
        %add3A_1011 = arith.addf %scan3A_956, %unpack3A_1006 : vector<16xf32>
        %add3A_1012 = arith.addf %scan3A_957, %unpack3A_974 : vector<16xf32>
        %add3A_1013 = arith.addf %scan3A_958, %unpack3A_985 : vector<16xf32>
        %add3A_1014 = arith.addf %scan3A_959, %unpack3A_996 : vector<16xf32>
        %add3A_1015 = arith.addf %scan3A_960, %unpack3A_1007 : vector<16xf32>
        scf.yield %add3A_1008, %add3A_1009, %add3A_1010, %add3A_1011, %add3A_1012, %add3A_1013, %add3A_1014, %add3A_1015 : vector<16xf32>, vector<16xf32>, vector<16xf32>, vector<16xf32>, vector<16xf32>, vector<16xf32>, vector<16xf32>, vector<16xf32>
      }
      %scan3A_660 = arith.constant 13 : i32
      %add3A_661 = arith.addf %scan3A_659#0, %scan3A_659#1 : vector<16xf32>
      %add3A_662 = arith.addf %scan3A_659#2, %scan3A_659#3 : vector<16xf32>
      %add3A_663 = arith.addf %add3A_661, %add3A_662 : vector<16xf32>
      %add3A_664 = arith.addf %scan3A_659#4, %scan3A_659#5 : vector<16xf32>
      %add3A_665 = arith.addf %scan3A_659#6, %scan3A_659#7 : vector<16xf32>
      %add3A_666 = arith.addf %add3A_664, %add3A_665 : vector<16xf32>
      %ge3A_667 = arith.constant 4 : i32
      %ge3A_668 = vector.broadcast %ge3A_667 : i32 to vector<16xi32>
      %ge3A_669 = arith.cmpi sge, %iota3A, %ge3A_668 : vector<16xi32>
      %ge3A_670 = arith.constant 8 : i32
      %ge3A_671 = vector.broadcast %ge3A_670 : i32 to vector<16xi32>
      %ge3A_672 = arith.cmpi sge, %iota3A, %ge3A_671 : vector<16xi32>
      %broadcast_in_dim3A_673 = arith.constant 0 : i32
      %broadcast_in_dim3A_674 = vector.broadcast %broadcast_in_dim3A_673 : i32 to vector<16xi32>
      %get3A_675 = arith.index_cast %add3A_541 : i32 to index
      %get3A_676 = arith.constant 48 : index
      %get3A_677 = tpu.vector_load %arg7[%get3A_675, %get3A_676] {strides = array<i32>} : memref<256x104xi32, #tpu.memory_space<vmem>>, vector<16xi32>,
      %ne3A_678 = arith.constant 0 : i32
      %ne3A_679 = vector.broadcast %ne3A_678 : i32 to vector<16xi32>
      %ne3A_680 = arith.cmpi ne, %get3A_677, %ne3A_679 : vector<16xi32>
      %convert_element_type3A_681 = arith.extui %ne3A_680 : vector<16xi1> to vector<16xi32>
      %jit3A_682 = arith.constant 0 : i32
      %broadcast_in_dim3A_683 = vector.broadcast %jit3A_682 : i32 to vector<16xi32>
      %select_n3A_684 = arith.select %ge3A_669, %convert_element_type3A_681, %broadcast_in_dim3A_683 : vector<16xi1>, vector<16xi32>
      %add3A_685 = arith.addi %broadcast_in_dim3A_674, %select_n3A_684 : vector<16xi32>
      %get3A_686 = arith.index_cast %add3A_541 : i32 to index
      %get3A_687 = arith.constant 64 : index
      %get3A_688 = tpu.vector_load %arg7[%get3A_686, %get3A_687] {strides = array<i32>} : memref<256x104xi32, #tpu.memory_space<vmem>>, vector<16xi32>,
      %ne3A_689 = arith.constant 0 : i32
      %ne3A_690 = vector.broadcast %ne3A_689 : i32 to vector<16xi32>
      %ne3A_691 = arith.cmpi ne, %get3A_688, %ne3A_690 : vector<16xi32>
      %convert_element_type3A_692 = arith.extui %ne3A_691 : vector<16xi1> to vector<16xi32>
      %add3A_693 = arith.addi %add3A_685, %convert_element_type3A_692 : vector<16xi32>
      %get3A_694 = arith.index_cast %add3A_541 : i32 to index
      %get3A_695 = arith.constant 80 : index
      %get3A_696 = tpu.vector_load %arg7[%get3A_694, %get3A_695] {strides = array<i32>} : memref<256x104xi32, #tpu.memory_space<vmem>>, vector<16xi32>,
      %ne3A_697 = arith.constant 0 : i32
      %ne3A_698 = vector.broadcast %ne3A_697 : i32 to vector<16xi32>
      %ne3A_699 = arith.cmpi ne, %get3A_696, %ne3A_698 : vector<16xi32>
      %convert_element_type3A_700 = arith.extui %ne3A_699 : vector<16xi1> to vector<16xi32>
      %add3A_701 = arith.addi %add3A_693, %convert_element_type3A_700 : vector<16xi32>
      %get3A_702 = arith.index_cast %add3A_541 : i32 to index
      %get3A_703 = arith.constant 88 : index
      %get3A_704 = tpu.vector_load %arg7[%get3A_702, %get3A_703] {strides = array<i32>} : memref<256x104xi32, #tpu.memory_space<vmem>>, vector<16xi32>,
      %ne3A_705 = arith.constant 0 : i32
      %ne3A_706 = vector.broadcast %ne3A_705 : i32 to vector<16xi32>
      %ne3A_707 = arith.cmpi ne, %get3A_704, %ne3A_706 : vector<16xi32>
      %convert_element_type3A_708 = arith.extui %ne3A_707 : vector<16xi1> to vector<16xi32>
      %jit3A_709 = arith.constant 0 : i32
      %broadcast_in_dim3A_710 = vector.broadcast %jit3A_709 : i32 to vector<16xi32>
      %select_n3A_711 = arith.select %ge3A_672, %convert_element_type3A_708, %broadcast_in_dim3A_710 : vector<16xi1>, vector<16xi32>
      %add3A_712 = arith.addi %add3A_701, %select_n3A_711 : vector<16xi32>
      %reduce_sum3A_713 = arith.constant true
      %reduce_sum3A_714 = vector.broadcast %reduce_sum3A_713 : i1 to vector<16xi1>
      %reduce_sum3A_715 = tpu.scan <sum>, %add3A_712 masked %reduce_sum3A_714 : vector<16xi32>, vector<16xi1> -> vector<16xi32>
      %reduce_sum3A_716 = vector.extract %reduce_sum3A_715[15] : i32 from vector<16xi32>
      %convert_element_type3A_717 = arith.sitofp %reduce_sum3A_716 : i32 to f32
      %max3A_718 = arith.constant 1.000000e+00 : f32
      %max3A_719 = arith.maximumf %convert_element_type3A_717, %max3A_718 : f32
      %mul3A_720 = arith.constant 2 : i32
      %mul3A_721 = arith.muli %add3A_541, %mul3A_720 : i32
      %add3A_722 = arith.constant 1 : i32
      %add3A_723 = arith.addi %mul3A_721, %add3A_722 : i32
      %get3A_724 = arith.index_cast %add3A_723 : i32 to index
      %get3A_725 = arith.constant 0 : index
      %get3A_726 = tpu.vector_load %arg10[%get3A_724, %get3A_725] {strides = array<i32>} : memref<512x32xf32, #tpu.memory_space<vmem>>, vector<16xf32>,
      %swap3A_727 = arith.index_cast %add3A_723 : i32 to index
      %swap3A_728 = arith.constant 0 : index
      %swap3A_729 = tpu.vector_load %arg11[%swap3A_727, %swap3A_728] {strides = array<i32>} : memref<512x64xf32, #tpu.memory_space<vmem>>, vector<16xf32>,
      tpu.vector_store %arg11[%swap3A_727, %swap3A_728], %get3A_726 {strides = array<i32>} : memref<512x64xf32, #tpu.memory_space<vmem>>, vector<16xf32>,
      %get3A_730 = arith.index_cast %add3A_723 : i32 to index
      %get3A_731 = arith.constant 16 : index
      %get3A_732 = tpu.vector_load %arg10[%get3A_730, %get3A_731] {strides = array<i32>} : memref<512x32xf32, #tpu.memory_space<vmem>>, vector<16xf32>,
      %swap3A_733 = arith.index_cast %add3A_723 : i32 to index
      %swap3A_734 = arith.constant 16 : index
      %swap3A_735 = tpu.vector_load %arg11[%swap3A_733, %swap3A_734] {strides = array<i32>} : memref<512x64xf32, #tpu.memory_space<vmem>>, vector<16xf32>,
      tpu.vector_store %arg11[%swap3A_733, %swap3A_734], %get3A_732 {strides = array<i32>} : memref<512x64xf32, #tpu.memory_space<vmem>>, vector<16xf32>,
      %div3A_736 = vector.broadcast %max3A_719 : f32 to vector<16xf32>
      %div3A_737 = arith.divf %add3A_663, %div3A_736 : vector<16xf32>
      %swap3A_738 = arith.index_cast %add3A_723 : i32 to index
      %swap3A_739 = arith.constant 32 : index
      %swap3A_740 = tpu.vector_load %arg11[%swap3A_738, %swap3A_739] {strides = array<i32>} : memref<512x64xf32, #tpu.memory_space<vmem>>, vector<16xf32>,
      tpu.vector_store %arg11[%swap3A_738, %swap3A_739], %div3A_737 {strides = array<i32>} : memref<512x64xf32, #tpu.memory_space<vmem>>, vector<16xf32>,
      %div3A_741 = vector.broadcast %max3A_719 : f32 to vector<16xf32>
      %div3A_742 = arith.divf %add3A_666, %div3A_741 : vector<16xf32>
      %swap3A_743 = arith.index_cast %add3A_723 : i32 to index
      %swap3A_744 = arith.constant 48 : index
      %swap3A_745 = tpu.vector_load %arg11[%swap3A_743, %swap3A_744] {strides = array<i32>} : memref<512x64xf32, #tpu.memory_space<vmem>>, vector<16xf32>,
      tpu.vector_store %arg11[%swap3A_743, %swap3A_744], %div3A_742 {strides = array<i32>} : memref<512x64xf32, #tpu.memory_space<vmem>>, vector<16xf32>,
      %add3A_746 = arith.constant 3 : i32
      %add3A_747 = arith.addi %add3A_140, %add3A_746 : i32
      %add3A_748 = arith.constant 3 : i32
      %add3A_749 = arith.addi %add3A_747, %add3A_748 : i32
      %lt3A_750 = arith.constant 256 : i32
      %lt3A_751 = arith.cmpi slt, %add3A_749, %lt3A_750 : i32
      %convert_element_type3A_752 = arith.extui %lt3A_751 : i1 to i32
      %cond3A_753 = arith.constant 0 : i32
      %cond3A_754 = arith.cmpi ne, %convert_element_type3A_752, %cond3A_753 : i32
      scf.if %cond3A_754 {
        %dma_start3A_952 = arith.constant 2 : i32
        %dma_start3A_953 = arith.constant 2 : i32
        %dma_start3A_954 = arith.constant 0 : i32
        %dma_start3A_955 = arith.constant 0 : i32
        %dma_start3A_956 = tpu.memref_slice %arg9[%dma_start3A_952, %dma_start3A_954, %dma_start3A_955] : memref<4x104x32xbf16, #tpu.memory_space<vmem>> -> memref<1x104x32xbf16, #tpu.memory_space<vmem>>
        %dma_start3A_957 = tpu.memref_squeeze %dma_start3A_956 : memref<1x104x32xbf16, #tpu.memory_space<vmem>> -> memref<104x32xbf16, #tpu.memory_space<vmem>>
        %dma_start3A_958 = arith.constant 0 : i32
        %dma_start3A_959 = tpu.memref_slice %arg7[%add3A_749, %dma_start3A_958] : memref<256x104xi32, #tpu.memory_space<vmem>> -> memref<1x104xi32, #tpu.memory_space<vmem>>
        %dma_start3A_960 = tpu.memref_squeeze %dma_start3A_959 : memref<1x104xi32, #tpu.memory_space<vmem>> -> memref<104xi32, #tpu.memory_space<vmem>>
        %dma_start3A_961 = arith.constant 0 : i32
        %dma_start3A_962 = arith.constant 0 : i32
        %dma_start3A_963 = tpu.memref_slice %arg13[%dma_start3A_961, %dma_start3A_962] : memref<10000x32xbf16, #tpu.memory_space<vmem_shared>> -> memref<10000x32xbf16, #tpu.memory_space<vmem_shared>>
        %dma_start3A_964 = tpu.memref_slice %arg14[%dma_start3A_953] : memref<4x!tpu.dma_semaphore, #tpu.memory_space<semaphore_mem>> -> memref<1x!tpu.dma_semaphore, #tpu.memory_space<semaphore_mem>>
        %dma_start3A_965 = tpu.memref_squeeze %dma_start3A_964 : memref<1x!tpu.dma_semaphore, #tpu.memory_space<semaphore_mem>> -> memref<!tpu.dma_semaphore, #tpu.memory_space<semaphore_mem>>
        tpu.enqueue_indirect_dma source(%dma_start3A_963 : memref<10000x32xbf16, #tpu.memory_space<vmem_shared>>) target(%dma_start3A_957 : memref<104x32xbf16, #tpu.memory_space<vmem>>) offsets(%dma_start3A_960 : memref<104xi32, #tpu.memory_space<vmem>>) semaphore(%dma_start3A_965 : memref<!tpu.dma_semaphore, #tpu.memory_space<semaphore_mem>>)
      } else {
      }
      %dma_wait3A_755 = arith.constant 0 : i32
      %dma_wait3A_756 = arith.constant 3 : i32
      %dma_wait3A_757 = arith.constant 3 : i32
      %dma_wait3A_758 = arith.constant 0 : i32
      %dma_wait3A_759 = arith.constant 0 : i32
      %dma_wait3A_760 = tpu.memref_slice %arg9[%dma_wait3A_756, %dma_wait3A_758, %dma_wait3A_759] : memref<4x104x32xbf16, #tpu.memory_space<vmem>> -> memref<1x104x32xbf16, #tpu.memory_space<vmem>>
      %dma_wait3A_761 = tpu.memref_squeeze %dma_wait3A_760 : memref<1x104x32xbf16, #tpu.memory_space<vmem>> -> memref<104x32xbf16, #tpu.memory_space<vmem>>
      %dma_wait3A_762 = arith.constant 0 : i32
      %dma_wait3A_763 = tpu.memref_slice %arg7[%dma_wait3A_755, %dma_wait3A_762] : memref<256x104xi32, #tpu.memory_space<vmem>> -> memref<1x104xi32, #tpu.memory_space<vmem>>
      %dma_wait3A_764 = tpu.memref_squeeze %dma_wait3A_763 : memref<1x104xi32, #tpu.memory_space<vmem>> -> memref<104xi32, #tpu.memory_space<vmem>>
      %dma_wait3A_765 = arith.constant 0 : i32
      %dma_wait3A_766 = arith.constant 0 : i32
      %dma_wait3A_767 = tpu.memref_slice %arg13[%dma_wait3A_765, %dma_wait3A_766] : memref<10000x32xbf16, #tpu.memory_space<vmem_shared>> -> memref<10000x32xbf16, #tpu.memory_space<vmem_shared>>
      %dma_wait3A_768 = tpu.memref_slice %arg14[%dma_wait3A_757] : memref<4x!tpu.dma_semaphore, #tpu.memory_space<semaphore_mem>> -> memref<1x!tpu.dma_semaphore, #tpu.memory_space<semaphore_mem>>
      %dma_wait3A_769 = tpu.memref_squeeze %dma_wait3A_768 : memref<1x!tpu.dma_semaphore, #tpu.memory_space<semaphore_mem>> -> memref<!tpu.dma_semaphore, #tpu.memory_space<semaphore_mem>>
      tpu.wait_indirect_dma semaphore(%dma_wait3A_769 : memref<!tpu.dma_semaphore, #tpu.memory_space<semaphore_mem>>) src(%dma_wait3A_767 : memref<10000x32xbf16, #tpu.memory_space<vmem_shared>>) dst(%dma_wait3A_761 : memref<104x32xbf16, #tpu.memory_space<vmem>>)
      %broadcast_in_dim3A_770 = arith.constant 0.000000e+00 : f32
      %broadcast_in_dim3A_771 = vector.broadcast %broadcast_in_dim3A_770 : f32 to vector<16xf32>
      %scan3A_772 = arith.constant 3 : i32
      %scan3A_773 = arith.constant 0 : i32
      %scan3A_774 = arith.constant 13 : i32
      %scan3A_775 = arith.addi %scan3A_773, %scan3A_774 : i32
      %scan3A_776 = arith.constant 1 : i32
      %scan3A_777:8 = scf.for %scan3A_952 = %scan3A_773 to %scan3A_775 step %scan3A_776 iter_args(%scan3A_953 = %broadcast_in_dim3A_771, %scan3A_954 = %broadcast_in_dim3A_771, %scan3A_955 = %broadcast_in_dim3A_771, %scan3A_956 = %broadcast_in_dim3A_771, %scan3A_957 = %broadcast_in_dim3A_771, %scan3A_958 = %broadcast_in_dim3A_771, %scan3A_959 = %broadcast_in_dim3A_771, %scan3A_960 = %broadcast_in_dim3A_771) -> (vector<16xf32>, vector<16xf32>, vector<16xf32>, vector<16xf32>, vector<16xf32>, vector<16xf32>, vector<16xf32>, vector<16xf32>)  : i32 {
        %mul3A_961 = arith.constant 4 : i32
        %mul3A_962 = arith.muli %mul3A_961, %scan3A_952 : i32
        %add3A_963 = arith.constant 0 : i32
        %add3A_964 = arith.addi %add3A_963, %mul3A_962 : i32
        %add3A_965 = arith.constant 0 : i32
        %add3A_966 = arith.addi %add3A_964, %add3A_965 : i32
        %get3A_967 = arith.constant 0 : i32
        %get3A_968 = arith.constant 0 : i32
        %get3A_969 = tpu.memref_slice %arg9[%scan3A_772, %get3A_967, %get3A_968] : memref<4x104x32xbf16, #tpu.memory_space<vmem>> -> memref<1x104x32xbf16, #tpu.memory_space<vmem>>
        %get3A_970 = tpu.memref_squeeze %get3A_969 : memref<1x104x32xbf16, #tpu.memory_space<vmem>> -> memref<104x32xbf16, #tpu.memory_space<vmem>>
        %get3A_971 = arith.index_cast %add3A_966 : i32 to index
        %get3A_972 = arith.constant 0 : index
        %get3A_973 = tpu.vector_load %get3A_970[%get3A_971, %get3A_972] {strides = array<i32>} : memref<104x32xbf16, #tpu.memory_space<vmem>>, vector<32xbf16>,
        %unpack3A = tpu.unpack_subelements %get3A_973, 0 {pack_format = #tpu.pack_format<interleaved>} : vector<32xbf16> -> vector<16xf32>
        %unpack3A_974 = tpu.unpack_subelements %get3A_973, 1 {pack_format = #tpu.pack_format<interleaved>} : vector<32xbf16> -> vector<16xf32>
        %add3A_975 = arith.constant 1 : i32
        %add3A_976 = arith.addi %add3A_964, %add3A_975 : i32
        %get3A_977 = arith.constant 0 : i32
        %get3A_978 = arith.constant 0 : i32
        %get3A_979 = tpu.memref_slice %arg9[%scan3A_772, %get3A_977, %get3A_978] : memref<4x104x32xbf16, #tpu.memory_space<vmem>> -> memref<1x104x32xbf16, #tpu.memory_space<vmem>>
        %get3A_980 = tpu.memref_squeeze %get3A_979 : memref<1x104x32xbf16, #tpu.memory_space<vmem>> -> memref<104x32xbf16, #tpu.memory_space<vmem>>
        %get3A_981 = arith.index_cast %add3A_976 : i32 to index
        %get3A_982 = arith.constant 0 : index
        %get3A_983 = tpu.vector_load %get3A_980[%get3A_981, %get3A_982] {strides = array<i32>} : memref<104x32xbf16, #tpu.memory_space<vmem>>, vector<32xbf16>,
        %unpack3A_984 = tpu.unpack_subelements %get3A_983, 0 {pack_format = #tpu.pack_format<interleaved>} : vector<32xbf16> -> vector<16xf32>
        %unpack3A_985 = tpu.unpack_subelements %get3A_983, 1 {pack_format = #tpu.pack_format<interleaved>} : vector<32xbf16> -> vector<16xf32>
        %add3A_986 = arith.constant 2 : i32
        %add3A_987 = arith.addi %add3A_964, %add3A_986 : i32
        %get3A_988 = arith.constant 0 : i32
        %get3A_989 = arith.constant 0 : i32
        %get3A_990 = tpu.memref_slice %arg9[%scan3A_772, %get3A_988, %get3A_989] : memref<4x104x32xbf16, #tpu.memory_space<vmem>> -> memref<1x104x32xbf16, #tpu.memory_space<vmem>>
        %get3A_991 = tpu.memref_squeeze %get3A_990 : memref<1x104x32xbf16, #tpu.memory_space<vmem>> -> memref<104x32xbf16, #tpu.memory_space<vmem>>
        %get3A_992 = arith.index_cast %add3A_987 : i32 to index
        %get3A_993 = arith.constant 0 : index
        %get3A_994 = tpu.vector_load %get3A_991[%get3A_992, %get3A_993] {strides = array<i32>} : memref<104x32xbf16, #tpu.memory_space<vmem>>, vector<32xbf16>,
        %unpack3A_995 = tpu.unpack_subelements %get3A_994, 0 {pack_format = #tpu.pack_format<interleaved>} : vector<32xbf16> -> vector<16xf32>
        %unpack3A_996 = tpu.unpack_subelements %get3A_994, 1 {pack_format = #tpu.pack_format<interleaved>} : vector<32xbf16> -> vector<16xf32>
        %add3A_997 = arith.constant 3 : i32
        %add3A_998 = arith.addi %add3A_964, %add3A_997 : i32
        %get3A_999 = arith.constant 0 : i32
        %get3A_1000 = arith.constant 0 : i32
        %get3A_1001 = tpu.memref_slice %arg9[%scan3A_772, %get3A_999, %get3A_1000] : memref<4x104x32xbf16, #tpu.memory_space<vmem>> -> memref<1x104x32xbf16, #tpu.memory_space<vmem>>
        %get3A_1002 = tpu.memref_squeeze %get3A_1001 : memref<1x104x32xbf16, #tpu.memory_space<vmem>> -> memref<104x32xbf16, #tpu.memory_space<vmem>>
        %get3A_1003 = arith.index_cast %add3A_998 : i32 to index
        %get3A_1004 = arith.constant 0 : index
        %get3A_1005 = tpu.vector_load %get3A_1002[%get3A_1003, %get3A_1004] {strides = array<i32>} : memref<104x32xbf16, #tpu.memory_space<vmem>>, vector<32xbf16>,
        %unpack3A_1006 = tpu.unpack_subelements %get3A_1005, 0 {pack_format = #tpu.pack_format<interleaved>} : vector<32xbf16> -> vector<16xf32>
        %unpack3A_1007 = tpu.unpack_subelements %get3A_1005, 1 {pack_format = #tpu.pack_format<interleaved>} : vector<32xbf16> -> vector<16xf32>
        %add3A_1008 = arith.addf %scan3A_953, %unpack3A : vector<16xf32>
        %add3A_1009 = arith.addf %scan3A_954, %unpack3A_984 : vector<16xf32>
        %add3A_1010 = arith.addf %scan3A_955, %unpack3A_995 : vector<16xf32>
        %add3A_1011 = arith.addf %scan3A_956, %unpack3A_1006 : vector<16xf32>
        %add3A_1012 = arith.addf %scan3A_957, %unpack3A_974 : vector<16xf32>
        %add3A_1013 = arith.addf %scan3A_958, %unpack3A_985 : vector<16xf32>
        %add3A_1014 = arith.addf %scan3A_959, %unpack3A_996 : vector<16xf32>
        %add3A_1015 = arith.addf %scan3A_960, %unpack3A_1007 : vector<16xf32>
        scf.yield %add3A_1008, %add3A_1009, %add3A_1010, %add3A_1011, %add3A_1012, %add3A_1013, %add3A_1014, %add3A_1015 : vector<16xf32>, vector<16xf32>, vector<16xf32>, vector<16xf32>, vector<16xf32>, vector<16xf32>, vector<16xf32>, vector<16xf32>
      }
      %scan3A_778 = arith.constant 13 : i32
      %add3A_779 = arith.addf %scan3A_777#0, %scan3A_777#1 : vector<16xf32>
      %add3A_780 = arith.addf %scan3A_777#2, %scan3A_777#3 : vector<16xf32>
      %add3A_781 = arith.addf %add3A_779, %add3A_780 : vector<16xf32>
      %add3A_782 = arith.addf %scan3A_777#4, %scan3A_777#5 : vector<16xf32>
      %add3A_783 = arith.addf %scan3A_777#6, %scan3A_777#7 : vector<16xf32>
      %add3A_784 = arith.addf %add3A_782, %add3A_783 : vector<16xf32>
      %lt3A_785 = arith.constant 4 : i32
      %lt3A_786 = vector.broadcast %lt3A_785 : i32 to vector<16xi32>
      %lt3A_787 = arith.cmpi slt, %iota3A, %lt3A_786 : vector<16xi32>
      %broadcast_in_dim3A_788 = arith.constant 0 : i32
      %broadcast_in_dim3A_789 = vector.broadcast %broadcast_in_dim3A_788 : i32 to vector<16xi32>
      %get3A_790 = arith.index_cast %add3A_747 : i32 to index
      %get3A_791 = arith.constant 0 : index
      %get3A_792 = tpu.vector_load %arg7[%get3A_790, %get3A_791] {strides = array<i32>} : memref<256x104xi32, #tpu.memory_space<vmem>>, vector<16xi32>,
      %ne3A_793 = arith.constant 0 : i32
      %ne3A_794 = vector.broadcast %ne3A_793 : i32 to vector<16xi32>
      %ne3A_795 = arith.cmpi ne, %get3A_792, %ne3A_794 : vector<16xi32>
      %convert_element_type3A_796 = arith.extui %ne3A_795 : vector<16xi1> to vector<16xi32>
      %add3A_797 = arith.addi %broadcast_in_dim3A_789, %convert_element_type3A_796 : vector<16xi32>
      %get3A_798 = arith.index_cast %add3A_747 : i32 to index
      %get3A_799 = arith.constant 16 : index
      %get3A_800 = tpu.vector_load %arg7[%get3A_798, %get3A_799] {strides = array<i32>} : memref<256x104xi32, #tpu.memory_space<vmem>>, vector<16xi32>,
      %ne3A_801 = arith.constant 0 : i32
      %ne3A_802 = vector.broadcast %ne3A_801 : i32 to vector<16xi32>
      %ne3A_803 = arith.cmpi ne, %get3A_800, %ne3A_802 : vector<16xi32>
      %convert_element_type3A_804 = arith.extui %ne3A_803 : vector<16xi1> to vector<16xi32>
      %add3A_805 = arith.addi %add3A_797, %convert_element_type3A_804 : vector<16xi32>
      %get3A_806 = arith.index_cast %add3A_747 : i32 to index
      %get3A_807 = arith.constant 32 : index
      %get3A_808 = tpu.vector_load %arg7[%get3A_806, %get3A_807] {strides = array<i32>} : memref<256x104xi32, #tpu.memory_space<vmem>>, vector<16xi32>,
      %ne3A_809 = arith.constant 0 : i32
      %ne3A_810 = vector.broadcast %ne3A_809 : i32 to vector<16xi32>
      %ne3A_811 = arith.cmpi ne, %get3A_808, %ne3A_810 : vector<16xi32>
      %convert_element_type3A_812 = arith.extui %ne3A_811 : vector<16xi1> to vector<16xi32>
      %add3A_813 = arith.addi %add3A_805, %convert_element_type3A_812 : vector<16xi32>
      %get3A_814 = arith.index_cast %add3A_747 : i32 to index
      %get3A_815 = arith.constant 48 : index
      %get3A_816 = tpu.vector_load %arg7[%get3A_814, %get3A_815] {strides = array<i32>} : memref<256x104xi32, #tpu.memory_space<vmem>>, vector<16xi32>,
      %ne3A_817 = arith.constant 0 : i32
      %ne3A_818 = vector.broadcast %ne3A_817 : i32 to vector<16xi32>
      %ne3A_819 = arith.cmpi ne, %get3A_816, %ne3A_818 : vector<16xi32>
      %convert_element_type3A_820 = arith.extui %ne3A_819 : vector<16xi1> to vector<16xi32>
      %jit3A_821 = arith.constant 0 : i32
      %broadcast_in_dim3A_822 = vector.broadcast %jit3A_821 : i32 to vector<16xi32>
      %select_n3A_823 = arith.select %lt3A_787, %convert_element_type3A_820, %broadcast_in_dim3A_822 : vector<16xi1>, vector<16xi32>
      %add3A_824 = arith.addi %add3A_813, %select_n3A_823 : vector<16xi32>
      %reduce_sum3A_825 = arith.constant true
      %reduce_sum3A_826 = vector.broadcast %reduce_sum3A_825 : i1 to vector<16xi1>
      %reduce_sum3A_827 = tpu.scan <sum>, %add3A_824 masked %reduce_sum3A_826 : vector<16xi32>, vector<16xi1> -> vector<16xi32>
      %reduce_sum3A_828 = vector.extract %reduce_sum3A_827[15] : i32 from vector<16xi32>
      %convert_element_type3A_829 = arith.sitofp %reduce_sum3A_828 : i32 to f32
      %max3A_830 = arith.constant 1.000000e+00 : f32
      %max3A_831 = arith.maximumf %convert_element_type3A_829, %max3A_830 : f32
      %mul3A_832 = arith.constant 2 : i32
      %mul3A_833 = arith.muli %add3A_747, %mul3A_832 : i32
      %add3A_834 = arith.constant 0 : i32
      %add3A_835 = arith.addi %mul3A_833, %add3A_834 : i32
      %get3A_836 = arith.index_cast %add3A_835 : i32 to index
      %get3A_837 = arith.constant 0 : index
      %get3A_838 = tpu.vector_load %arg10[%get3A_836, %get3A_837] {strides = array<i32>} : memref<512x32xf32, #tpu.memory_space<vmem>>, vector<16xf32>,
      %swap3A_839 = arith.index_cast %add3A_835 : i32 to index
      %swap3A_840 = arith.constant 0 : index
      %swap3A_841 = tpu.vector_load %arg11[%swap3A_839, %swap3A_840] {strides = array<i32>} : memref<512x64xf32, #tpu.memory_space<vmem>>, vector<16xf32>,
      tpu.vector_store %arg11[%swap3A_839, %swap3A_840], %get3A_838 {strides = array<i32>} : memref<512x64xf32, #tpu.memory_space<vmem>>, vector<16xf32>,
      %get3A_842 = arith.index_cast %add3A_835 : i32 to index
      %get3A_843 = arith.constant 16 : index
      %get3A_844 = tpu.vector_load %arg10[%get3A_842, %get3A_843] {strides = array<i32>} : memref<512x32xf32, #tpu.memory_space<vmem>>, vector<16xf32>,
      %swap3A_845 = arith.index_cast %add3A_835 : i32 to index
      %swap3A_846 = arith.constant 16 : index
      %swap3A_847 = tpu.vector_load %arg11[%swap3A_845, %swap3A_846] {strides = array<i32>} : memref<512x64xf32, #tpu.memory_space<vmem>>, vector<16xf32>,
      tpu.vector_store %arg11[%swap3A_845, %swap3A_846], %get3A_844 {strides = array<i32>} : memref<512x64xf32, #tpu.memory_space<vmem>>, vector<16xf32>,
      %div3A_848 = vector.broadcast %max3A_831 : f32 to vector<16xf32>
      %div3A_849 = arith.divf %add3A_781, %div3A_848 : vector<16xf32>
      %swap3A_850 = arith.index_cast %add3A_835 : i32 to index
      %swap3A_851 = arith.constant 32 : index
      %swap3A_852 = tpu.vector_load %arg11[%swap3A_850, %swap3A_851] {strides = array<i32>} : memref<512x64xf32, #tpu.memory_space<vmem>>, vector<16xf32>,
      tpu.vector_store %arg11[%swap3A_850, %swap3A_851], %div3A_849 {strides = array<i32>} : memref<512x64xf32, #tpu.memory_space<vmem>>, vector<16xf32>,
      %div3A_853 = vector.broadcast %max3A_831 : f32 to vector<16xf32>
      %div3A_854 = arith.divf %add3A_784, %div3A_853 : vector<16xf32>
      %swap3A_855 = arith.index_cast %add3A_835 : i32 to index
      %swap3A_856 = arith.constant 48 : index
      %swap3A_857 = tpu.vector_load %arg11[%swap3A_855, %swap3A_856] {strides = array<i32>} : memref<512x64xf32, #tpu.memory_space<vmem>>, vector<16xf32>,
      tpu.vector_store %arg11[%swap3A_855, %swap3A_856], %div3A_854 {strides = array<i32>} : memref<512x64xf32, #tpu.memory_space<vmem>>, vector<16xf32>,
      %broadcast_in_dim3A_858 = arith.constant 0.000000e+00 : f32
      %broadcast_in_dim3A_859 = vector.broadcast %broadcast_in_dim3A_858 : f32 to vector<16xf32>
      %scan3A_860 = arith.constant 3 : i32
      %scan3A_861 = arith.constant 0 : i32
      %scan3A_862 = arith.constant 13 : i32
      %scan3A_863 = arith.addi %scan3A_861, %scan3A_862 : i32
      %scan3A_864 = arith.constant 1 : i32
      %scan3A_865:8 = scf.for %scan3A_952 = %scan3A_861 to %scan3A_863 step %scan3A_864 iter_args(%scan3A_953 = %broadcast_in_dim3A_859, %scan3A_954 = %broadcast_in_dim3A_859, %scan3A_955 = %broadcast_in_dim3A_859, %scan3A_956 = %broadcast_in_dim3A_859, %scan3A_957 = %broadcast_in_dim3A_859, %scan3A_958 = %broadcast_in_dim3A_859, %scan3A_959 = %broadcast_in_dim3A_859, %scan3A_960 = %broadcast_in_dim3A_859) -> (vector<16xf32>, vector<16xf32>, vector<16xf32>, vector<16xf32>, vector<16xf32>, vector<16xf32>, vector<16xf32>, vector<16xf32>)  : i32 {
        %mul3A_961 = arith.constant 4 : i32
        %mul3A_962 = arith.muli %mul3A_961, %scan3A_952 : i32
        %add3A_963 = arith.constant 52 : i32
        %add3A_964 = arith.addi %add3A_963, %mul3A_962 : i32
        %add3A_965 = arith.constant 0 : i32
        %add3A_966 = arith.addi %add3A_964, %add3A_965 : i32
        %get3A_967 = arith.constant 0 : i32
        %get3A_968 = arith.constant 0 : i32
        %get3A_969 = tpu.memref_slice %arg9[%scan3A_860, %get3A_967, %get3A_968] : memref<4x104x32xbf16, #tpu.memory_space<vmem>> -> memref<1x104x32xbf16, #tpu.memory_space<vmem>>
        %get3A_970 = tpu.memref_squeeze %get3A_969 : memref<1x104x32xbf16, #tpu.memory_space<vmem>> -> memref<104x32xbf16, #tpu.memory_space<vmem>>
        %get3A_971 = arith.index_cast %add3A_966 : i32 to index
        %get3A_972 = arith.constant 0 : index
        %get3A_973 = tpu.vector_load %get3A_970[%get3A_971, %get3A_972] {strides = array<i32>} : memref<104x32xbf16, #tpu.memory_space<vmem>>, vector<32xbf16>,
        %unpack3A = tpu.unpack_subelements %get3A_973, 0 {pack_format = #tpu.pack_format<interleaved>} : vector<32xbf16> -> vector<16xf32>
        %unpack3A_974 = tpu.unpack_subelements %get3A_973, 1 {pack_format = #tpu.pack_format<interleaved>} : vector<32xbf16> -> vector<16xf32>
        %add3A_975 = arith.constant 1 : i32
        %add3A_976 = arith.addi %add3A_964, %add3A_975 : i32
        %get3A_977 = arith.constant 0 : i32
        %get3A_978 = arith.constant 0 : i32
        %get3A_979 = tpu.memref_slice %arg9[%scan3A_860, %get3A_977, %get3A_978] : memref<4x104x32xbf16, #tpu.memory_space<vmem>> -> memref<1x104x32xbf16, #tpu.memory_space<vmem>>
        %get3A_980 = tpu.memref_squeeze %get3A_979 : memref<1x104x32xbf16, #tpu.memory_space<vmem>> -> memref<104x32xbf16, #tpu.memory_space<vmem>>
        %get3A_981 = arith.index_cast %add3A_976 : i32 to index
        %get3A_982 = arith.constant 0 : index
        %get3A_983 = tpu.vector_load %get3A_980[%get3A_981, %get3A_982] {strides = array<i32>} : memref<104x32xbf16, #tpu.memory_space<vmem>>, vector<32xbf16>,
        %unpack3A_984 = tpu.unpack_subelements %get3A_983, 0 {pack_format = #tpu.pack_format<interleaved>} : vector<32xbf16> -> vector<16xf32>
        %unpack3A_985 = tpu.unpack_subelements %get3A_983, 1 {pack_format = #tpu.pack_format<interleaved>} : vector<32xbf16> -> vector<16xf32>
        %add3A_986 = arith.constant 2 : i32
        %add3A_987 = arith.addi %add3A_964, %add3A_986 : i32
        %get3A_988 = arith.constant 0 : i32
        %get3A_989 = arith.constant 0 : i32
        %get3A_990 = tpu.memref_slice %arg9[%scan3A_860, %get3A_988, %get3A_989] : memref<4x104x32xbf16, #tpu.memory_space<vmem>> -> memref<1x104x32xbf16, #tpu.memory_space<vmem>>
        %get3A_991 = tpu.memref_squeeze %get3A_990 : memref<1x104x32xbf16, #tpu.memory_space<vmem>> -> memref<104x32xbf16, #tpu.memory_space<vmem>>
        %get3A_992 = arith.index_cast %add3A_987 : i32 to index
        %get3A_993 = arith.constant 0 : index
        %get3A_994 = tpu.vector_load %get3A_991[%get3A_992, %get3A_993] {strides = array<i32>} : memref<104x32xbf16, #tpu.memory_space<vmem>>, vector<32xbf16>,
        %unpack3A_995 = tpu.unpack_subelements %get3A_994, 0 {pack_format = #tpu.pack_format<interleaved>} : vector<32xbf16> -> vector<16xf32>
        %unpack3A_996 = tpu.unpack_subelements %get3A_994, 1 {pack_format = #tpu.pack_format<interleaved>} : vector<32xbf16> -> vector<16xf32>
        %add3A_997 = arith.constant 3 : i32
        %add3A_998 = arith.addi %add3A_964, %add3A_997 : i32
        %get3A_999 = arith.constant 0 : i32
        %get3A_1000 = arith.constant 0 : i32
        %get3A_1001 = tpu.memref_slice %arg9[%scan3A_860, %get3A_999, %get3A_1000] : memref<4x104x32xbf16, #tpu.memory_space<vmem>> -> memref<1x104x32xbf16, #tpu.memory_space<vmem>>
        %get3A_1002 = tpu.memref_squeeze %get3A_1001 : memref<1x104x32xbf16, #tpu.memory_space<vmem>> -> memref<104x32xbf16, #tpu.memory_space<vmem>>
        %get3A_1003 = arith.index_cast %add3A_998 : i32 to index
        %get3A_1004 = arith.constant 0 : index
        %get3A_1005 = tpu.vector_load %get3A_1002[%get3A_1003, %get3A_1004] {strides = array<i32>} : memref<104x32xbf16, #tpu.memory_space<vmem>>, vector<32xbf16>,
        %unpack3A_1006 = tpu.unpack_subelements %get3A_1005, 0 {pack_format = #tpu.pack_format<interleaved>} : vector<32xbf16> -> vector<16xf32>
        %unpack3A_1007 = tpu.unpack_subelements %get3A_1005, 1 {pack_format = #tpu.pack_format<interleaved>} : vector<32xbf16> -> vector<16xf32>
        %add3A_1008 = arith.addf %scan3A_953, %unpack3A : vector<16xf32>
        %add3A_1009 = arith.addf %scan3A_954, %unpack3A_984 : vector<16xf32>
        %add3A_1010 = arith.addf %scan3A_955, %unpack3A_995 : vector<16xf32>
        %add3A_1011 = arith.addf %scan3A_956, %unpack3A_1006 : vector<16xf32>
        %add3A_1012 = arith.addf %scan3A_957, %unpack3A_974 : vector<16xf32>
        %add3A_1013 = arith.addf %scan3A_958, %unpack3A_985 : vector<16xf32>
        %add3A_1014 = arith.addf %scan3A_959, %unpack3A_996 : vector<16xf32>
        %add3A_1015 = arith.addf %scan3A_960, %unpack3A_1007 : vector<16xf32>
        scf.yield %add3A_1008, %add3A_1009, %add3A_1010, %add3A_1011, %add3A_1012, %add3A_1013, %add3A_1014, %add3A_1015 : vector<16xf32>, vector<16xf32>, vector<16xf32>, vector<16xf32>, vector<16xf32>, vector<16xf32>, vector<16xf32>, vector<16xf32>
      }
      %scan3A_866 = arith.constant 13 : i32
      %add3A_867 = arith.addf %scan3A_865#0, %scan3A_865#1 : vector<16xf32>
      %add3A_868 = arith.addf %scan3A_865#2, %scan3A_865#3 : vector<16xf32>
      %add3A_869 = arith.addf %add3A_867, %add3A_868 : vector<16xf32>
      %add3A_870 = arith.addf %scan3A_865#4, %scan3A_865#5 : vector<16xf32>
      %add3A_871 = arith.addf %scan3A_865#6, %scan3A_865#7 : vector<16xf32>
      %add3A_872 = arith.addf %add3A_870, %add3A_871 : vector<16xf32>
      %ge3A_873 = arith.constant 4 : i32
      %ge3A_874 = vector.broadcast %ge3A_873 : i32 to vector<16xi32>
      %ge3A_875 = arith.cmpi sge, %iota3A, %ge3A_874 : vector<16xi32>
      %ge3A_876 = arith.constant 8 : i32
      %ge3A_877 = vector.broadcast %ge3A_876 : i32 to vector<16xi32>
      %ge3A_878 = arith.cmpi sge, %iota3A, %ge3A_877 : vector<16xi32>
      %broadcast_in_dim3A_879 = arith.constant 0 : i32
      %broadcast_in_dim3A_880 = vector.broadcast %broadcast_in_dim3A_879 : i32 to vector<16xi32>
      %get3A_881 = arith.index_cast %add3A_747 : i32 to index
      %get3A_882 = arith.constant 48 : index
      %get3A_883 = tpu.vector_load %arg7[%get3A_881, %get3A_882] {strides = array<i32>} : memref<256x104xi32, #tpu.memory_space<vmem>>, vector<16xi32>,
      %ne3A_884 = arith.constant 0 : i32
      %ne3A_885 = vector.broadcast %ne3A_884 : i32 to vector<16xi32>
      %ne3A_886 = arith.cmpi ne, %get3A_883, %ne3A_885 : vector<16xi32>
      %convert_element_type3A_887 = arith.extui %ne3A_886 : vector<16xi1> to vector<16xi32>
      %jit3A_888 = arith.constant 0 : i32
      %broadcast_in_dim3A_889 = vector.broadcast %jit3A_888 : i32 to vector<16xi32>
      %select_n3A_890 = arith.select %ge3A_875, %convert_element_type3A_887, %broadcast_in_dim3A_889 : vector<16xi1>, vector<16xi32>
      %add3A_891 = arith.addi %broadcast_in_dim3A_880, %select_n3A_890 : vector<16xi32>
      %get3A_892 = arith.index_cast %add3A_747 : i32 to index
      %get3A_893 = arith.constant 64 : index
      %get3A_894 = tpu.vector_load %arg7[%get3A_892, %get3A_893] {strides = array<i32>} : memref<256x104xi32, #tpu.memory_space<vmem>>, vector<16xi32>,
      %ne3A_895 = arith.constant 0 : i32
      %ne3A_896 = vector.broadcast %ne3A_895 : i32 to vector<16xi32>
      %ne3A_897 = arith.cmpi ne, %get3A_894, %ne3A_896 : vector<16xi32>
      %convert_element_type3A_898 = arith.extui %ne3A_897 : vector<16xi1> to vector<16xi32>
      %add3A_899 = arith.addi %add3A_891, %convert_element_type3A_898 : vector<16xi32>
      %get3A_900 = arith.index_cast %add3A_747 : i32 to index
      %get3A_901 = arith.constant 80 : index
      %get3A_902 = tpu.vector_load %arg7[%get3A_900, %get3A_901] {strides = array<i32>} : memref<256x104xi32, #tpu.memory_space<vmem>>, vector<16xi32>,
      %ne3A_903 = arith.constant 0 : i32
      %ne3A_904 = vector.broadcast %ne3A_903 : i32 to vector<16xi32>
      %ne3A_905 = arith.cmpi ne, %get3A_902, %ne3A_904 : vector<16xi32>
      %convert_element_type3A_906 = arith.extui %ne3A_905 : vector<16xi1> to vector<16xi32>
      %add3A_907 = arith.addi %add3A_899, %convert_element_type3A_906 : vector<16xi32>
      %get3A_908 = arith.index_cast %add3A_747 : i32 to index
      %get3A_909 = arith.constant 88 : index
      %get3A_910 = tpu.vector_load %arg7[%get3A_908, %get3A_909] {strides = array<i32>} : memref<256x104xi32, #tpu.memory_space<vmem>>, vector<16xi32>,
      %ne3A_911 = arith.constant 0 : i32
      %ne3A_912 = vector.broadcast %ne3A_911 : i32 to vector<16xi32>
      %ne3A_913 = arith.cmpi ne, %get3A_910, %ne3A_912 : vector<16xi32>
      %convert_element_type3A_914 = arith.extui %ne3A_913 : vector<16xi1> to vector<16xi32>
      %jit3A_915 = arith.constant 0 : i32
      %broadcast_in_dim3A_916 = vector.broadcast %jit3A_915 : i32 to vector<16xi32>
      %select_n3A_917 = arith.select %ge3A_878, %convert_element_type3A_914, %broadcast_in_dim3A_916 : vector<16xi1>, vector<16xi32>
      %add3A_918 = arith.addi %add3A_907, %select_n3A_917 : vector<16xi32>
      %reduce_sum3A_919 = arith.constant true
      %reduce_sum3A_920 = vector.broadcast %reduce_sum3A_919 : i1 to vector<16xi1>
      %reduce_sum3A_921 = tpu.scan <sum>, %add3A_918 masked %reduce_sum3A_920 : vector<16xi32>, vector<16xi1> -> vector<16xi32>
      %reduce_sum3A_922 = vector.extract %reduce_sum3A_921[15] : i32 from vector<16xi32>
      %convert_element_type3A_923 = arith.sitofp %reduce_sum3A_922 : i32 to f32
      %max3A_924 = arith.constant 1.000000e+00 : f32
      %max3A_925 = arith.maximumf %convert_element_type3A_923, %max3A_924 : f32
      %mul3A_926 = arith.constant 2 : i32
      %mul3A_927 = arith.muli %add3A_747, %mul3A_926 : i32
      %add3A_928 = arith.constant 1 : i32
      %add3A_929 = arith.addi %mul3A_927, %add3A_928 : i32
      %get3A_930 = arith.index_cast %add3A_929 : i32 to index
      %get3A_931 = arith.constant 0 : index
      %get3A_932 = tpu.vector_load %arg10[%get3A_930, %get3A_931] {strides = array<i32>} : memref<512x32xf32, #tpu.memory_space<vmem>>, vector<16xf32>,
      %swap3A_933 = arith.index_cast %add3A_929 : i32 to index
      %swap3A_934 = arith.constant 0 : index
      %swap3A_935 = tpu.vector_load %arg11[%swap3A_933, %swap3A_934] {strides = array<i32>} : memref<512x64xf32, #tpu.memory_space<vmem>>, vector<16xf32>,
      tpu.vector_store %arg11[%swap3A_933, %swap3A_934], %get3A_932 {strides = array<i32>} : memref<512x64xf32, #tpu.memory_space<vmem>>, vector<16xf32>,
      %get3A_936 = arith.index_cast %add3A_929 : i32 to index
      %get3A_937 = arith.constant 16 : index
      %get3A_938 = tpu.vector_load %arg10[%get3A_936, %get3A_937] {strides = array<i32>} : memref<512x32xf32, #tpu.memory_space<vmem>>, vector<16xf32>,
      %swap3A_939 = arith.index_cast %add3A_929 : i32 to index
      %swap3A_940 = arith.constant 16 : index
      %swap3A_941 = tpu.vector_load %arg11[%swap3A_939, %swap3A_940] {strides = array<i32>} : memref<512x64xf32, #tpu.memory_space<vmem>>, vector<16xf32>,
      tpu.vector_store %arg11[%swap3A_939, %swap3A_940], %get3A_938 {strides = array<i32>} : memref<512x64xf32, #tpu.memory_space<vmem>>, vector<16xf32>,
      %div3A_942 = vector.broadcast %max3A_925 : f32 to vector<16xf32>
      %div3A_943 = arith.divf %add3A_869, %div3A_942 : vector<16xf32>
      %swap3A_944 = arith.index_cast %add3A_929 : i32 to index
      %swap3A_945 = arith.constant 32 : index
      %swap3A_946 = tpu.vector_load %arg11[%swap3A_944, %swap3A_945] {strides = array<i32>} : memref<512x64xf32, #tpu.memory_space<vmem>>, vector<16xf32>,
      tpu.vector_store %arg11[%swap3A_944, %swap3A_945], %div3A_943 {strides = array<i32>} : memref<512x64xf32, #tpu.memory_space<vmem>>, vector<16xf32>,
      %div3A_947 = vector.broadcast %max3A_925 : f32 to vector<16xf32>
      %div3A_948 = arith.divf %add3A_872, %div3A_947 : vector<16xf32>
      %swap3A_949 = arith.index_cast %add3A_929 : i32 to index
      %swap3A_950 = arith.constant 48 : index
      %swap3A_951 = tpu.vector_load %arg11[%swap3A_949, %swap3A_950] {strides = array<i32>} : memref<512x64xf32, #tpu.memory_space<vmem>>, vector<16xf32>,
      tpu.vector_store %arg11[%swap3A_949, %swap3A_950], %div3A_948 {strides = array<i32>} : memref<512x64xf32, #tpu.memory_space<vmem>>, vector<16xf32>,
    }
    %scan3A_133 = arith.constant 64 : i32
    %mul3A_134 = arith.constant 512 : i32
    %mul3A_135 = arith.muli %add3A, %mul3A_134 : i32
    "tpu.region"() ({
      %run_scoped3A = tpu.sem_alloc : memref<!tpu.dma_semaphore, #tpu.memory_space<semaphore_mem>>
      %dma_start3A_136 = arith.constant 0 : i32
      %dma_start3A_137 = tpu.memref_slice %arg6[%mul3A_135, %dma_start3A_136] : memref<16384x64xf32, #tpu.memory_space<hbm>> -> memref<512x64xf32, #tpu.memory_space<hbm>>
      %dma_start3A_138 = arith.constant 0 : i32
      %dma_start3A_139 = tpu.memref_slice %arg6[%mul3A_135, %dma_start3A_138] : memref<16384x64xf32, #tpu.memory_space<hbm>> -> memref<512x64xf32, #tpu.memory_space<hbm>>
      tpu.enqueue_dma source(%arg11 : memref<512x64xf32, #tpu.memory_space<vmem>>) target(%dma_start3A_139 : memref<512x64xf32, #tpu.memory_space<hbm>>) target_semaphore(%run_scoped3A : memref<!tpu.dma_semaphore, #tpu.memory_space<semaphore_mem>>)
      %dma_wait3A_140 = arith.constant 0 : i32
      %dma_wait3A_141 = tpu.memref_slice %arg6[%mul3A_135, %dma_wait3A_140] : memref<16384x64xf32, #tpu.memory_space<hbm>> -> memref<512x64xf32, #tpu.memory_space<hbm>>
      %dma_wait3A_142 = arith.constant 0 : i32
      %dma_wait3A_143 = tpu.memref_slice %arg6[%mul3A_135, %dma_wait3A_142] : memref<16384x64xf32, #tpu.memory_space<hbm>> -> memref<512x64xf32, #tpu.memory_space<hbm>>
      tpu.wait_dma2 semaphore(%run_scoped3A : memref<!tpu.dma_semaphore, #tpu.memory_space<semaphore_mem>>) src(%arg11 : memref<512x64xf32, #tpu.memory_space<vmem>>) dst(%dma_wait3A_143 : memref<512x64xf32, #tpu.memory_space<hbm>>)
      tpu.yield
    }) : () -> ()
    return
  }
}

</mosaic_0001>

<sc_bundles>
// kernel: kernel.3.cloned.1.call-start
scs
__scs_entry_jumppad:
0x0: {  	(pc) =	sbr.rel $0x88, $3  }
0x1: {  	(tag) =	ssettag $0x0;
	lr =	simm.s32 $0x1  }
0x2: {  	[smem:$0x3F9D] =	sst lr;
	_ =	strace $0xD0000000  }
0x3: {  	_ = 	snop  }
0x4: {  	_ = 	snop  }
0x5: {  	_ = 	snop  }
0x6: {  	_ = 	snop  }
0x7: {  	_ = 	snop  }
__scs_overlays_trampoline_lowered:
0x8: {  	[smem:$0x3FAC] =	sst s0  }
0x9: {  	[smem:$0x3FAD] =	sst s1  }
0xa: {  	[smem:$0x3FAE] =	sst s2  }
0xb: {  	[smem:$0x3FAF] =	sst s3  }
0xc: {  	[smem:$0x3FB0] =	sst s4  }
0xd: {  	[smem:$0x3FB1] =	sst s5  }
0xe: {  	[smem:$0x3FB2] =	sst s6  }
0xf: {  	[smem:$0x3FB3] =	sst s7  }
0x10: {  	[smem:$0x3FB4] =	sst s8  }
0x11: {  	[smem:$0x3FB5] =	sst s9;
	s0 =	simm.s32 @!p0 $0x0  }
0x12: {  	s1 =	sld [smem:$0x3F9B];
	s0 =	simm.s32 @p0 $0x1  }
0x13: {  	[smem:$0x3FB6] =	sst s0;
	s0 =	simm.s32 @!p1 $0x0  }
0x14: {  	s2 =	sld [smem:$0x3F9A];
	s0 =	simm.s32 @p1 $0x1  }
0x15: {  	[smem:$0x3FB7] =	sst s0;
	s0 =	simm.s32 @!p2 $0x0  }
0x16: {  	s3 =	sld [smem:$0x3FDB];
	s0 =	simm.s32 @p2 $0x1  }
0x17: {  	s4 =	simm.s32 $0x1BF5;
	[smem:$0x3FB9] =	sst s0  }
0x18: {  	s0 =	sld [smem:$0x3F9C];
	_ =	swait.ge [sflag:s4], $0x0  }
0x19: {  	s7 =	sld [smem:$0x3F9D]  }
0x1a: {  	s8 =	sadd.s32 $0xFFFFE003, lr  }
0x1b: {  	s9 =	sadd.s32 $0xFFFFFEF7, lr;
	s5 =	simm.s32 $0xFFFFFFFF;
	p2 =	slt.u32 s8, $0xFFFFF086  }
0x1c: {  	p1 =	slt.u32 s9, $0xF7A;
	s5 =	simm.s32 @!p2 $0x0  }
0x1d: {  	s5 =	simm.s32 @p1 $0x1;
	p0 =	seq.s32 s7, s2  }
0x1e: {  	s7 =	smul.u32 @!p0 $0xF7A, s2;
	p2 =	seq.s32 @!p0 s5, $0x0  }
0x1f: {  	s9 =	smul.u32 $0xF7A, s1;
	s8 =	simm.s32 @!p0 $0x1BF5;
	p2 =	por !p2, p0  }
0x20: {  	[sflag:s8] =	ssyncset.s32 @!p0 $0xFFFFF086;
	s6 =	sadd.s32 @!p0 s3, s7;
	s7 =	simm.s32 @!p0 $0x108  }
0x21: {  	s3 =	sadd.s32 s3, s9;
	s6 =	sadd.s32 @!p0 $0x88, s6;
	s7 =	simm.s32 @p2 $0x1082  }
0x22: {  	[simem:s7], [sflag:s8] =	dma.local @!p0 [hbm:s6], $0xF7A  }
0x23: {  	s9 =	sor.u32 $0xD0000000, s2;
	s6 =	simm.s32 $0x108;
	_ =	swait.ge @!p0 [sflag:s8], $0x0  }
0x24: {  	s3 =	sadd.s32 $0x88, s3;
	s6 =	simm.s32 @!p1 $0x1082;
	[sflag:s4] =	ssyncset.s32 $0xFFFFF086  }
0x25: {  	[simem:s6], [sflag:s4] =	dma.local [hbm:s3], $0xF7A  }
0x26: {  	[smem:$0x3F9D] =	sst s1;
	(tag) =	ssettag s2;
	_ =	strace s9  }
0x27: {  	s1 =	sld [smem:$0x3FAD]  }
0x28: {  	s2 =	sld [smem:$0x3FAE]  }
0x29: {  	s4 =	sld [smem:$0x3FB0]  }
0x2a: {  	p0 =	seq.s32 s5, $0x0;
	s5 =	sld [smem:$0x3FB1]  }
0x2b: {  	s6 =	sld [smem:$0x3FB2]  }
0x2c: {  	s7 =	sld [smem:$0x3FB3]  }
0x2d: {  	s3 =	simm.s32 $0x108;
	s8 =	sld [smem:$0x3FB4]  }
0x2e: {  	s3 =	simm.s32 @!p0 $0x1082;
	s9 =	sld [smem:$0x3FB5]  }
0x2f: {  	lr =	sadd.s32 s0, s3;
	s0 =	sld [smem:$0x3FAC]  }
0x30: {  	s3 =	sld [smem:$0x3FAF]  }
0x31: {  	[smem:$0x3FB8] =	sst s10  }
0x32: {  	s10 =	sld [smem:$0x3FB6];
	_ =	sdelay $0x3  }
0x33: {  	p0 =	seq.s32 s10, $0x1;
	s10 =	sld [smem:$0x3FB8];
	_ =	sdelay $0x3  }
0x34: {  	[smem:$0x3FB8] =	sst s10  }
0x35: {  	s10 =	sld [smem:$0x3FB7];
	_ =	sdelay $0x3  }
0x36: {  	p1 =	seq.s32 s10, $0x1;
	s10 =	sld [smem:$0x3FB8];
	_ =	sdelay $0x3  }
0x37: {  	[smem:$0x3FB8] =	sst s10  }
0x38: {  	s10 =	sld [smem:$0x3FB9]  }
0x39: {  	_ = 	snop;
	(pc) =	sbr.ind lr, $3  }
0x3a: {  	_ = 	snop  }
0x3b: {  	_ = 	snop  }
0x3c: {  	p2 =	seq.s32 s10, $0x1;
	s10 =	sld [smem:$0x3FB8]  }
0x3d: {  	_ =	shalt  }
0x3e: {  	_ =	shalt  }
0x3f: {  	_ =	shalt  }
0x40: {  	_ =	shalt  }
0x41: {  	_ =	shalt  }
0x42: {  	_ =	shalt  }
0x43: {  	_ =	shalt  }
0x44: {  	_ =	shalt  }
0x45: {  	_ =	shalt  }
0x46: {  	_ =	shalt  }
0x47: {  	_ =	shalt  }
0x48: {  	_ =	shalt  }
0x49: {  	_ =	shalt  }
0x4a: {  	_ =	shalt  }
0x4b: {  	_ =	shalt  }
0x4c: {  	_ =	shalt  }
0x4d: {  	_ =	shalt  }
0x4e: {  	_ =	shalt  }
0x4f: {  	_ =	shalt  }
0x50: {  	_ =	shalt  }
0x51: {  	_ =	shalt  }
0x52: {  	_ =	shalt  }
0x53: {  	_ =	shalt  }
0x54: {  	_ =	shalt  }
0x55: {  	_ =	shalt  }
0x56: {  	_ =	shalt  }
0x57: {  	_ =	shalt  }
0x58: {  	_ =	shalt  }
0x59: {  	_ =	shalt  }
0x5a: {  	_ =	shalt  }
0x5b: {  	_ =	shalt  }
0x5c: {  	_ =	shalt  }
0x5d: {  	_ =	shalt  }
0x5e: {  	_ =	shalt  }
0x5f: {  	_ =	shalt  }
0x60: {  	_ =	shalt  }
0x61: {  	_ =	shalt  }
0x62: {  	_ =	shalt  }
0x63: {  	_ =	shalt  }
0x64: {  	_ =	shalt  }
0x65: {  	_ =	shalt  }
0x66: {  	_ =	shalt  }
0x67: {  	_ =	shalt  }
0x68: {  	_ =	shalt  }
0x69: {  	_ =	shalt  }
0x6a: {  	_ =	shalt  }
0x6b: {  	_ =	shalt  }
0x6c: {  	_ =	shalt  }
0x6d: {  	_ =	shalt  }
0x6e: {  	_ =	shalt  }
0x6f: {  	_ =	shalt  }
0x70: {  	_ =	shalt  }
0x71: {  	_ =	shalt  }
0x72: {  	_ =	shalt  }
0x73: {  	_ =	shalt  }
0x74: {  	_ =	shalt  }
0x75: {  	_ =	shalt  }
0x76: {  	_ =	shalt  }
0x77: {  	_ =	shalt  }
0x78: {  	_ =	shalt  }
0x79: {  	_ =	shalt  }
0x7a: {  	_ =	shalt  }
0x7b: {  	_ =	shalt  }
0x7c: {  	_ =	shalt  }
0x7d: {  	_ =	shalt  }
0x7e: {  	_ =	shalt  }
0x7f: {  	_ =	shalt  }
0x80: {  	_ =	shalt  }
0x81: {  	_ =	shalt  }
0x82: {  	_ =	shalt  }
0x83: {  	_ =	shalt  }
0x84: {  	_ =	shalt  }
0x85: {  	_ =	shalt  }
0x86: {  	_ =	shalt  }
0x87: {  	_ =	shalt  }
.Lfunc_end0:
.L_simem_size_0:
called_computation_lowered:
.L_overlay_start_0:
0x88: {  	s2 =	sld [smem:$0x3FD9]  }
0x89: {  	s3 =	sld [smem:$0x3FFE];
	_ =	sdelay $0x1  }
0x8a: {  	s1 =	srdreg.scid  }
0x8b: {  	s0 =	sand.u32 $0x1, s1  }
0x8c: {  	s17 =	sshll.u32 s0, $0xA;
	s2 =	sadd.s32 s3, s2  }
0x8d: {  	s2 =	sadd.s32 s2, s17  }
0x8e: {  	[smem:$0x3FC4] =	sst s2  }
0x8f: {  	_ = 	snop  }
0x90: {  	s2 =	sld [smem:$0x3FC9]  }
0x91: {  	s18 =	sld [smem:$0x3FD0];
	(tm) =	ssettm $0x1  }
0x92: {  	s4 =	sld [smem:$0x3FFB];
	_ =	sdelay $0x3  }
0x93: {  	_ =	strace s4  }
0x94: {  	s4 =	sld [smem:$0x3FFC];
	_ =	sdelay $0x3  }
0x95: {  	_ =	strace s4  }
0x96: {  	s4 =	sld [smem:$0x3FFD];
	_ =	sdelay $0x3  }
0x97: {  	_ =	strace s4  }
0x98: {  	_ =	strace $0x8FFFFFFF  }
0x99: {  	s19 =	sld [smem:$0x3FDB];
	_ =	sdelay $0x1  }
0x9a: {  	s5 =	simm.s32 $_scs_section_size  }
0x9b: {  	s6 =	simm.s32 $_size__tile_overlayer_lowered;
	s7 =	simm.s32 $_tile_overlayer_lowered  }
0x9c: {  	s22 =	simm.s32 $0x1BFF;
	s21 =	sshll.u32 s7, $0x1;
	s4 =	sadd.s32 s5, s19  }
0x9d: {  	s8 =	simm.s32 $0x0;
	s20 =	sshll.u32 s6, $0x1;
	s6 =	sadd.s32 s21, s4  }
0x9e: {  	[timem:s8], [sflag:s22] =	dma.local [hbm:s6], s20  }
0x9f: {  	_ =	swait.ge [sflag:s22], s20  }
0xa0: {  	s5 =	ssub.s32 $0x0, s20;
	[sflag:s22] =	ssyncset.done $0x0  }
0xa1: {  	[sflag:s22] =	ssyncadd.s32 s5;
	_ =	sdelay $0x1  }
0xa2: {  	s23 =	simm.s32 $0x1B8B  }
0xa3: {  	_ =	swait.ge [sflag:s23], $0x1  }
0xa4: {  	[sflag:s23] =	ssyncset.done $0x0  }
0xa5: {  	s25 =	simm.s32 $0x1B8E;
	s24 =	sld [smem:$0x3FFE];
	[sflag:s23] =	ssyncadd.s32 $0xFFFFFFFF  }
0xa6: {  	s26 =	simm.s32 $execute0_lowered;
	[smem:$0x3FD2] =	sst s25  }
0xa7: {  	s6 =	sshll.u32 s26, $0x1;
	_ =	strace $0x80000046;
	[dreg:$0x1] =	wrdreg $0xFFFFFFFF  }
0xa8: {  	s28 =	simm.s32 $_size_execute0_lowered;
	s4 =	sadd.s32 s4, s6;
	[dreg:$0x0] =	wrdreg $0x0  }
0xa9: {  	s6 =	sshll.u32 s28, $0x1;
	[dreg:$0x2] =	wrdreg s4  }
0xaa: {  	[dreg:$0x3] =	wrdreg s6  }
0xab: {  	[dreg:$0x4] =	wrdreg $0xC0  }
0xac: {  	_ =	task [dreg:s8], $0x5FFFF  }
0xad: {  	[dreg:$0x1] =	wrdreg $0xFFFFFFFF  }
0xae: {  	[dreg:$0x0] =	wrdreg $0x60  }
0xaf: {  	[dreg:$0x2] =	wrdreg s2  }
0xb0: {  	[dreg:$0x3] =	wrdreg s24  }
0xb1: {  	[dreg:$0x4] =	wrdreg s18  }
0xb2: {  	[dreg:$0x5] =	wrdreg $0x16B100  }
0xb3: {  	[dreg:$0x6] =	wrdreg $0x9  }
0xb4: {  	_ =	task.clear_ibuf [dreg:s8], $0x7FFFF;
	_ =	strace $0x90000046  }
0xb5: {  	s29 =	simm.s32 $0x9;
	_ =	strace $0x80000048  }
0xb6: {  	_ =	swait.ge [sflag:s29], $0x1  }
0xb7: {  	[sflag:s29] =	ssyncadd.s32 $0xFFFFFFFF  }
0xb8: {  	_ =	strace $0x90000048  }
0xb9: {  	_ =	sfence  }
0xba: {  	s30 =	sld [smem:$0x0];
	_ =	sdelay $0x2  }
0xbb: {  	s31 =	sshll.u32 s1, $0xD;
	s1 =	sshrl.u32 s1, $0x2  }
0xbc: {  	s3 =	sand.u32 $0x4000, s31;
	s1 =	sadd.s32 s1, s30  }
0xbd: {  	s0 =	sor.u32 s3, s0;
	s1 =	sshll.u32 s1, $0x11  }
0xbe: {  	s0 =	sor.u32 s1, s0  }
0xbf: {  	s0 =	sadd.s32 $0x8F2B, s0  }
0xc0: {  	[sflag:s0] =	ssyncadd.remote.s32 $0x1  }
0xc1: {  	_ =	sfence.sel $0xFFFF  }
0xc2: {  	[dreg:$0x0] =	wrdreg $0xFFFFFFFF;
	(pc) =	sbr.abs _section_cstart, $3  }
0xc3: {  	[dreg:$0x1] =	wrdreg $0xFFFFFFFF  }
0xc4: {  	_ =	task.clear_ibuf [dreg:s8], $0x2FFFF;
	_ =	strace $0x9FFFFFFF  }
0xc5: {  	(tm) =	ssettm $0x7FFFFFFF  }
tec
execute0_lowered:
.L_overlay_start_1:
0x0: {  	(tag) =	ssettag $0x1  }
0x1: {  	s0 =	rddreg [dreg:$0x0]  }
0x2: {  	s1 =	rddreg [dreg:$0x1]  }
0x3: {  	s2 =	srdreg.scid;
	s6 =	stileid.u32  }
0x4: {  	s9 =	rddreg [dreg:$0x2];
	s13 =	simm.s32 $0x80;
	s21 =	simm.s32 $0x14400  }
0x5: {  	s22 =	simm.s32 $0x68;
	s28 =	simm.s32 $0x5;
	s29 =	simm.s32 $0x7D80  }
0x6: {  	s30 =	simm.s32 $0x1;
	s31 =	simm.s32 $0x2;
	s14 =	simm.s32 $0xC400  }
0x7: {  	s15 =	simm.s32 $0x0;
	s5 =	sand.u32 $0x1, s2;
	s3 =	sshll.u32 s6, $0x1  }
0x8: {  	s2 =	rddreg [dreg:$0x3];
	s10 =	smul.u32 $0x4E20, s6;
	s8 =	sor.u32 s5, s3  }
0x9: {  	s3 =	simm.s32 $0x0;
	s5 =	ssub.s32 $0x2, s5;
	s4 =	smul.u32 $0xD00, s8  }
0xa: {  	[smem:$0x7FF] =	sst s3;
	s7 =	sshrl.u32 s10, $0x4;
	s24 =	sshrl.u32 s5, $0x1  }
0xb: {  	s11 =	sshll.u32 s8, $0x6;
	s25 =	sshrl.u32 s10, $0x1;
	s26 =	sshll.u32 s8, $0xC  }
0xc: {  	_ =	strace $0x80000047;
	s12 =	ssub.s32 s5, s24;
	s6 =	sadd.s32 s0, s11  }
0xd: {  	s8 =	sadd.s32 s25, s2;
	s9 =	sadd.s32 s9, s26;
	s11 =	simm.s32 $0x6  }
0xe: {  	s0 =	simm.s32 $0x4;
	s23 =	sadd.s32 s4, s1;
	s4 =	sadd.s32 $0x187400, s1  }
0xf: {  	s1 =	sadd.s32 s7, s1;
	s10 =	smax.u32 s12, $0x1;
	s12 =	simm.s32 $0x6800  }
0x10: {  	v0 =	vimm.s32 $0x0;
	vm0 =	vmmov $0xf;
	vm1 =	vmmov $0xff;
	s5 =	sadd.s32 $0x800, s23;
	s7 =	sadd.s32 $0x1A800, s1;
	s1 =	simm.s32 $0x3  }
.LBB2_1:
0x11: {  	[tilespmem:s3], [sflag:$0x6] =	stream.linear.gather [hbm4b:s5+s3], $0x6800, $0x38;
	[tilespmem:$0x19220] =	vst v63  }
0x12: {  	_ =	swait.ge [sflag:s11], $0x6800  }
0x13: {  	[sflag:s11] =	ssyncset.done $0x0  }
0x14: {  	[sflag:s11] =	ssyncadd.s32 $0xFFFF9800  }
0x15: {  	[tilespmem:s12], [sflag:$0x6] =	stream.linear.gather [hbm4b:s6+s3], $0x200, $0x38;
	[tilespmem:$0x19220] =	vst v63  }
0x16: {  	_ =	swait.ge [sflag:s11], $0x200  }
0x17: {  	[sflag:s11] =	ssyncset.done $0x0  }
0x18: {  	s16 =	simm.s32 $0x8400;
	[sflag:s11] =	ssyncadd.s32 $0xFFFFFE00  }
0x19: {  	[tilespmem:s16], [sflag:$0x5] =	stream.indirect.gather [hbm4b:s4+s13], $0x20, s12, s13, $0xb8;
	[tilespmem:$0x19220] =	vst v63  }
0x1a: {  	s26 =	simm.s32 $0x6880;
	s17 =	simm.s32 $0x9400  }
0x1b: {  	[tilespmem:s17], [sflag:$0x5] =	stream.indirect.gather [hbm4b:s4+s13], $0x20, s26, s13, $0xb8;
	[tilespmem:$0x19220] =	vst v63  }
0x1c: {  	s18 =	simm.s32 $0xA400;
	s17 =	simm.s32 $0x6900  }
0x1d: {  	[tilespmem:s18], [sflag:$0x5] =	stream.indirect.gather [hbm4b:s4+s13], $0x20, s17, s13, $0xb8;
	[tilespmem:$0x19220] =	vst v63  }
0x1e: {  	s19 =	simm.s32 $0x6980;
	s20 =	simm.s32 $0xB400  }
0x1f: {  	[tilespmem:s20], [sflag:$0x5] =	stream.indirect.gather [hbm4b:s4+s13], $0x20, s19, s13, $0xb8;
	[tilespmem:$0x19220] =	vst v63  }
0x20: {  	_ = 	snop  }
0x21: {  	[tilespmem:s21], [sflag:$0x6] =	stream.linear.gather [hbm4b:s7+s3], $0x2710, $0x38;
	[tilespmem:$0x19220] =	vst v63  }
0x22: {  	_ =	swait.ge [sflag:s11], $0x2710  }
0x23: {  	[sflag:s11] =	ssyncset.done $0x0  }
0x24: {  	[sflag:s11] =	ssyncadd.s32 $0xFFFFD8F0  }
0x25: {  	[spmem:s8] =	stream.linear.scatter [tilespmem:s21], [sflag:$0x6], $0x2710, $0x38;
	[tilespmem:$0x19220] =	vst v63  }
0x26: {  	_ =	swait.ge [sflag:s11], $0x2710  }
0x27: {  	[sflag:s11] =	ssyncset.done $0x0  }
0x28: {  	[sflag:s11] =	ssyncadd.s32 $0xFFFFD8F0  }
0x29: {  	s23 =	simm.s32 $0x6A00;
	[bflag:$0x0] =	sbarrier.arrive $0xFFFF  }
0x2a: {  	[tilespmem:s23], [sflag:$0x1] =	stream.indirect.gather [spmem:s2], $0x10, s3, s22, $0xb8;
	[tilespmem:$0x19220] =	vst v63  }
0x2b: {  	s24 =	simm.s32 $0x7080  }
0x2c: {  	[tilespmem:s24], [sflag:$0x2] =	stream.indirect.gather [spmem:s2], $0x10, s22, s22, $0xb8;
	[tilespmem:$0x19220] =	vst v63  }
0x2d: {  	s25 =	simm.s32 $0xD0;
	s26 =	simm.s32 $0x7700  }
0x2e: {  	[tilespmem:s26], [sflag:$0x3] =	stream.indirect.gather [spmem:s2], $0x10, s25, s22, $0xb8;
	[tilespmem:$0x19220] =	vst v63  }
0x2f: {  	_ =	swait.ge [sflag:s28], $0x1000  }
0x30: {  	[sflag:s28] =	ssyncset.done $0x0  }
0x31: {  	[sflag:s28] =	ssyncadd.s32 $0xFFFFF000  }
0x32: {  	_ =	swait.ge [sflag:s28], $0x1000  }
0x33: {  	[sflag:s28] =	ssyncset.done $0x0  }
0x34: {  	[sflag:s28] =	ssyncadd.s32 $0xFFFFF000  }
0x35: {  	_ =	swait.ge [sflag:s28], $0x1000  }
0x36: {  	[sflag:s28] =	ssyncset.done $0x0  }
0x37: {  	[sflag:s28] =	ssyncadd.s32 $0xFFFFF000  }
0x38: {  	_ =	swait.ge [sflag:s28], $0x1000  }
0x39: {  	[sflag:s28] =	ssyncset.done $0x0  }
0x3a: {  	s16 =	simm.s32 $0x0;
	[sflag:s28] =	ssyncadd.s32 $0xFFFFF000  }
.LBB2_2:
0x3b: {  	s17 =	sshllo.u32 s16, $0x2  }
0x3c: {  	s18 =	smul.u32 $0x1A0, s17;
	_ =	sdelay $0x1  }
0x3d: {  	s18 =	sshra.s32 s18, $0x2  }
0x3e: {  	[tilespmem:s29], [sflag:$0x4] =	stream.indirect.gather [spmem:s2], $0x10, s18, s22, $0xb8;
	[tilespmem:$0x19220] =	vst v63  }
0x3f: {  	_ =	swait.ge [sflag:s30], $0x680  }
0x40: {  	[sflag:s30] =	ssyncset.done $0x0  }
0x41: {  	s19 =	simm.s32 $0x0;
	[sflag:s30] =	ssyncadd.s32 $0xFFFFF980  }
0x42: {  	v2 =	vld [tilespmem:s19+$0x6A30]  }
0x43: {  	v3 =	vld [tilespmem:s19+$0x6A00]  }
0x44: {  	v6 =	vld [tilespmem:s19+$0x6A10]  }
0x45: {  	v8 =	vld [tilespmem:s19+$0x6A20];
	_ =	sdelay $0x1  }
0x46: {  	v1 =	vimm.f32 $0.0e+00;
	s23 =	simm.s32 $0x40;
	v4 =	vunpack.i.u.bf16.f32 v2  }
0x47: {  	v10 =	vunpack.i.l.bf16.f32 v2;
	v14 =	vunpack.i.u.bf16.f32 v3;
	v2 =	vld [tilespmem:s23+$0x6A30];
	v3 =	vunpack.i.l.bf16.f32 v3  }
0x48: {  	v7 =	vunpack.i.l.bf16.f32 v6;
	v15 =	vunpack.i.u.bf16.f32 v6;
	v5 =	vadd.f32 v4, v1;
	v4 =	vld [tilespmem:s23+$0x6A00]  }
0x49: {  	v11 =	vld [tilespmem:s23+$0x6A10];
	v9 =	vadd.f32 v3, v1;
	v3 =	vunpack.i.l.bf16.f32 v8;
	v7 =	vadd.f32 v7, v1  }
0x4a: {  	v12 =	vld [tilespmem:s23+$0x6A20];
	v13 =	vunpack.i.u.bf16.f32 v8;
	v8 =	vadd.f32 v15, v1;
	v6 =	vadd.f32 v3, v1  }
0x4b: {  	s20 =	sshll.u32 s16, $0x2;
	s19 =	simm.s32 $0x200;
	v3 =	vadd.f32 v10, v1;
	v10 =	vadd.f32 v14, v1  }
.LBB2_3:
0x4c: {  	s23 =	sshra.s32 s19, $0x2;
	p0 =	sne.s32 s19, $0xC00;
	s19 =	sadd.s32 $0x100, s19;
	v14 =	vunpack.i.u.bf16.f32 v2;
	v15 =	vunpack.i.l.bf16.f32 v2;
	v1 =	vadd.f32 v13, v1  }
.Ltmp0:
0x4d: {  	v2 =	vld [tilespmem:s23+$0x6A30];
	v16 =	vunpack.i.u.bf16.f32 v4;
	v13 =	vunpack.i.l.bf16.f32 v4;
	v5 =	vadd.f32 v14, v5;
	(pc) =	sbr.rel @p0 .LBB2_3-.Ltmp0, $4  }
0x4e: {  	v4 =	vld [tilespmem:s23+$0x6A00];
	v14 =	vunpack.i.u.bf16.f32 v11;
	v17 =	vunpack.i.l.bf16.f32 v11;
	v9 =	vadd.f32 v13, v9  }
0x4f: {  	v11 =	vld [tilespmem:s23+$0x6A10];
	v13 =	vunpack.i.u.bf16.f32 v12;
	v18 =	vunpack.i.l.bf16.f32 v12;
	v7 =	vadd.f32 v17, v7  }
0x50: {  	v3 =	vadd.f32 v15, v3;
	v12 =	vld [tilespmem:s23+$0x6A20];
	v6 =	vadd.f32 v18, v6  }
0x51: {  	v10 =	vadd.f32 v16, v10;
	v8 =	vadd.f32 v14, v8  }
0x52: {  	s19 =	smul.u32 $0x680, s16;
	_ =	sdelay $0x1  }
0x53: {  	s19 =	sshra.s32 s19, $0x2  }
0x54: {  	v14 =	vld [tilespmem:s19+$0x0]  }
0x55: {  	v15 =	vld [tilespmem:s19+$0x10]  }
0x56: {  	v16 =	vld [tilespmem:s19+$0x20]  }
0x57: {  	v17 =	vld [tilespmem:s19+$0x30];
	_ =	sdelay $0x2  }
0x58: {  	vm2 =	vne.s32 v14, $0x0  }
0x59: {  	vm3 =	vne.s32 v15, $0x0;
	v14 =	vsel vm2, $0x1, v0  }
0x5a: {  	vm2 =	vne.s32 v16, $0x0;
	v15 =	vsel vm3, $0x1, v0;
	vm3 =	vne.s32 v17, $0x0  }
0x5b: {  	v16 =	vsel vm2, $0x1, v0;
	v14 =	vadd.s32 v14, v15;
	v15 =	vsel vm3, $0x1, v0  }
0x5c: {  	v14 =	vadd.s32 v16, v14;
	v15 =	vnsel vm0, $0x0, v15  }
0x5d: {  	v14 =	vadd.s32 v15, v14  }
0x5e: {  	(xrf0) =	vadd.scan.msk.s32 $0xffff, v14;
	_ =	sdelay $0x5  }
0x5f: {  	v14, _, _ =	vpop (xrf0)  }
0x60: {  	(v2sf) =	vpush v14, $0xF;
	_ =	sdelay $0xe  }
0x61: {  	s23 =	spop (v2sf)  }
0x62: {  	s23 =	scvt.s32.f32 s23;
	_ =	sdelay $0x1  }
0x63: {  	s24 =	sshll.u32 s16, $0x8;
	v1 =	vadd.f32 v13, v1;
	s23 =	smax.f32 s23, $1.000000000e+00  }
0x64: {  	s24 =	sand.u32 $0x3FFFFF00, s24;
	v13 =	vunpack.i.l.bf16.f32 v4;
	v4 =	vunpack.i.u.bf16.f32 v4;
	v15 =	vmov s23  }
0x65: {  	v9 =	vadd.f32 v13, v9;
	v13 =	vunpack.i.l.bf16.f32 v11;
	(erf) = vrcp.f32 v15;
	v15 =	vld [tilespmem:s24+$0x8400]  }
0x66: {  	v11 =	vunpack.i.u.bf16.f32 v11;
	v14 =	vunpack.i.u.bf16.f32 v2;
	v2 =	vunpack.i.l.bf16.f32 v2  }
0x67: {  	v7 =	vadd.f32 v13, v7;
	v13 =	vunpack.i.l.bf16.f32 v12;
	v2 =	vadd.f32 v2, v3  }
0x68: {  	s26 =	sshll.u32 s16, $0x9;
	v12 =	vunpack.i.u.bf16.f32 v12;
	v3 =	vadd.f32 v4, v10;
	v4 =	vadd.f32 v11, v8  }
0x69: {  	v6 =	vadd.f32 v13, v6;
	v1 =	vadd.f32 v12, v1;
	s23 =	sand.u32 $0x3FFFFE00, s26  }
0x6a: {  	v5 =	vadd.f32 v14, v5;
	v3 =	vadd.f32 v4, v3;
	[tilespmem:s23+$0xC400] =	vst v15  }
0x6b: {  	v7 =	vadd.f32 v7, v9;
	v2 =	vadd.f32 v2, v6;
	v6 =	vld [tilespmem:s24+$0x8410]  }
0x6c: {  	v1 =	vadd.f32 v5, v1  }
0x6d: {  	v2 =	vadd.f32 v2, v7  }
0x6e: {  	v1 =	vadd.f32 v1, v3;
	v3 =	vpop (erf)  }
0x6f: {  	v2 =	vmul.f32 v3, v2  }
0x70: {  	v1 =	vmul.f32 v3, v1;
	[tilespmem:s23+$0xC410] =	vst v6  }
0x71: {  	[tilespmem:s23+$0xC420] =	vst v2  }
0x72: {  	s25 =	simm.s32 $0x0;
	[tilespmem:s23+$0xC430] =	vst v1  }
0x73: {  	v2 =	vld [tilespmem:s25+$0x6D70]  }
0x74: {  	v3 =	vld [tilespmem:s25+$0x6D40]  }
0x75: {  	v6 =	vld [tilespmem:s25+$0x6D50]  }
0x76: {  	v7 =	vld [tilespmem:s25+$0x6D60];
	_ =	sdelay $0x1  }
0x77: {  	s26 =	simm.s32 $0x40;
	v1 =	vimm.f32 $0.0e+00;
	v4 =	vunpack.i.u.bf16.f32 v2  }
0x78: {  	v9 =	vunpack.i.l.bf16.f32 v2;
	v14 =	vunpack.i.u.bf16.f32 v3;
	v2 =	vld [tilespmem:s26+$0x6D70];
	v3 =	vunpack.i.l.bf16.f32 v3  }
0x79: {  	v8 =	vunpack.i.l.bf16.f32 v6;
	v15 =	vunpack.i.u.bf16.f32 v6;
	v5 =	vadd.f32 v4, v1;
	v4 =	vld [tilespmem:s26+$0x6D40]  }
0x7a: {  	v11 =	vld [tilespmem:s26+$0x6D50];
	v10 =	vadd.f32 v3, v1;
	v3 =	vunpack.i.l.bf16.f32 v7;
	v8 =	vadd.f32 v8, v1  }
0x7b: {  	v12 =	vld [tilespmem:s26+$0x6D60];
	v13 =	vunpack.i.u.bf16.f32 v7;
	v7 =	vadd.f32 v15, v1;
	v6 =	vadd.f32 v3, v1  }
0x7c: {  	s23 =	simm.s32 $0x200;
	v3 =	vadd.f32 v9, v1;
	v9 =	vadd.f32 v14, v1  }
.LBB2_5:
0x7d: {  	s24 =	sshra.s32 s23, $0x2;
	p0 =	sne.s32 s23, $0xC00;
	s23 =	sadd.s32 $0x100, s23;
	v14 =	vunpack.i.u.bf16.f32 v2;
	v15 =	vunpack.i.l.bf16.f32 v2;
	v1 =	vadd.f32 v13, v1  }
.Ltmp1:
0x7e: {  	v2 =	vld [tilespmem:s24+$0x6D70];
	v16 =	vunpack.i.u.bf16.f32 v4;
	v13 =	vunpack.i.l.bf16.f32 v4;
	v5 =	vadd.f32 v14, v5;
	(pc) =	sbr.rel @p0 .LBB2_5-.Ltmp1, $4  }
0x7f: {  	v4 =	vld [tilespmem:s24+$0x6D40];
	v14 =	vunpack.i.u.bf16.f32 v11;
	v17 =	vunpack.i.l.bf16.f32 v11;
	v10 =	vadd.f32 v13, v10  }
0x80: {  	v11 =	vld [tilespmem:s24+$0x6D50];
	v13 =	vunpack.i.u.bf16.f32 v12;
	v18 =	vunpack.i.l.bf16.f32 v12;
	v8 =	vadd.f32 v17, v8  }
0x81: {  	v3 =	vadd.f32 v15, v3;
	v12 =	vld [tilespmem:s24+$0x6D60];
	v6 =	vadd.f32 v18, v6  }
0x82: {  	v9 =	vadd.f32 v16, v9;
	v7 =	vadd.f32 v14, v7  }
0x83: {  	v14 =	vld [tilespmem:s19+$0x30]  }
0x84: {  	v15 =	vld [tilespmem:s19+$0x40]  }
0x85: {  	v16 =	vld [tilespmem:s19+$0x50]  }
0x86: {  	v17 =	vld [tilespmem:s19+$0x58];
	_ =	sdelay $0x2  }
0x87: {  	vm2 =	vne.s32 v14, $0x0  }
0x88: {  	vm3 =	vne.s32 v16, $0x0;
	v14 =	vsel vm2, $0x1, v0;
	vm2 =	vne.s32 v15, $0x0  }
0x89: {  	v14 =	vsel vm0, $0x0, v14;
	v15 =	vsel vm2, $0x1, v0;
	vm2 =	vne.s32 v17, $0x0  }
0x8a: {  	v16 =	vsel vm3, $0x1, v0;
	v14 =	vadd.s32 v15, v14;
	v15 =	vsel vm2, $0x1, v0  }
0x8b: {  	v14 =	vadd.s32 v16, v14;
	v15 =	vsel vm1, $0x0, v15  }
0x8c: {  	v14 =	vadd.s32 v15, v14  }
0x8d: {  	(xrf0) =	vadd.scan.msk.s32 $0xffff, v14;
	_ =	sdelay $0x5  }
0x8e: {  	v14, _, _ =	vpop (xrf0)  }
0x8f: {  	(v2sf) =	vpush v14, $0xF;
	_ =	sdelay $0xe  }
0x90: {  	s23 =	spop (v2sf)  }
0x91: {  	s24 =	sshll.u32 s16, $0x3;
	s23 =	scvt.s32.f32 s23  }
0x92: {  	s24 =	sor.u32 $0x1, s24  }
0x93: {  	v1 =	vadd.f32 v13, v1;
	s25 =	sshll.u32 s24, $0x5;
	s23 =	smax.f32 s23, $1.000000000e+00  }
0x94: {  	v13 =	vunpack.i.l.bf16.f32 v4;
	v4 =	vunpack.i.u.bf16.f32 v4;
	s25 =	sand.u32 $0x3FFFFF20, s25;
	v15 =	vmov s23  }
0x95: {  	v10 =	vadd.f32 v13, v10;
	v13 =	vunpack.i.l.bf16.f32 v11;
	(erf) = vrcp.f32 v15;
	v15 =	vld [tilespmem:s25+$0x8400]  }
0x96: {  	v11 =	vunpack.i.u.bf16.f32 v11;
	v14 =	vunpack.i.u.bf16.f32 v2;
	v2 =	vunpack.i.l.bf16.f32 v2  }
0x97: {  	v8 =	vadd.f32 v13, v8;
	v13 =	vunpack.i.l.bf16.f32 v12;
	v2 =	vadd.f32 v2, v3  }
0x98: {  	s24 =	sshll.u32 s24, $0x6;
	v12 =	vunpack.i.u.bf16.f32 v12;
	v3 =	vadd.f32 v4, v9;
	v4 =	vadd.f32 v11, v7  }
0x99: {  	v6 =	vadd.f32 v13, v6;
	v1 =	vadd.f32 v12, v1;
	s23 =	sand.u32 $0x3FFFFE40, s24  }
0x9a: {  	v5 =	vadd.f32 v14, v5;
	v3 =	vadd.f32 v4, v3;
	[tilespmem:s23+$0xC400] =	vst v15  }
0x9b: {  	v7 =	vadd.f32 v8, v10;
	v2 =	vadd.f32 v2, v6;
	v6 =	vld [tilespmem:s25+$0x8410]  }
0x9c: {  	v1 =	vadd.f32 v5, v1  }
0x9d: {  	v2 =	vadd.f32 v2, v7  }
0x9e: {  	v1 =	vadd.f32 v1, v3;
	v3 =	vpop (erf)  }
0x9f: {  	v2 =	vmul.f32 v3, v2  }
0xa0: {  	v1 =	vmul.f32 v3, v1;
	[tilespmem:s23+$0xC410] =	vst v6  }
0xa1: {  	p0 =	seq.s32 s16, $0x3F;
	[tilespmem:s23+$0xC420] =	vst v2  }
0xa2: {  	s24 =	simm.s32 @!p0 $0x68;
	s25 =	simm.s32 @!p0 $0x6A00;
	[tilespmem:s23+$0xC430] =	vst v1;
	s23 =	sadd.s32 @!p0 $0x1A0, s19  }
0xa3: {  	[tilespmem:s25], [sflag:$0x1] =	stream.indirect.gather @!p0 [spmem:s2], $0x10, s23, s24, $0xb8;
	[tilespmem:$0x19220] =	vst v63  }
0xa4: {  	_ =	swait.ge [sflag:s31], $0x680  }
0xa5: {  	[sflag:s31] =	ssyncset.done $0x0  }
0xa6: {  	s25 =	simm.s32 $0x0;
	[sflag:s31] =	ssyncadd.s32 $0xFFFFF980  }
0xa7: {  	v2 =	vld [tilespmem:s25+$0x70B0]  }
0xa8: {  	v3 =	vld [tilespmem:s25+$0x7080]  }
0xa9: {  	v6 =	vld [tilespmem:s25+$0x7090]  }
0xaa: {  	v8 =	vld [tilespmem:s25+$0x70A0];
	_ =	sdelay $0x1  }
0xab: {  	s26 =	simm.s32 $0x40;
	v1 =	vimm.f32 $0.0e+00;
	v4 =	vunpack.i.u.bf16.f32 v2  }
0xac: {  	v10 =	vunpack.i.l.bf16.f32 v2;
	v14 =	vunpack.i.u.bf16.f32 v3;
	v2 =	vld [tilespmem:s26+$0x70B0];
	v3 =	vunpack.i.l.bf16.f32 v3  }
0xad: {  	v7 =	vunpack.i.l.bf16.f32 v6;
	v15 =	vunpack.i.u.bf16.f32 v6;
	v5 =	vadd.f32 v4, v1;
	v4 =	vld [tilespmem:s26+$0x7080]  }
0xae: {  	v11 =	vld [tilespmem:s26+$0x7090];
	v9 =	vadd.f32 v3, v1;
	v3 =	vunpack.i.l.bf16.f32 v8;
	v7 =	vadd.f32 v7, v1  }
0xaf: {  	v12 =	vld [tilespmem:s26+$0x70A0];
	v13 =	vunpack.i.u.bf16.f32 v8;
	v8 =	vadd.f32 v15, v1;
	v6 =	vadd.f32 v3, v1  }
0xb0: {  	s23 =	sor.u32 $0x1, s20;
	s24 =	simm.s32 $0x200;
	v3 =	vadd.f32 v10, v1;
	v10 =	vadd.f32 v14, v1  }
.LBB2_7:
0xb1: {  	s25 =	sshra.s32 s24, $0x2;
	p1 =	sne.s32 s24, $0xC00;
	s24 =	sadd.s32 $0x100, s24;
	v14 =	vunpack.i.u.bf16.f32 v2;
	v15 =	vunpack.i.l.bf16.f32 v2;
	v1 =	vadd.f32 v13, v1  }
.Ltmp2:
0xb2: {  	v2 =	vld [tilespmem:s25+$0x70B0];
	v16 =	vunpack.i.u.bf16.f32 v4;
	v13 =	vunpack.i.l.bf16.f32 v4;
	v5 =	vadd.f32 v14, v5;
	(pc) =	sbr.rel @p1 .LBB2_7-.Ltmp2, $4  }
0xb3: {  	v4 =	vld [tilespmem:s25+$0x7080];
	v14 =	vunpack.i.u.bf16.f32 v11;
	v17 =	vunpack.i.l.bf16.f32 v11;
	v9 =	vadd.f32 v13, v9  }
0xb4: {  	v11 =	vld [tilespmem:s25+$0x7090];
	v13 =	vunpack.i.u.bf16.f32 v12;
	v18 =	vunpack.i.l.bf16.f32 v12;
	v7 =	vadd.f32 v17, v7  }
0xb5: {  	v3 =	vadd.f32 v15, v3;
	v12 =	vld [tilespmem:s25+$0x70A0];
	v6 =	vadd.f32 v18, v6  }
0xb6: {  	v10 =	vadd.f32 v16, v10;
	v8 =	vadd.f32 v14, v8  }
0xb7: {  	s24 =	smul.u32 $0x1A0, s23;
	_ =	sdelay $0x1  }
0xb8: {  	s24 =	sshra.s32 s24, $0x2  }
0xb9: {  	v14 =	vld [tilespmem:s24+$0x0]  }
0xba: {  	v15 =	vld [tilespmem:s24+$0x10]  }
0xbb: {  	v16 =	vld [tilespmem:s24+$0x20]  }
0xbc: {  	v17 =	vld [tilespmem:s24+$0x30];
	_ =	sdelay $0x2  }
0xbd: {  	vm2 =	vne.s32 v14, $0x0  }
0xbe: {  	vm3 =	vne.s32 v15, $0x0;
	v14 =	vsel vm2, $0x1, v0  }
0xbf: {  	vm2 =	vne.s32 v16, $0x0;
	v15 =	vsel vm3, $0x1, v0;
	vm3 =	vne.s32 v17, $0x0  }
0xc0: {  	v16 =	vsel vm2, $0x1, v0;
	v14 =	vadd.s32 v14, v15;
	v15 =	vsel vm3, $0x1, v0  }
0xc1: {  	v14 =	vadd.s32 v16, v14;
	v15 =	vnsel vm0, $0x0, v15  }
0xc2: {  	v14 =	vadd.s32 v15, v14  }
0xc3: {  	(xrf0) =	vadd.scan.msk.s32 $0xffff, v14;
	_ =	sdelay $0x5  }
0xc4: {  	v14, _, _ =	vpop (xrf0)  }
0xc5: {  	(v2sf) =	vpush v14, $0xF;
	_ =	sdelay $0xe  }
0xc6: {  	s25 =	spop (v2sf)  }
0xc7: {  	s25 =	scvt.s32.f32 s25;
	_ =	sdelay $0x1  }
0xc8: {  	s26 =	sshll.u32 s23, $0x6;
	v1 =	vadd.f32 v13, v1;
	s25 =	smax.f32 s25, $1.000000000e+00  }
0xc9: {  	s26 =	sand.u32 $0x3FFFFFC0, s26;
	v13 =	vunpack.i.l.bf16.f32 v4;
	v4 =	vunpack.i.u.bf16.f32 v4;
	v15 =	vmov s25  }
0xca: {  	v9 =	vadd.f32 v13, v9;
	v13 =	vunpack.i.l.bf16.f32 v11;
	(erf) = vrcp.f32 v15;
	v15 =	vld [tilespmem:s26+$0x8400]  }
0xcb: {  	v11 =	vunpack.i.u.bf16.f32 v11;
	v14 =	vunpack.i.u.bf16.f32 v2;
	v2 =	vunpack.i.l.bf16.f32 v2  }
0xcc: {  	v7 =	vadd.f32 v13, v7;
	v13 =	vunpack.i.l.bf16.f32 v12;
	v2 =	vadd.f32 v2, v3  }
0xcd: {  	v12 =	vunpack.i.u.bf16.f32 v12;
	v3 =	vadd.f32 v4, v10;
	v4 =	vadd.f32 v11, v8;
	s25 =	sshll.u32 s23, $0x7  }
0xce: {  	v6 =	vadd.f32 v13, v6;
	v1 =	vadd.f32 v12, v1;
	s25 =	sand.u32 $0x3FFFFF80, s25  }
0xcf: {  	v5 =	vadd.f32 v14, v5;
	v3 =	vadd.f32 v4, v3;
	[tilespmem:s25+$0xC400] =	vst v15  }
0xd0: {  	v7 =	vadd.f32 v7, v9;
	v2 =	vadd.f32 v2, v6;
	v6 =	vld [tilespmem:s26+$0x8410]  }
0xd1: {  	v1 =	vadd.f32 v5, v1  }
0xd2: {  	v2 =	vadd.f32 v2, v7  }
0xd3: {  	v1 =	vadd.f32 v1, v3;
	v3 =	vpop (erf)  }
0xd4: {  	v2 =	vmul.f32 v3, v2  }
0xd5: {  	v1 =	vmul.f32 v3, v1;
	[tilespmem:s25+$0xC410] =	vst v6  }
0xd6: {  	[tilespmem:s25+$0xC420] =	vst v2  }
0xd7: {  	s26 =	simm.s32 $0x0;
	[tilespmem:s25+$0xC430] =	vst v1  }
0xd8: {  	v2 =	vld [tilespmem:s26+$0x73F0]  }
0xd9: {  	v3 =	vld [tilespmem:s26+$0x73C0]  }
0xda: {  	v6 =	vld [tilespmem:s26+$0x73D0]  }
0xdb: {  	v7 =	vld [tilespmem:s26+$0x73E0];
	_ =	sdelay $0x1  }
0xdc: {  	v1 =	vimm.f32 $0.0e+00;
	s26 =	simm.s32 $0x40;
	v4 =	vunpack.i.u.bf16.f32 v2  }
0xdd: {  	v9 =	vunpack.i.l.bf16.f32 v2;
	v14 =	vunpack.i.u.bf16.f32 v3;
	v2 =	vld [tilespmem:s26+$0x73F0];
	v3 =	vunpack.i.l.bf16.f32 v3  }
0xde: {  	v8 =	vunpack.i.l.bf16.f32 v6;
	v15 =	vunpack.i.u.bf16.f32 v6;
	v5 =	vadd.f32 v4, v1;
	v4 =	vld [tilespmem:s26+$0x73C0]  }
0xdf: {  	v11 =	vld [tilespmem:s26+$0x73D0];
	v10 =	vadd.f32 v3, v1;
	v3 =	vunpack.i.l.bf16.f32 v7;
	v8 =	vadd.f32 v8, v1  }
0xe0: {  	v12 =	vld [tilespmem:s26+$0x73E0];
	v13 =	vunpack.i.u.bf16.f32 v7;
	v7 =	vadd.f32 v15, v1;
	v6 =	vadd.f32 v3, v1  }
0xe1: {  	s25 =	simm.s32 $0x200;
	v3 =	vadd.f32 v9, v1;
	v9 =	vadd.f32 v14, v1  }
.LBB2_9:
0xe2: {  	s26 =	sshra.s32 s25, $0x2;
	p1 =	sne.s32 s25, $0xC00;
	s25 =	sadd.s32 $0x100, s25;
	v14 =	vunpack.i.u.bf16.f32 v2;
	v15 =	vunpack.i.l.bf16.f32 v2;
	v1 =	vadd.f32 v13, v1  }
.Ltmp3:
0xe3: {  	v2 =	vld [tilespmem:s26+$0x73F0];
	v16 =	vunpack.i.u.bf16.f32 v4;
	v13 =	vunpack.i.l.bf16.f32 v4;
	v5 =	vadd.f32 v14, v5;
	(pc) =	sbr.rel @p1 .LBB2_9-.Ltmp3, $4  }
0xe4: {  	v4 =	vld [tilespmem:s26+$0x73C0];
	v14 =	vunpack.i.u.bf16.f32 v11;
	v17 =	vunpack.i.l.bf16.f32 v11;
	v10 =	vadd.f32 v13, v10  }
0xe5: {  	v11 =	vld [tilespmem:s26+$0x73D0];
	v13 =	vunpack.i.u.bf16.f32 v12;
	v18 =	vunpack.i.l.bf16.f32 v12;
	v8 =	vadd.f32 v17, v8  }
0xe6: {  	v3 =	vadd.f32 v15, v3;
	v12 =	vld [tilespmem:s26+$0x73E0];
	v6 =	vadd.f32 v18, v6  }
0xe7: {  	v9 =	vadd.f32 v16, v9;
	v7 =	vadd.f32 v14, v7  }
0xe8: {  	v14 =	vld [tilespmem:s24+$0x30]  }
0xe9: {  	v15 =	vld [tilespmem:s24+$0x40]  }
0xea: {  	v16 =	vld [tilespmem:s24+$0x50]  }
0xeb: {  	v17 =	vld [tilespmem:s24+$0x58];
	_ =	sdelay $0x2  }
0xec: {  	vm2 =	vne.s32 v14, $0x0  }
0xed: {  	vm3 =	vne.s32 v16, $0x0;
	v14 =	vsel vm2, $0x1, v0;
	vm2 =	vne.s32 v15, $0x0  }
0xee: {  	v14 =	vsel vm0, $0x0, v14;
	v15 =	vsel vm2, $0x1, v0;
	vm2 =	vne.s32 v17, $0x0  }
0xef: {  	v16 =	vsel vm3, $0x1, v0;
	v14 =	vadd.s32 v15, v14;
	v15 =	vsel vm2, $0x1, v0  }
0xf0: {  	v14 =	vadd.s32 v16, v14;
	v15 =	vsel vm1, $0x0, v15  }
0xf1: {  	v14 =	vadd.s32 v15, v14  }
0xf2: {  	(xrf0) =	vadd.scan.msk.s32 $0xffff, v14;
	_ =	sdelay $0x5  }
0xf3: {  	v14, _, _ =	vpop (xrf0)  }
0xf4: {  	(v2sf) =	vpush v14, $0xF;
	_ =	sdelay $0xe  }
0xf5: {  	s26 =	spop (v2sf)  }
0xf6: {  	s24 =	scvt.s32.f32 s26  }
0xf7: {  	s23 =	sshllo.u32 s23, $0x1  }
0xf8: {  	v1 =	vadd.f32 v13, v1;
	s25 =	sshll.u32 s23, $0x5;
	s24 =	smax.f32 s24, $1.000000000e+00  }
0xf9: {  	v13 =	vunpack.i.l.bf16.f32 v4;
	v4 =	vunpack.i.u.bf16.f32 v4;
	s25 =	sand.u32 $0x3FFFFFE0, s25;
	v15 =	vmov s24  }
0xfa: {  	v10 =	vadd.f32 v13, v10;
	v13 =	vunpack.i.l.bf16.f32 v11;
	(erf) = vrcp.f32 v15;
	v15 =	vld [tilespmem:s25+$0x8400]  }
0xfb: {  	v11 =	vunpack.i.u.bf16.f32 v11;
	v14 =	vunpack.i.u.bf16.f32 v2;
	v2 =	vunpack.i.l.bf16.f32 v2  }
0xfc: {  	v8 =	vadd.f32 v13, v8;
	v13 =	vunpack.i.l.bf16.f32 v12;
	v2 =	vadd.f32 v2, v3  }
0xfd: {  	s23 =	sshll.u32 s23, $0x6;
	v12 =	vunpack.i.u.bf16.f32 v12;
	v3 =	vadd.f32 v4, v9;
	v4 =	vadd.f32 v11, v7  }
0xfe: {  	s23 =	sand.u32 $0x3FFFFFC0, s23;
	v6 =	vadd.f32 v13, v6;
	v1 =	vadd.f32 v12, v1  }
0xff: {  	v5 =	vadd.f32 v14, v5;
	v3 =	vadd.f32 v4, v3;
	[tilespmem:s23+$0xC400] =	vst v15  }
0x100: {  	v7 =	vadd.f32 v8, v10;
	v2 =	vadd.f32 v2, v6;
	v6 =	vld [tilespmem:s25+$0x8410]  }
0x101: {  	v1 =	vadd.f32 v5, v1  }
0x102: {  	v2 =	vadd.f32 v2, v7  }
0x103: {  	v1 =	vadd.f32 v1, v3;
	v3 =	vpop (erf)  }
0x104: {  	v2 =	vmul.f32 v3, v2  }
0x105: {  	v1 =	vmul.f32 v3, v1;
	[tilespmem:s23+$0xC410] =	vst v6  }
0x106: {  	[tilespmem:s23+$0xC420] =	vst v2  }
0x107: {  	s24 =	simm.s32 @!p0 $0x68;
	s25 =	simm.s32 @!p0 $0x7080;
	[tilespmem:s23+$0xC430] =	vst v1;
	s23 =	sadd.s32 @!p0 $0x208, s19  }
0x108: {  	[tilespmem:s25], [sflag:$0x2] =	stream.indirect.gather @!p0 [spmem:s2], $0x10, s23, s24, $0xb8;
	[tilespmem:$0x19220] =	vst v63  }
0x109: {  	_ =	swait.ge [sflag:s1], $0x680  }
0x10a: {  	[sflag:s1] =	ssyncset.done $0x0  }
0x10b: {  	s25 =	simm.s32 $0x0;
	[sflag:s1] =	ssyncadd.s32 $0xFFFFF980  }
0x10c: {  	v2 =	vld [tilespmem:s25+$0x7730]  }
0x10d: {  	v3 =	vld [tilespmem:s25+$0x7700]  }
0x10e: {  	v6 =	vld [tilespmem:s25+$0x7710]  }
0x10f: {  	v8 =	vld [tilespmem:s25+$0x7720];
	_ =	sdelay $0x1  }
0x110: {  	s26 =	simm.s32 $0x40;
	v1 =	vimm.f32 $0.0e+00;
	v4 =	vunpack.i.u.bf16.f32 v2  }
0x111: {  	v10 =	vunpack.i.l.bf16.f32 v2;
	v14 =	vunpack.i.u.bf16.f32 v3;
	v2 =	vld [tilespmem:s26+$0x7730];
	v3 =	vunpack.i.l.bf16.f32 v3  }
0x112: {  	v7 =	vunpack.i.l.bf16.f32 v6;
	v15 =	vunpack.i.u.bf16.f32 v6;
	v5 =	vadd.f32 v4, v1;
	v4 =	vld [tilespmem:s26+$0x7700]  }
0x113: {  	v11 =	vld [tilespmem:s26+$0x7710];
	v9 =	vadd.f32 v3, v1;
	v3 =	vunpack.i.l.bf16.f32 v8;
	v7 =	vadd.f32 v7, v1  }
0x114: {  	v12 =	vld [tilespmem:s26+$0x7720];
	v13 =	vunpack.i.u.bf16.f32 v8;
	v8 =	vadd.f32 v15, v1;
	v6 =	vadd.f32 v3, v1  }
0x115: {  	s20 =	sor.u32 $0x2, s20;
	s23 =	simm.s32 $0x200;
	v3 =	vadd.f32 v10, v1;
	v10 =	vadd.f32 v14, v1  }
.LBB2_11:
0x116: {  	s24 =	sshra.s32 s23, $0x2;
	p1 =	sne.s32 s23, $0xC00;
	s23 =	sadd.s32 $0x100, s23;
	v14 =	vunpack.i.u.bf16.f32 v2;
	v15 =	vunpack.i.l.bf16.f32 v2;
	v1 =	vadd.f32 v13, v1  }
.Ltmp4:
0x117: {  	v2 =	vld [tilespmem:s24+$0x7730];
	v16 =	vunpack.i.u.bf16.f32 v4;
	v13 =	vunpack.i.l.bf16.f32 v4;
	v5 =	vadd.f32 v14, v5;
	(pc) =	sbr.rel @p1 .LBB2_11-.Ltmp4, $4  }
0x118: {  	v4 =	vld [tilespmem:s24+$0x7700];
	v14 =	vunpack.i.u.bf16.f32 v11;
	v17 =	vunpack.i.l.bf16.f32 v11;
	v9 =	vadd.f32 v13, v9  }
0x119: {  	v11 =	vld [tilespmem:s24+$0x7710];
	v13 =	vunpack.i.u.bf16.f32 v12;
	v18 =	vunpack.i.l.bf16.f32 v12;
	v7 =	vadd.f32 v17, v7  }
0x11a: {  	v3 =	vadd.f32 v15, v3;
	v12 =	vld [tilespmem:s24+$0x7720];
	v6 =	vadd.f32 v18, v6  }
0x11b: {  	v10 =	vadd.f32 v16, v10;
	v8 =	vadd.f32 v14, v8  }
0x11c: {  	s23 =	smul.u32 $0x1A0, s20;
	_ =	sdelay $0x1  }
0x11d: {  	s23 =	sshra.s32 s23, $0x2  }
0x11e: {  	v14 =	vld [tilespmem:s23+$0x0]  }
0x11f: {  	v15 =	vld [tilespmem:s23+$0x10]  }
0x120: {  	v16 =	vld [tilespmem:s23+$0x20]  }
0x121: {  	v17 =	vld [tilespmem:s23+$0x30];
	_ =	sdelay $0x2  }
0x122: {  	vm2 =	vne.s32 v14, $0x0  }
0x123: {  	vm3 =	vne.s32 v15, $0x0;
	v14 =	vsel vm2, $0x1, v0  }
0x124: {  	vm2 =	vne.s32 v16, $0x0;
	v15 =	vsel vm3, $0x1, v0;
	vm3 =	vne.s32 v17, $0x0  }
0x125: {  	v16 =	vsel vm2, $0x1, v0;
	v14 =	vadd.s32 v14, v15;
	v15 =	vsel vm3, $0x1, v0  }
0x126: {  	v14 =	vadd.s32 v16, v14;
	v15 =	vnsel vm0, $0x0, v15  }
0x127: {  	v14 =	vadd.s32 v15, v14  }
0x128: {  	(xrf0) =	vadd.scan.msk.s32 $0xffff, v14;
	_ =	sdelay $0x5  }
0x129: {  	v14, _, _ =	vpop (xrf0)  }
0x12a: {  	(v2sf) =	vpush v14, $0xF;
	_ =	sdelay $0xe  }
0x12b: {  	s24 =	spop (v2sf)  }
0x12c: {  	s24 =	scvt.s32.f32 s24;
	_ =	sdelay $0x1  }
0x12d: {  	s25 =	sshll.u32 s20, $0x6;
	v1 =	vadd.f32 v13, v1;
	s24 =	smax.f32 s24, $1.000000000e+00  }
0x12e: {  	s25 =	sand.u32 $0x3FFFFFC0, s25;
	v13 =	vunpack.i.l.bf16.f32 v4;
	v4 =	vunpack.i.u.bf16.f32 v4;
	v15 =	vmov s24  }
0x12f: {  	v9 =	vadd.f32 v13, v9;
	v13 =	vunpack.i.l.bf16.f32 v11;
	(erf) = vrcp.f32 v15;
	v15 =	vld [tilespmem:s25+$0x8400]  }
0x130: {  	v11 =	vunpack.i.u.bf16.f32 v11;
	v14 =	vunpack.i.u.bf16.f32 v2;
	v2 =	vunpack.i.l.bf16.f32 v2  }
0x131: {  	v7 =	vadd.f32 v13, v7;
	v13 =	vunpack.i.l.bf16.f32 v12;
	v2 =	vadd.f32 v2, v3  }
0x132: {  	s26 =	sshll.u32 s20, $0x7;
	v12 =	vunpack.i.u.bf16.f32 v12;
	v3 =	vadd.f32 v4, v10;
	v4 =	vadd.f32 v11, v8  }
0x133: {  	v6 =	vadd.f32 v13, v6;
	v1 =	vadd.f32 v12, v1;
	s24 =	sand.u32 $0x3FFFFF80, s26  }
0x134: {  	v5 =	vadd.f32 v14, v5;
	v3 =	vadd.f32 v4, v3;
	[tilespmem:s24+$0xC400] =	vst v15  }
0x135: {  	v7 =	vadd.f32 v7, v9;
	v2 =	vadd.f32 v2, v6;
	v6 =	vld [tilespmem:s25+$0x8410]  }
0x136: {  	v1 =	vadd.f32 v5, v1  }
0x137: {  	v2 =	vadd.f32 v2, v7  }
0x138: {  	v1 =	vadd.f32 v1, v3;
	v3 =	vpop (erf)  }
0x139: {  	v2 =	vmul.f32 v3, v2  }
0x13a: {  	v1 =	vmul.f32 v3, v1;
	[tilespmem:s24+$0xC410] =	vst v6  }
0x13b: {  	[tilespmem:s24+$0xC420] =	vst v2  }
0x13c: {  	s25 =	simm.s32 $0x0;
	[tilespmem:s24+$0xC430] =	vst v1  }
0x13d: {  	v2 =	vld [tilespmem:s25+$0x7A70]  }
0x13e: {  	v3 =	vld [tilespmem:s25+$0x7A40]  }
0x13f: {  	v6 =	vld [tilespmem:s25+$0x7A50]  }
0x140: {  	v7 =	vld [tilespmem:s25+$0x7A60];
	_ =	sdelay $0x1  }
0x141: {  	s26 =	simm.s32 $0x40;
	v1 =	vimm.f32 $0.0e+00;
	v4 =	vunpack.i.u.bf16.f32 v2  }
0x142: {  	v9 =	vunpack.i.l.bf16.f32 v2;
	v14 =	vunpack.i.u.bf16.f32 v3;
	v2 =	vld [tilespmem:s26+$0x7A70];
	v3 =	vunpack.i.l.bf16.f32 v3  }
0x143: {  	v8 =	vunpack.i.l.bf16.f32 v6;
	v15 =	vunpack.i.u.bf16.f32 v6;
	v5 =	vadd.f32 v4, v1;
	v4 =	vld [tilespmem:s26+$0x7A40]  }
0x144: {  	v11 =	vld [tilespmem:s26+$0x7A50];
	v10 =	vadd.f32 v3, v1;
	v3 =	vunpack.i.l.bf16.f32 v7;
	v8 =	vadd.f32 v8, v1  }
0x145: {  	v12 =	vld [tilespmem:s26+$0x7A60];
	v13 =	vunpack.i.u.bf16.f32 v7;
	v7 =	vadd.f32 v15, v1;
	v6 =	vadd.f32 v3, v1  }
0x146: {  	s24 =	simm.s32 $0x200;
	v3 =	vadd.f32 v9, v1;
	v9 =	vadd.f32 v14, v1  }
.LBB2_13:
0x147: {  	s25 =	sshra.s32 s24, $0x2;
	p1 =	sne.s32 s24, $0xC00;
	s24 =	sadd.s32 $0x100, s24;
	v14 =	vunpack.i.u.bf16.f32 v2;
	v15 =	vunpack.i.l.bf16.f32 v2;
	v1 =	vadd.f32 v13, v1  }
.Ltmp5:
0x148: {  	v2 =	vld [tilespmem:s25+$0x7A70];
	v16 =	vunpack.i.u.bf16.f32 v4;
	v13 =	vunpack.i.l.bf16.f32 v4;
	v5 =	vadd.f32 v14, v5;
	(pc) =	sbr.rel @p1 .LBB2_13-.Ltmp5, $4  }
0x149: {  	v4 =	vld [tilespmem:s25+$0x7A40];
	v14 =	vunpack.i.u.bf16.f32 v11;
	v17 =	vunpack.i.l.bf16.f32 v11;
	v10 =	vadd.f32 v13, v10  }
0x14a: {  	v11 =	vld [tilespmem:s25+$0x7A50];
	v13 =	vunpack.i.u.bf16.f32 v12;
	v18 =	vunpack.i.l.bf16.f32 v12;
	v8 =	vadd.f32 v17, v8  }
0x14b: {  	v3 =	vadd.f32 v15, v3;
	v12 =	vld [tilespmem:s25+$0x7A60];
	v6 =	vadd.f32 v18, v6  }
0x14c: {  	v9 =	vadd.f32 v16, v9;
	v7 =	vadd.f32 v14, v7  }
0x14d: {  	v14 =	vld [tilespmem:s23+$0x30]  }
0x14e: {  	v15 =	vld [tilespmem:s23+$0x40]  }
0x14f: {  	v16 =	vld [tilespmem:s23+$0x50]  }
0x150: {  	v17 =	vld [tilespmem:s23+$0x58];
	_ =	sdelay $0x2  }
0x151: {  	vm2 =	vne.s32 v14, $0x0  }
0x152: {  	vm3 =	vne.s32 v16, $0x0;
	v14 =	vsel vm2, $0x1, v0;
	vm2 =	vne.s32 v15, $0x0  }
0x153: {  	v14 =	vsel vm0, $0x0, v14;
	v15 =	vsel vm2, $0x1, v0;
	vm2 =	vne.s32 v17, $0x0  }
0x154: {  	v16 =	vsel vm3, $0x1, v0;
	v14 =	vadd.s32 v15, v14;
	v15 =	vsel vm2, $0x1, v0  }
0x155: {  	v14 =	vadd.s32 v16, v14;
	v15 =	vsel vm1, $0x0, v15  }
0x156: {  	v14 =	vadd.s32 v15, v14  }
0x157: {  	(xrf0) =	vadd.scan.msk.s32 $0xffff, v14;
	_ =	sdelay $0x5  }
0x158: {  	v14, _, _ =	vpop (xrf0)  }
0x159: {  	(v2sf) =	vpush v14, $0xF;
	_ =	sdelay $0xe  }
0x15a: {  	s24 =	spop (v2sf)  }
0x15b: {  	s23 =	scvt.s32.f32 s24  }
0x15c: {  	s20 =	sshllo.u32 s20, $0x1  }
0x15d: {  	v1 =	vadd.f32 v13, v1;
	s24 =	sshll.u32 s20, $0x5;
	s23 =	smax.f32 s23, $1.000000000e+00  }
0x15e: {  	v13 =	vunpack.i.l.bf16.f32 v4;
	v4 =	vunpack.i.u.bf16.f32 v4;
	s24 =	sand.u32 $0x3FFFFFE0, s24;
	v15 =	vmov s23  }
0x15f: {  	v10 =	vadd.f32 v13, v10;
	v13 =	vunpack.i.l.bf16.f32 v11;
	(erf) = vrcp.f32 v15;
	v15 =	vld [tilespmem:s24+$0x8400]  }
0x160: {  	v11 =	vunpack.i.u.bf16.f32 v11;
	v14 =	vunpack.i.u.bf16.f32 v2;
	v2 =	vunpack.i.l.bf16.f32 v2  }
0x161: {  	v8 =	vadd.f32 v13, v8;
	v13 =	vunpack.i.l.bf16.f32 v12;
	v2 =	vadd.f32 v2, v3  }
0x162: {  	v12 =	vunpack.i.u.bf16.f32 v12;
	v3 =	vadd.f32 v4, v9;
	v4 =	vadd.f32 v11, v7;
	s20 =	sshll.u32 s20, $0x6  }
0x163: {  	v6 =	vadd.f32 v13, v6;
	v1 =	vadd.f32 v12, v1;
	s20 =	sand.u32 $0x3FFFFFC0, s20  }
0x164: {  	v5 =	vadd.f32 v14, v5;
	v3 =	vadd.f32 v4, v3;
	[tilespmem:s20+$0xC400] =	vst v15  }
0x165: {  	v7 =	vadd.f32 v8, v10;
	v2 =	vadd.f32 v2, v6;
	v6 =	vld [tilespmem:s24+$0x8410]  }
0x166: {  	v1 =	vadd.f32 v5, v1  }
0x167: {  	v2 =	vadd.f32 v2, v7  }
0x168: {  	v1 =	vadd.f32 v1, v3;
	v3 =	vpop (erf)  }
0x169: {  	v2 =	vmul.f32 v3, v2  }
0x16a: {  	v1 =	vmul.f32 v3, v1;
	[tilespmem:s20+$0xC410] =	vst v6  }
0x16b: {  	[tilespmem:s20+$0xC420] =	vst v2  }
0x16c: {  	s19 =	sadd.s32 @!p0 $0x270, s19;
	s23 =	simm.s32 @!p0 $0x7700;
	[tilespmem:s20+$0xC430] =	vst v1;
	s20 =	simm.s32 @!p0 $0x68  }
0x16d: {  	[tilespmem:s23], [sflag:$0x3] =	stream.indirect.gather @!p0 [spmem:s2], $0x10, s19, s20, $0xb8;
	[tilespmem:$0x19220] =	vst v63  }
0x16e: {  	_ =	swait.ge [sflag:s0], $0x680  }
0x16f: {  	[sflag:s0] =	ssyncset.done $0x0  }
0x170: {  	s25 =	simm.s32 $0x0;
	[sflag:s0] =	ssyncadd.s32 $0xFFFFF980  }
0x171: {  	v2 =	vld [tilespmem:s25+$0x7DB0]  }
0x172: {  	v3 =	vld [tilespmem:s25+$0x7D80]  }
0x173: {  	v6 =	vld [tilespmem:s25+$0x7D90]  }
0x174: {  	v7 =	vld [tilespmem:s25+$0x7DA0];
	_ =	sdelay $0x1  }
0x175: {  	s26 =	simm.s32 $0x40;
	v1 =	vimm.f32 $0.0e+00;
	v4 =	vunpack.i.u.bf16.f32 v2  }
0x176: {  	v9 =	vunpack.i.l.bf16.f32 v2;
	v14 =	vunpack.i.u.bf16.f32 v3;
	v2 =	vld [tilespmem:s26+$0x7DB0];
	v3 =	vunpack.i.l.bf16.f32 v3  }
0x177: {  	v8 =	vunpack.i.l.bf16.f32 v6;
	v15 =	vunpack.i.u.bf16.f32 v6;
	v5 =	vadd.f32 v4, v1;
	v4 =	vld [tilespmem:s26+$0x7D80]  }
0x178: {  	v11 =	vld [tilespmem:s26+$0x7D90];
	v10 =	vadd.f32 v3, v1;
	v3 =	vunpack.i.l.bf16.f32 v7;
	v8 =	vadd.f32 v8, v1  }
0x179: {  	v12 =	vld [tilespmem:s26+$0x7DA0];
	v13 =	vunpack.i.u.bf16.f32 v7;
	v7 =	vadd.f32 v15, v1;
	v6 =	vadd.f32 v3, v1  }
0x17a: {  	s19 =	simm.s32 $0x200;
	v3 =	vadd.f32 v9, v1;
	v9 =	vadd.f32 v14, v1  }
.LBB2_15:
0x17b: {  	s20 =	sshra.s32 s19, $0x2;
	p0 =	sne.s32 s19, $0xC00;
	s19 =	sadd.s32 $0x100, s19;
	v14 =	vunpack.i.u.bf16.f32 v2;
	v15 =	vunpack.i.l.bf16.f32 v2;
	v1 =	vadd.f32 v13, v1  }
.Ltmp6:
0x17c: {  	v2 =	vld [tilespmem:s20+$0x7DB0];
	v16 =	vunpack.i.u.bf16.f32 v4;
	v13 =	vunpack.i.l.bf16.f32 v4;
	v5 =	vadd.f32 v14, v5;
	(pc) =	sbr.rel @p0 .LBB2_15-.Ltmp6, $4  }
0x17d: {  	v4 =	vld [tilespmem:s20+$0x7D80];
	v14 =	vunpack.i.u.bf16.f32 v11;
	v17 =	vunpack.i.l.bf16.f32 v11;
	v10 =	vadd.f32 v13, v10  }
0x17e: {  	v11 =	vld [tilespmem:s20+$0x7D90];
	v13 =	vunpack.i.u.bf16.f32 v12;
	v18 =	vunpack.i.l.bf16.f32 v12;
	v8 =	vadd.f32 v17, v8  }
0x17f: {  	v3 =	vadd.f32 v15, v3;
	v12 =	vld [tilespmem:s20+$0x7DA0];
	v6 =	vadd.f32 v18, v6  }
0x180: {  	v9 =	vadd.f32 v16, v9;
	v7 =	vadd.f32 v14, v7  }
0x181: {  	v14 =	vld [tilespmem:s18+$0x0]  }
0x182: {  	v15 =	vld [tilespmem:s18+$0x10]  }
0x183: {  	v16 =	vld [tilespmem:s18+$0x20]  }
0x184: {  	v17 =	vld [tilespmem:s18+$0x30];
	_ =	sdelay $0x2  }
0x185: {  	vm2 =	vne.s32 v14, $0x0  }
0x186: {  	vm3 =	vne.s32 v15, $0x0;
	v14 =	vsel vm2, $0x1, v0  }
0x187: {  	vm2 =	vne.s32 v16, $0x0;
	v15 =	vsel vm3, $0x1, v0;
	vm3 =	vne.s32 v17, $0x0  }
0x188: {  	v16 =	vsel vm2, $0x1, v0;
	v14 =	vadd.s32 v14, v15;
	v15 =	vsel vm3, $0x1, v0  }
0x189: {  	v14 =	vadd.s32 v16, v14;
	v15 =	vnsel vm0, $0x0, v15  }
0x18a: {  	v14 =	vadd.s32 v15, v14  }
0x18b: {  	(xrf0) =	vadd.scan.msk.s32 $0xffff, v14;
	_ =	sdelay $0x5  }
0x18c: {  	v14, _, _ =	vpop (xrf0)  }
0x18d: {  	(v2sf) =	vpush v14, $0xF;
	_ =	sdelay $0xe  }
0x18e: {  	s19 =	spop (v2sf)  }
0x18f: {  	s19 =	scvt.s32.f32 s19;
	_ =	sdelay $0x1  }
0x190: {  	s20 =	sshll.u32 s17, $0x6;
	v1 =	vadd.f32 v13, v1;
	s19 =	smax.f32 s19, $1.000000000e+00  }
0x191: {  	s20 =	sand.u32 $0x3FFFFFC0, s20;
	v13 =	vunpack.i.l.bf16.f32 v4;
	v4 =	vunpack.i.u.bf16.f32 v4;
	v15 =	vmov s19  }
0x192: {  	v10 =	vadd.f32 v13, v10;
	v13 =	vunpack.i.l.bf16.f32 v11;
	(erf) = vrcp.f32 v15;
	v15 =	vld [tilespmem:s20+$0x8400]  }
0x193: {  	v11 =	vunpack.i.u.bf16.f32 v11;
	v14 =	vunpack.i.u.bf16.f32 v2;
	v2 =	vunpack.i.l.bf16.f32 v2  }
0x194: {  	v8 =	vadd.f32 v13, v8;
	v13 =	vunpack.i.l.bf16.f32 v12;
	v2 =	vadd.f32 v2, v3  }
0x195: {  	s24 =	sshll.u32 s17, $0x7;
	v12 =	vunpack.i.u.bf16.f32 v12;
	v3 =	vadd.f32 v4, v9;
	v4 =	vadd.f32 v11, v7  }
0x196: {  	v6 =	vadd.f32 v13, v6;
	v1 =	vadd.f32 v12, v1;
	s19 =	sand.u32 $0x3FFFFF80, s24  }
0x197: {  	v5 =	vadd.f32 v14, v5;
	v3 =	vadd.f32 v4, v3;
	[tilespmem:s19+$0xC400] =	vst v15  }
0x198: {  	v7 =	vadd.f32 v8, v10;
	v2 =	vadd.f32 v2, v6;
	v6 =	vld [tilespmem:s20+$0x8410]  }
0x199: {  	v1 =	vadd.f32 v5, v1  }
0x19a: {  	v2 =	vadd.f32 v2, v7  }
0x19b: {  	v1 =	vadd.f32 v1, v3;
	v3 =	vpop (erf)  }
0x19c: {  	v2 =	vmul.f32 v3, v2  }
0x19d: {  	v1 =	vmul.f32 v3, v1;
	[tilespmem:s19+$0xC410] =	vst v6  }
0x19e: {  	[tilespmem:s19+$0xC420] =	vst v2  }
0x19f: {  	s25 =	simm.s32 $0x0;
	[tilespmem:s19+$0xC430] =	vst v1  }
0x1a0: {  	v2 =	vld [tilespmem:s25+$0x80F0]  }
0x1a1: {  	v3 =	vld [tilespmem:s25+$0x80C0]  }
0x1a2: {  	v6 =	vld [tilespmem:s25+$0x80D0]  }
0x1a3: {  	v7 =	vld [tilespmem:s25+$0x80E0];
	_ =	sdelay $0x1  }
0x1a4: {  	s26 =	simm.s32 $0x40;
	v1 =	vimm.f32 $0.0e+00;
	v4 =	vunpack.i.u.bf16.f32 v2  }
0x1a5: {  	v9 =	vunpack.i.l.bf16.f32 v2;
	v14 =	vunpack.i.u.bf16.f32 v3;
	v2 =	vld [tilespmem:s26+$0x80F0];
	v3 =	vunpack.i.l.bf16.f32 v3  }
0x1a6: {  	v8 =	vunpack.i.l.bf16.f32 v6;
	v15 =	vunpack.i.u.bf16.f32 v6;
	v5 =	vadd.f32 v4, v1;
	v4 =	vld [tilespmem:s26+$0x80C0]  }
0x1a7: {  	v11 =	vld [tilespmem:s26+$0x80D0];
	v10 =	vadd.f32 v3, v1;
	v3 =	vunpack.i.l.bf16.f32 v7;
	v8 =	vadd.f32 v8, v1  }
0x1a8: {  	v12 =	vld [tilespmem:s26+$0x80E0];
	v13 =	vunpack.i.u.bf16.f32 v7;
	v7 =	vadd.f32 v15, v1;
	v6 =	vadd.f32 v3, v1  }
0x1a9: {  	s19 =	simm.s32 $0x200;
	v3 =	vadd.f32 v9, v1;
	v9 =	vadd.f32 v14, v1  }
.LBB2_17:
0x1aa: {  	s20 =	sshra.s32 s19, $0x2;
	p0 =	sne.s32 s19, $0xC00;
	s19 =	sadd.s32 $0x100, s19;
	v14 =	vunpack.i.u.bf16.f32 v2;
	v15 =	vunpack.i.l.bf16.f32 v2;
	v1 =	vadd.f32 v13, v1  }
.Ltmp7:
0x1ab: {  	v2 =	vld [tilespmem:s20+$0x80F0];
	v16 =	vunpack.i.u.bf16.f32 v4;
	v13 =	vunpack.i.l.bf16.f32 v4;
	v5 =	vadd.f32 v14, v5;
	(pc) =	sbr.rel @p0 .LBB2_17-.Ltmp7, $4  }
0x1ac: {  	v4 =	vld [tilespmem:s20+$0x80C0];
	v14 =	vunpack.i.u.bf16.f32 v11;
	v17 =	vunpack.i.l.bf16.f32 v11;
	v10 =	vadd.f32 v13, v10  }
0x1ad: {  	v11 =	vld [tilespmem:s20+$0x80D0];
	v13 =	vunpack.i.u.bf16.f32 v12;
	v18 =	vunpack.i.l.bf16.f32 v12;
	v8 =	vadd.f32 v17, v8  }
0x1ae: {  	v3 =	vadd.f32 v15, v3;
	v12 =	vld [tilespmem:s20+$0x80E0];
	v6 =	vadd.f32 v18, v6  }
0x1af: {  	v9 =	vadd.f32 v16, v9;
	v7 =	vadd.f32 v14, v7  }
0x1b0: {  	v14 =	vld [tilespmem:s18+$0x30]  }
0x1b1: {  	v15 =	vld [tilespmem:s18+$0x40]  }
0x1b2: {  	v16 =	vld [tilespmem:s18+$0x50]  }
0x1b3: {  	v17 =	vld [tilespmem:s18+$0x58];
	_ =	sdelay $0x2  }
0x1b4: {  	vm2 =	vne.s32 v14, $0x0  }
0x1b5: {  	vm3 =	vne.s32 v16, $0x0;
	v14 =	vsel vm2, $0x1, v0;
	vm2 =	vne.s32 v15, $0x0  }
0x1b6: {  	v14 =	vsel vm0, $0x0, v14;
	v15 =	vsel vm2, $0x1, v0;
	vm2 =	vne.s32 v17, $0x0  }
0x1b7: {  	v16 =	vsel vm3, $0x1, v0;
	v14 =	vadd.s32 v15, v14;
	v51 =	vsel vm2, $0x1, v0  }
0x1b8: {  	v14 =	vadd.s32 v16, v14;
	v15 =	vsel vm1, $0x0, v51  }
0x1b9: {  	v14 =	vadd.s32 v15, v14  }
0x1ba: {  	(xrf0) =	vadd.scan.msk.s32 $0xffff, v14;
	_ =	sdelay $0x5  }
0x1bb: {  	v14, _, _ =	vpop (xrf0)  }
0x1bc: {  	(v2sf) =	vpush v14, $0xF;
	_ =	sdelay $0xe  }
0x1bd: {  	s26 =	spop (v2sf)  }
0x1be: {  	s18 =	scvt.s32.f32 s26  }
0x1bf: {  	s17 =	sshllo.u32 s17, $0x1  }
0x1c0: {  	s19 =	sshll.u32 s17, $0x5;
	s18 =	smax.f32 s18, $1.000000000e+00  }
0x1c1: {  	v52 =	vunpack.i.u.bf16.f32 v2;
	v1 =	vadd.f32 v13, v1;
	s19 =	sand.u32 $0x3FFFFFE0, s19;
	v53 =	vmov s18  }
0x1c2: {  	v2 =	vunpack.i.l.bf16.f32 v2;
	v54 =	vunpack.i.l.bf16.f32 v4;
	v55 =	vld [tilespmem:s19+$0x8400];
	(erf) = vrcp.f32 v53  }
0x1c3: {  	v5 =	vadd.f32 v52, v5;
	v58 =	vunpack.i.u.bf16.f32 v4;
	v2 =	vadd.f32 v2, v3  }
0x1c4: {  	v10 =	vadd.f32 v54, v10;
	v56 =	vunpack.i.l.bf16.f32 v11;
	v59 =	vunpack.i.u.bf16.f32 v11  }
0x1c5: {  	s17 =	sshll.u32 s17, $0x6;
	v3 =	vadd.f32 v58, v9;
	v57 =	vunpack.i.l.bf16.f32 v12;
	v61 =	vadd.f32 v59, v7  }
0x1c6: {  	s17 =	sand.u32 $0x3FFFFFC0, s17;
	v8 =	vadd.f32 v56, v8;
	v60 =	vunpack.i.u.bf16.f32 v12;
	v6 =	vadd.f32 v57, v6  }
0x1c7: {  	v1 =	vadd.f32 v60, v1;
	v3 =	vadd.f32 v61, v3;
	[tilespmem:s17+$0xC400] =	vst v55  }
0x1c8: {  	v62 =	vadd.f32 v8, v10;
	v2 =	vadd.f32 v2, v6;
	v63 =	vld [tilespmem:s19+$0x8410]  }
0x1c9: {  	s16 =	sadd.s32 $0x1, s16;
	v1 =	vadd.f32 v5, v1  }
0x1ca: {  	p0 =	sne.s32 s16, $0x40;
	v2 =	vadd.f32 v2, v62  }
.Ltmp8:
0x1cb: {  	v1 =	vadd.f32 v1, v3;
	v3 =	vpop (erf);
	(pc) =	sbr.rel @p0 .LBB2_2-.Ltmp8, $4  }
0x1cc: {  	v2 =	vmul.f32 v3, v2  }
0x1cd: {  	[tilespmem:s17+$0xC410] =	vst v63;
	v1 =	vmul.f32 v3, v1  }
0x1ce: {  	[tilespmem:s17+$0xC420] =	vst v2  }
0x1cf: {  	[tilespmem:s17+$0xC430] =	vst v1  }
0x1d0: {  	s15 =	sadd.s32 $0x1, s15  }
0x1d1: {  	p0 =	sne.s32 s15, s10  }
.Ltmp9:
0x1d2: {  	_ = 	snop;
	(pc) =	sbr.rel @p0 .LBB2_1-.Ltmp9, $4  }
0x1d3: {  	[hbm4b:s9+s3] =	stream.linear.scatter [tilespmem:s14], [sflag:$0x6], $0x8000, $0x38;
	[tilespmem:$0x19220] =	vst v63  }
0x1d4: {  	_ =	swait.ge [sflag:s11], $0x8000  }
0x1d5: {  	[sflag:s11] =	ssyncset.done $0x0  }
0x1d6: {  	[sflag:s11] =	ssyncadd.s32 $0xFFFF8000  }
0x1d7: {  	_ =	sfence.sel $0x180000  }
0x1d8: {  	[bflag:$0x0] =	sbarrier.arrive $0xFFFF  }
0x1d9: {  	_ =	strace $0x90000047  }
0x1da: {  	s0 =	stileid.u32;
	[bflag:$0x2] =	sbarrier.arrive $0xFFFF  }
0x1db: {  	p0 =	sne.s32 s0, $0x0;
	s0 =	rddreg [dreg:$0x4]  }
0x1dc: {  	s0 =	sadd.s32 @!p0 $0x100000, s0  }
0x1dd: {  	[sflag:s0] =	ssyncadd.tile.s32 @!p0 $0x1;
	_ =	shalt  }
.Lfunc_end2:
_tile_overlayer_lowered:
.L_overlay_start_2:
0x1de: {  	(tag) =	ssettag $0x2  }
0x1df: {  	s0 =	rddreg [dreg:$0x0];
	s2 =	stileid.u32  }
0x1e0: {  	s1 =	rddreg [dreg:$0x1];
	p0 =	sne.s32 s2, $0x0  }
0x1e1: {  	s3 =	rddreg [dreg:$0x2];
	[bflag:$0x3] =	sbarrier.arrive $0xFFFF;
	s2 =	simm.s32 @!p0 $0x1C06  }
0x1e2: {  	[timem:s3], [sflag:s2] =	dma.local @!p0 [hbm:s0], s1  }
0x1e3: {  	s0 =	simm.s32 @!p0 $0x6  }
0x1e4: {  	_ =	swait.ge @!p0 [sflag:s0], s1  }
0x1e5: {  	s1 =	ssub.s32 @!p0 $0x0, s1;
	[sflag:s0] =	ssyncset.done @!p0 $0x0  }
0x1e6: {  	[sflag:s0] =	ssyncadd.s32 @!p0 s1  }
0x1e7: {  	[bflag:$0x3] =	sbarrier.arrive $0xFFFF  }
0x1e8: {  	_ =	shalt  }

</sc_bundles>
